<compile_context>
chip_gen: v7x
topology: tpu7x:2x2x1
jax: 0.10.2.dev20260603
libtpu: 0.0.44.dev20260713+nightly
codegen_flags: <defaults>
</compile_context>

<pallas_src>
import dataclasses
import functools

import jax
import jax.numpy as jnp
from jax import lax
from jax.experimental import pallas as pl
from jax.experimental.pallas import tpu as pltpu
from jax.experimental.pallas import tpu_sc as plsc

N = 10000
NP = 10240
D = 128
DH = 256
E = 320000
NC, NS = 2, 16
NW = NC * NS
B = 128
EP = 327680
JB = EP // (NW * B)
NB_ROWS = EP // B
RPS = NP // NS

CH = 40
JB0 = 80
JB1 = 80

def _mesh_fn():
    return plsc.VectorSubcoreMesh(core_axis_name="c", subcore_axis_name="s")


def _f32(*shape):
    return jax.ShapeDtypeStruct(shape, jnp.float32)


L = 16


def _sc_degree(dstb):
    cp = pltpu.CompilerParams()
    if "needs_layout_passes" in pltpu.CompilerParams.__dataclass_fields__:
        cp = dataclasses.replace(cp, needs_layout_passes=False)

    @functools.partial(
        pl.kernel,
        out_type=_f32(NC * NP),
        mesh=_mesh_fn(),
        compiler_params=cp,
        scratch_types=[
            pltpu.VMEM((JB, B), jnp.int32),
            pltpu.VMEM((NP,), jnp.float32),
            pltpu.VMEM((NS, RPS), jnp.float32),
            pltpu.VMEM((RPS,), jnp.float32),
            pltpu.VMEM_SHARED((NS, NP), jnp.float32),
        ],
    )
    def k(dst_hbm, out_hbm, idx_v, hist, buf, res, stage_sh):
        cid = lax.axis_index("c")
        sid = lax.axis_index("s")
        w = cid * NS + sid
        pltpu.sync_copy(dst_hbm.at[pl.ds(w * JB, JB)], idx_v)

        zeros = jnp.zeros((L,), jnp.float32)
        ones = jnp.ones((L,), jnp.float32)

        @pl.loop(0, NP, step=L)
        def _(i):
            hist[pl.ds(i, L)] = zeros

        @pl.loop(0, JB)
        def _(j):
            @pl.loop(0, B, step=L)
            def _(c):
                plsc.addupdate_scatter(hist, [idx_v[j, pl.ds(c, L)]], ones)

        pltpu.sync_copy(hist, stage_sh.at[sid])
        plsc.subcore_barrier()
        pltpu.sync_copy(stage_sh.at[:, pl.ds(sid * RPS, RPS)], buf)

        @pl.loop(0, RPS, step=L)
        def _(i):
            acc = buf[0, pl.ds(i, L)]
            for r in range(1, NS):
                acc = acc + buf[r, pl.ds(i, L)]
            res[pl.ds(i, L)] = acc

        pltpu.sync_copy(res, out_hbm.at[pl.ds(cid * NP + sid * RPS, RPS)])

    return k(dstb)


NBUF = 2


def _sc_aggregate(u, srcb, dstb, zeros128):
    @functools.partial(
        pl.kernel,
        out_type=_f32(NC * NP, D),
        mesh=_mesh_fn(),
        scratch_types=[
            pltpu.VMEM((CH, B), jnp.int32),
            pltpu.VMEM((CH, B), jnp.int32),
        ] + [pltpu.VMEM((B, D), jnp.float32)] * NBUF
          + [pltpu.VMEM_SHARED((NP, D), jnp.float32)]
          + [pltpu.SemaphoreType.DMA] * NBUF,
    )
    def k(u_hbm, src_hbm, dst_hbm, zeros_hbm, out_hbm,
          srcv, dstv, *rest):
        rows = rest[:NBUF]
        acc_sh = rest[NBUF]
        gsem = rest[NBUF + 1:]
        cid = lax.axis_index("c")
        sid = lax.axis_index("s")

        pltpu.sync_copy(zeros_hbm.at[pl.ds(sid * RPS, RPS)],
                        acc_sh.at[pl.ds(sid * RPS, RPS)])
        plsc.subcore_barrier()

        def process_chunk(base):
            pltpu.sync_copy(src_hbm.at[pl.ds(base, CH)], srcv)
            pltpu.sync_copy(dst_hbm.at[pl.ds(base, CH)], dstv)

            for b in range(NBUF):
                pltpu.async_copy(u_hbm.at[srcv.at[b]], rows[b], gsem[b])

            @pl.loop(0, CH - NBUF, step=NBUF)
            def _(g):
                for b in range(NBUF):
                    j = g + b
                    pltpu.make_async_copy(u_hbm.at[srcv.at[j]],
                                          rows[b], gsem[b]).wait()
                    pltpu.sync_copy(rows[b], acc_sh.at[dstv.at[j]], add=True)
                    pltpu.async_copy(u_hbm.at[srcv.at[j + NBUF]],
                                     rows[b], gsem[b])

            for b in range(NBUF):
                j = CH - NBUF + b
                pltpu.make_async_copy(u_hbm.at[srcv.at[j]],
                                      rows[b], gsem[b]).wait()
                pltpu.sync_copy(rows[b], acc_sh.at[dstv.at[j]], add=True)

        @pl.when(cid == 0)
        def _():
            for c in range(JB0 // CH):
                process_chunk(sid * JB0 + c * CH)

        @pl.when(cid == 1)
        def _():
            for c in range(JB1 // CH):
                process_chunk(NS * JB0 + sid * JB1 + c * CH)

        plsc.subcore_barrier()
        pltpu.sync_copy(acc_sh.at[pl.ds(sid * RPS, RPS)],
                        out_hbm.at[pl.ds(cid * NP + sid * RPS, RPS)])

    return k(u, srcb, dstb, zeros128)


_R = 2048
_G = NP // _R


def _tc_prep_body(d0_ref, d1_ref, x_ref, u1_ref, dinv_ref):
    deg = d0_ref[...] + d1_ref[...] + 1.0
    dinv = lax.rsqrt(jnp.maximum(deg, 1e-12))
    dinv_ref[...] = dinv
    u1_ref[...] = dinv * x_ref[...]


def _tc_prep(d0, d1, x_pad):
    return pl.pallas_call(
        _tc_prep_body,
        grid=(_G,),
        in_specs=[
            pl.BlockSpec((_R, 1), lambda i: (i, 0)),
            pl.BlockSpec((_R, 1), lambda i: (i, 0)),
            pl.BlockSpec((_R, D), lambda i: (i, 0)),
        ],
        out_specs=[
            pl.BlockSpec((_R, D), lambda i: (i, 0)),
            pl.BlockSpec((_R, 1), lambda i: (i, 0)),
        ],
        out_shape=[_f32(NP, D), _f32(NP, 1)],
    )(d0, d1, x_pad)


def _tc_mid_body(s0_ref, s1_ref, x_ref, dinv_ref, w1_ref, b1_ref, w2_ref,
                 t_ref, u2_ref):
    dinv = dinv_ref[...]
    agg1 = dinv * (s0_ref[...] + s1_ref[...]) + (dinv * dinv) * x_ref[...]
    h1 = jnp.maximum(
        jnp.dot(agg1, w1_ref[...], preferred_element_type=jnp.float32)
        + b1_ref[...], 0.0)
    t = jnp.dot(h1, w2_ref[...], preferred_element_type=jnp.float32)
    t_ref[...] = t
    u2_ref[...] = dinv * t


def _tc_mid(s1, x_pad, dinv, W1, b1, W2):
    return pl.pallas_call(
        _tc_mid_body,
        grid=(_G,),
        in_specs=[
            pl.BlockSpec((_R, D), lambda i: (i, 0)),
            pl.BlockSpec((_R, D), lambda i: (i + NP // _R, 0)),
            pl.BlockSpec((_R, D), lambda i: (i, 0)),
            pl.BlockSpec((_R, 1), lambda i: (i, 0)),
            pl.BlockSpec((D, DH), lambda i: (0, 0)),
            pl.BlockSpec((1, DH), lambda i: (0, 0)),
            pl.BlockSpec((DH, D), lambda i: (0, 0)),
        ],
        out_specs=[
            pl.BlockSpec((_R, D), lambda i: (i, 0)),
            pl.BlockSpec((_R, D), lambda i: (i, 0)),
        ],
        out_shape=[_f32(NP, D), _f32(NP, D)],
    )(s1, s1, x_pad, dinv, W1, b1, W2)


def _tc_final_body(s0_ref, s1_ref, t_ref, dinv_ref, b2_ref, out_ref):
    dinv = dinv_ref[...]
    out_ref[...] = (dinv * (s0_ref[...] + s1_ref[...])
                    + (dinv * dinv) * t_ref[...] + b2_ref[...])


def _tc_final(s2, t, dinv, b2):
    return pl.pallas_call(
        _tc_final_body,
        grid=(_G,),
        in_specs=[
            pl.BlockSpec((_R, D), lambda i: (i, 0)),
            pl.BlockSpec((_R, D), lambda i: (i + NP // _R, 0)),
            pl.BlockSpec((_R, D), lambda i: (i, 0)),
            pl.BlockSpec((_R, 1), lambda i: (i, 0)),
            pl.BlockSpec((1, D), lambda i: (0, 0)),
        ],
        out_specs=pl.BlockSpec((_R, D), lambda i: (i, 0)),
        out_shape=_f32(NP, D),
    )(s2, s2, t, dinv, b2)


def kernel(x, edge_index, W1, b1, W2, b2):
    src = edge_index[0].astype(jnp.int32)
    dst = edge_index[1].astype(jnp.int32)
    pad = EP - E
    pad_idx = (N + jnp.arange(pad, dtype=jnp.int32) % (NP - N))
    srcb = jnp.concatenate([src, pad_idx]).reshape(NB_ROWS, B)
    dstb = jnp.concatenate([dst, pad_idx]).reshape(NB_ROWS, B)
    x_pad = jnp.concatenate([x, jnp.zeros((NP - N, D), x.dtype)], axis=0)

    zeros128 = jnp.zeros((NP, D), jnp.float32)

    degp = _sc_degree(dstb)
    u1, dinv = _tc_prep(degp[:NP].reshape(NP, 1), degp[NP:].reshape(NP, 1),
                        x_pad)
    s1 = _sc_aggregate(u1, srcb, dstb, zeros128)
    t, u2 = _tc_mid(s1, x_pad, dinv, W1, b1.reshape(1, DH), W2)
    s2 = _sc_aggregate(u2, srcb, dstb, zeros128)
    out = _tc_final(s2, t, dinv, b2.reshape(1, D))
    return out[:N]

# --- scband reference (transcript-rebuilt; emitter-appended) ---
"""Pipeline reference for scband-graph-conv-encoder-89635967467603 (READ-ONLY COPY).

The authoritative reference and input builder live on the scoring server;
editing this copy changes nothing except your own understanding.
"""

import jax, jax.numpy as jnp
import numpy as np

N = 10000
E = 320000
D_IN = 128
D_HID = 256  # 2 * out_channels
D_OUT = 128


def setup_inputs(seed: int = 0) -> dict:
    key = jax.random.key(seed)
    k1, k2, k3, k4, k5, k6 = jax.random.split(key, 6)
    x = jax.random.normal(k1, (N, D_IN), dtype=jnp.float32)
    edge_index = jax.random.randint(k2, (2, E), 0, N)
    # GCN layer 1 params (glorot-ish init)
    W1 = jax.random.normal(k3, (D_IN, D_HID), dtype=jnp.float32) * (1.0 / np.sqrt(D_IN))
    b1 = jnp.zeros((D_HID,), dtype=jnp.float32)
    # GCN layer 2 params
    W2 = jax.random.normal(k4, (D_HID, D_OUT), dtype=jnp.float32) * (1.0 / np.sqrt(D_HID))
    b2 = jnp.zeros((D_OUT,), dtype=jnp.float32)
    return {"x": x, "edge_index": edge_index, "W1": W1, "b1": b1, "W2": W2, "b2": b2}


def gcn_conv(x, edge_index, W, b):
    # GCNConv (cached=True variant): symmetric normalization with self-loops
    n = x.shape[0]
    h = x @ W
    loops = jnp.arange(n, dtype=edge_index.dtype)
    src = jnp.concatenate([edge_index[0], loops])
    dst = jnp.concatenate([edge_index[1], loops])
    deg = jnp.zeros((n,), dtype=h.dtype).at[dst].add(1.0)
    dinv = jax.lax.rsqrt(jnp.maximum(deg, 1e-12))
    norm = dinv[src] * dinv[dst]
    msgs = norm[:, None] * jnp.take(h, src, axis=0)
    out = jnp.zeros((n, h.shape[1]), dtype=h.dtype).at[dst].add(msgs)
    return out + b


def reference(x, edge_index, W1, b1, W2, b2):
    # conv1 -> relu -> dropout (identity in eval mode) -> conv2
    h = jax.nn.relu(gcn_conv(x, edge_index, W1, b1))
    return gcn_conv(h, edge_index, W2, b2)

if __name__ == "__main__":
    import jax
    _d = setup_inputs()
    print(jax.jit(kernel)(*tuple(_d.values())))

</pallas_src>

<mosaic_0001>
#map = affine_map<(d0, d1) -> (0, 0)>
#map1 = affine_map<(d0, d1) -> (0)>
module attributes {stable_mosaic.version = 14 : i64} {
  func.func @k(%arg0: i32, %arg1: i32, %arg2: memref<2560x128xi32, #tpu.memory_space<hbm>>, %arg3: memref<20480xf32, #tpu.memory_space<hbm>>, %arg4: memref<80x128xi32, #tpu.memory_space<vmem>>, %arg5: memref<10240xf32, #tpu.memory_space<vmem>>, %arg6: memref<16x640xf32, #tpu.memory_space<vmem>>, %arg7: memref<640xf32, #tpu.memory_space<vmem>>, %arg8: memref<16x10240xf32, #tpu.memory_space<vmem_shared>>) attributes {dimension_semantics = [#tpu.dimension_semantics<core_parallel>, #tpu.dimension_semantics<subcore_parallel>], iteration_bounds = array<i64: 2, 16>, scalar_prefetch = 0 : i64, scratch_operands = 5 : i64, tpu.core_type = #tpu.core_type<sc_vector_subcore>, window_params = [{transform_indices = #map}, {transform_indices = #map1}]} {
    %mul3A = arith.constant 16 : i32
    %mul3A_0 = arith.muli %arg0, %mul3A : i32
    %add3A = arith.addi %mul3A_0, %arg1 : i32
    %mul3A_1 = arith.constant 80 : i32
    %mul3A_2 = arith.muli %add3A, %mul3A_1 : i32
    "tpu.region"() ({
      %run_scoped3A = tpu.sem_alloc : memref<!tpu.dma_semaphore, #tpu.memory_space<semaphore_mem>>
      %dma_start3A = arith.constant 0 : i32
      %dma_start3A_27 = tpu.memref_slice %arg2[%mul3A_2, %dma_start3A] : memref<2560x128xi32, #tpu.memory_space<hbm>> -> memref<80x128xi32, #tpu.memory_space<hbm>>
      %dma_start3A_28 = arith.constant 0 : i32
      %dma_start3A_29 = tpu.memref_slice %arg2[%mul3A_2, %dma_start3A_28] : memref<2560x128xi32, #tpu.memory_space<hbm>> -> memref<80x128xi32, #tpu.memory_space<hbm>>
      tpu.enqueue_dma source(%dma_start3A_29 : memref<80x128xi32, #tpu.memory_space<hbm>>) target(%arg4 : memref<80x128xi32, #tpu.memory_space<vmem>>) target_semaphore(%run_scoped3A : memref<!tpu.dma_semaphore, #tpu.memory_space<semaphore_mem>>)
      %dma_wait3A = arith.constant 0 : i32
      %dma_wait3A_30 = tpu.memref_slice %arg2[%mul3A_2, %dma_wait3A] : memref<2560x128xi32, #tpu.memory_space<hbm>> -> memref<80x128xi32, #tpu.memory_space<hbm>>
      %dma_wait3A_31 = arith.constant 0 : i32
      %dma_wait3A_32 = tpu.memref_slice %arg2[%mul3A_2, %dma_wait3A_31] : memref<2560x128xi32, #tpu.memory_space<hbm>> -> memref<80x128xi32, #tpu.memory_space<hbm>>
      tpu.wait_dma2 semaphore(%run_scoped3A : memref<!tpu.dma_semaphore, #tpu.memory_space<semaphore_mem>>) src(%dma_wait3A_32 : memref<80x128xi32, #tpu.memory_space<hbm>>) dst(%arg4 : memref<80x128xi32, #tpu.memory_space<vmem>>)
      tpu.yield
    }) : () -> ()
    %broadcast_in_dim3A = arith.constant 0.000000e+00 : f32
    %broadcast_in_dim3A_3 = vector.broadcast %broadcast_in_dim3A : f32 to vector<16xf32>
    %broadcast_in_dim3A_4 = arith.constant 1.000000e+00 : f32
    %broadcast_in_dim3A_5 = vector.broadcast %broadcast_in_dim3A_4 : f32 to vector<16xf32>
    %scan3A = arith.constant 0 : i32
    %scan3A_6 = arith.constant 640 : i32
    %scan3A_7 = arith.addi %scan3A, %scan3A_6 : i32
    %scan3A_8 = arith.constant 1 : i32
    scf.for %scan3A_27 = %scan3A to %scan3A_7 step %scan3A_8  : i32 {
      %mul3A_28 = arith.constant 16 : i32
      %mul3A_29 = arith.muli %scan3A_27, %mul3A_28 : i32
      %add3A_30 = arith.constant 0 : i32
      %add3A_31 = arith.addi %add3A_30, %mul3A_29 : i32
      %swap3A = arith.index_cast %add3A_31 : i32 to index
      %swap3A_32 = tpu.vector_load %arg5[%swap3A] {strides = array<i32>} : memref<10240xf32, #tpu.memory_space<vmem>>, vector<16xf32>,
      tpu.vector_store %arg5[%swap3A], %broadcast_in_dim3A_3 {strides = array<i32>} : memref<10240xf32, #tpu.memory_space<vmem>>, vector<16xf32>,
    }
    %scan3A_9 = arith.constant 640 : i32
    %scan3A_10 = arith.constant 0 : i32
    %scan3A_11 = arith.constant 80 : i32
    %scan3A_12 = arith.addi %scan3A_10, %scan3A_11 : i32
    %scan3A_13 = arith.constant 1 : i32
    scf.for %scan3A_27 = %scan3A_10 to %scan3A_12 step %scan3A_13  : i32 {
      %mul3A_28 = arith.constant 1 : i32
      %mul3A_29 = arith.muli %scan3A_27, %mul3A_28 : i32
      %add3A_30 = arith.constant 0 : i32
      %add3A_31 = arith.addi %add3A_30, %mul3A_29 : i32
      %scan3A_32 = arith.constant 0 : i32
      %scan3A_33 = arith.constant 8 : i32
      %scan3A_34 = arith.addi %scan3A_32, %scan3A_33 : i32
      %scan3A_35 = arith.constant 1 : i32
      scf.for %scan3A_37 = %scan3A_32 to %scan3A_34 step %scan3A_35  : i32 {
        %mul3A_38 = arith.constant 16 : i32
        %mul3A_39 = arith.muli %scan3A_37, %mul3A_38 : i32
        %add3A_40 = arith.constant 0 : i32
        %add3A_41 = arith.addi %add3A_40, %mul3A_39 : i32
        %get3A = arith.index_cast %add3A_31 : i32 to index
        %get3A_42 = arith.index_cast %add3A_41 : i32 to index
        %get3A_43 = tpu.vector_load %arg4[%get3A, %get3A_42] {strides = array<i32>} : memref<80x128xi32, #tpu.memory_space<vmem>>, vector<16xi32>,
        tpu.vector_store_idx %arg5[%get3A_43], %broadcast_in_dim3A_5 {add = true} : memref<10240xf32, #tpu.memory_space<vmem>>[vector<16xi32>], vector<16xf32>,
      }
      %scan3A_36 = arith.constant 8 : i32
    }
    %scan3A_14 = arith.constant 80 : i32
    "tpu.region"() ({
      %run_scoped3A = tpu.sem_alloc : memref<!tpu.dma_semaphore, #tpu.memory_space<semaphore_mem>>
      %dma_start3A = arith.constant 0 : i32
      %dma_start3A_27 = tpu.memref_slice %arg8[%arg1, %dma_start3A] : memref<16x10240xf32, #tpu.memory_space<vmem_shared>> -> memref<1x10240xf32, #tpu.memory_space<vmem_shared>>
      %dma_start3A_28 = tpu.memref_squeeze %dma_start3A_27 : memref<1x10240xf32, #tpu.memory_space<vmem_shared>> -> memref<10240xf32, #tpu.memory_space<vmem_shared>>
      %dma_start3A_29 = arith.constant 0 : i32
      %dma_start3A_30 = tpu.memref_slice %arg8[%arg1, %dma_start3A_29] : memref<16x10240xf32, #tpu.memory_space<vmem_shared>> -> memref<1x10240xf32, #tpu.memory_space<vmem_shared>>
      %dma_start3A_31 = tpu.memref_squeeze %dma_start3A_30 : memref<1x10240xf32, #tpu.memory_space<vmem_shared>> -> memref<10240xf32, #tpu.memory_space<vmem_shared>>
      tpu.enqueue_dma source(%arg5 : memref<10240xf32, #tpu.memory_space<vmem>>) target(%dma_start3A_31 : memref<10240xf32, #tpu.memory_space<vmem_shared>>) target_semaphore(%run_scoped3A : memref<!tpu.dma_semaphore, #tpu.memory_space<semaphore_mem>>)
      %dma_wait3A = arith.constant 0 : i32
      %dma_wait3A_32 = tpu.memref_slice %arg8[%arg1, %dma_wait3A] : memref<16x10240xf32, #tpu.memory_space<vmem_shared>> -> memref<1x10240xf32, #tpu.memory_space<vmem_shared>>
      %dma_wait3A_33 = tpu.memref_squeeze %dma_wait3A_32 : memref<1x10240xf32, #tpu.memory_space<vmem_shared>> -> memref<10240xf32, #tpu.memory_space<vmem_shared>>
      %dma_wait3A_34 = arith.constant 0 : i32
      %dma_wait3A_35 = tpu.memref_slice %arg8[%arg1, %dma_wait3A_34] : memref<16x10240xf32, #tpu.memory_space<vmem_shared>> -> memref<1x10240xf32, #tpu.memory_space<vmem_shared>>
      %dma_wait3A_36 = tpu.memref_squeeze %dma_wait3A_35 : memref<1x10240xf32, #tpu.memory_space<vmem_shared>> -> memref<10240xf32, #tpu.memory_space<vmem_shared>>
      tpu.wait_dma2 semaphore(%run_scoped3A : memref<!tpu.dma_semaphore, #tpu.memory_space<semaphore_mem>>) src(%arg5 : memref<10240xf32, #tpu.memory_space<vmem>>) dst(%dma_wait3A_36 : memref<10240xf32, #tpu.memory_space<vmem_shared>>)
      tpu.yield
    }) : () -> ()
    %barrier3A = arith.constant 0 : index
    tpu.barrier barrier_id(%barrier3A)
    %mul3A_15 = arith.constant 640 : i32
    %mul3A_16 = arith.muli %arg1, %mul3A_15 : i32
    "tpu.region"() ({
      %run_scoped3A = tpu.sem_alloc : memref<!tpu.dma_semaphore, #tpu.memory_space<semaphore_mem>>
      %dma_start3A = arith.constant 0 : i32
      %dma_start3A_27 = tpu.memref_slice %arg8[%dma_start3A, %mul3A_16] : memref<16x10240xf32, #tpu.memory_space<vmem_shared>> -> memref<16x640xf32, #tpu.memory_space<vmem_shared>>
      %dma_start3A_28 = arith.constant 0 : i32
      %dma_start3A_29 = tpu.memref_slice %arg8[%dma_start3A_28, %mul3A_16] : memref<16x10240xf32, #tpu.memory_space<vmem_shared>> -> memref<16x640xf32, #tpu.memory_space<vmem_shared>>
      tpu.enqueue_dma source(%dma_start3A_29 : memref<16x640xf32, #tpu.memory_space<vmem_shared>>) target(%arg6 : memref<16x640xf32, #tpu.memory_space<vmem>>) target_semaphore(%run_scoped3A : memref<!tpu.dma_semaphore, #tpu.memory_space<semaphore_mem>>)
      %dma_wait3A = arith.constant 0 : i32
      %dma_wait3A_30 = tpu.memref_slice %arg8[%dma_wait3A, %mul3A_16] : memref<16x10240xf32, #tpu.memory_space<vmem_shared>> -> memref<16x640xf32, #tpu.memory_space<vmem_shared>>
      %dma_wait3A_31 = arith.constant 0 : i32
      %dma_wait3A_32 = tpu.memref_slice %arg8[%dma_wait3A_31, %mul3A_16] : memref<16x10240xf32, #tpu.memory_space<vmem_shared>> -> memref<16x640xf32, #tpu.memory_space<vmem_shared>>
      tpu.wait_dma2 semaphore(%run_scoped3A : memref<!tpu.dma_semaphore, #tpu.memory_space<semaphore_mem>>) src(%dma_wait3A_32 : memref<16x640xf32, #tpu.memory_space<vmem_shared>>) dst(%arg6 : memref<16x640xf32, #tpu.memory_space<vmem>>)
      tpu.yield
    }) : () -> ()
    %scan3A_17 = arith.constant 0 : i32
    %scan3A_18 = arith.constant 40 : i32
    %scan3A_19 = arith.addi %scan3A_17, %scan3A_18 : i32
    %scan3A_20 = arith.constant 1 : i32
    scf.for %scan3A_27 = %scan3A_17 to %scan3A_19 step %scan3A_20  : i32 {
      %mul3A_28 = arith.constant 16 : i32
      %mul3A_29 = arith.muli %scan3A_27, %mul3A_28 : i32
      %add3A_30 = arith.constant 0 : i32
      %add3A_31 = arith.addi %add3A_30, %mul3A_29 : i32
      %get3A = arith.constant 0 : i32
      %get3A_32 = arith.index_cast %get3A : i32 to index
      %get3A_33 = arith.index_cast %add3A_31 : i32 to index
      %get3A_34 = tpu.vector_load %arg6[%get3A_32, %get3A_33] {strides = array<i32>} : memref<16x640xf32, #tpu.memory_space<vmem>>, vector<16xf32>,
      %get3A_35 = arith.constant 1 : i32
      %get3A_36 = arith.index_cast %get3A_35 : i32 to index
      %get3A_37 = arith.index_cast %add3A_31 : i32 to index
      %get3A_38 = tpu.vector_load %arg6[%get3A_36, %get3A_37] {strides = array<i32>} : memref<16x640xf32, #tpu.memory_space<vmem>>, vector<16xf32>,
      %add3A_39 = arith.addf %get3A_34, %get3A_38 : vector<16xf32>
      %get3A_40 = arith.constant 2 : i32
      %get3A_41 = arith.index_cast %get3A_40 : i32 to index
      %get3A_42 = arith.index_cast %add3A_31 : i32 to index
      %get3A_43 = tpu.vector_load %arg6[%get3A_41, %get3A_42] {strides = array<i32>} : memref<16x640xf32, #tpu.memory_space<vmem>>, vector<16xf32>,
      %add3A_44 = arith.addf %add3A_39, %get3A_43 : vector<16xf32>
      %get3A_45 = arith.constant 3 : i32
      %get3A_46 = arith.index_cast %get3A_45 : i32 to index
      %get3A_47 = arith.index_cast %add3A_31 : i32 to index
      %get3A_48 = tpu.vector_load %arg6[%get3A_46, %get3A_47] {strides = array<i32>} : memref<16x640xf32, #tpu.memory_space<vmem>>, vector<16xf32>,
      %add3A_49 = arith.addf %add3A_44, %get3A_48 : vector<16xf32>
      %get3A_50 = arith.constant 4 : i32
      %get3A_51 = arith.index_cast %get3A_50 : i32 to index
      %get3A_52 = arith.index_cast %add3A_31 : i32 to index
      %get3A_53 = tpu.vector_load %arg6[%get3A_51, %get3A_52] {strides = array<i32>} : memref<16x640xf32, #tpu.memory_space<vmem>>, vector<16xf32>,
      %add3A_54 = arith.addf %add3A_49, %get3A_53 : vector<16xf32>
      %get3A_55 = arith.constant 5 : i32
      %get3A_56 = arith.index_cast %get3A_55 : i32 to index
      %get3A_57 = arith.index_cast %add3A_31 : i32 to index
      %get3A_58 = tpu.vector_load %arg6[%get3A_56, %get3A_57] {strides = array<i32>} : memref<16x640xf32, #tpu.memory_space<vmem>>, vector<16xf32>,
      %add3A_59 = arith.addf %add3A_54, %get3A_58 : vector<16xf32>
      %get3A_60 = arith.constant 6 : i32
      %get3A_61 = arith.index_cast %get3A_60 : i32 to index
      %get3A_62 = arith.index_cast %add3A_31 : i32 to index
      %get3A_63 = tpu.vector_load %arg6[%get3A_61, %get3A_62] {strides = array<i32>} : memref<16x640xf32, #tpu.memory_space<vmem>>, vector<16xf32>,
      %add3A_64 = arith.addf %add3A_59, %get3A_63 : vector<16xf32>
      %get3A_65 = arith.constant 7 : i32
      %get3A_66 = arith.index_cast %get3A_65 : i32 to index
      %get3A_67 = arith.index_cast %add3A_31 : i32 to index
      %get3A_68 = tpu.vector_load %arg6[%get3A_66, %get3A_67] {strides = array<i32>} : memref<16x640xf32, #tpu.memory_space<vmem>>, vector<16xf32>,
      %add3A_69 = arith.addf %add3A_64, %get3A_68 : vector<16xf32>
      %get3A_70 = arith.constant 8 : i32
      %get3A_71 = arith.index_cast %get3A_70 : i32 to index
      %get3A_72 = arith.index_cast %add3A_31 : i32 to index
      %get3A_73 = tpu.vector_load %arg6[%get3A_71, %get3A_72] {strides = array<i32>} : memref<16x640xf32, #tpu.memory_space<vmem>>, vector<16xf32>,
      %add3A_74 = arith.addf %add3A_69, %get3A_73 : vector<16xf32>
      %get3A_75 = arith.constant 9 : i32
      %get3A_76 = arith.index_cast %get3A_75 : i32 to index
      %get3A_77 = arith.index_cast %add3A_31 : i32 to index
      %get3A_78 = tpu.vector_load %arg6[%get3A_76, %get3A_77] {strides = array<i32>} : memref<16x640xf32, #tpu.memory_space<vmem>>, vector<16xf32>,
      %add3A_79 = arith.addf %add3A_74, %get3A_78 : vector<16xf32>
      %get3A_80 = arith.constant 10 : i32
      %get3A_81 = arith.index_cast %get3A_80 : i32 to index
      %get3A_82 = arith.index_cast %add3A_31 : i32 to index
      %get3A_83 = tpu.vector_load %arg6[%get3A_81, %get3A_82] {strides = array<i32>} : memref<16x640xf32, #tpu.memory_space<vmem>>, vector<16xf32>,
      %add3A_84 = arith.addf %add3A_79, %get3A_83 : vector<16xf32>
      %get3A_85 = arith.constant 11 : i32
      %get3A_86 = arith.index_cast %get3A_85 : i32 to index
      %get3A_87 = arith.index_cast %add3A_31 : i32 to index
      %get3A_88 = tpu.vector_load %arg6[%get3A_86, %get3A_87] {strides = array<i32>} : memref<16x640xf32, #tpu.memory_space<vmem>>, vector<16xf32>,
      %add3A_89 = arith.addf %add3A_84, %get3A_88 : vector<16xf32>
      %get3A_90 = arith.constant 12 : i32
      %get3A_91 = arith.index_cast %get3A_90 : i32 to index
      %get3A_92 = arith.index_cast %add3A_31 : i32 to index
      %get3A_93 = tpu.vector_load %arg6[%get3A_91, %get3A_92] {strides = array<i32>} : memref<16x640xf32, #tpu.memory_space<vmem>>, vector<16xf32>,
      %add3A_94 = arith.addf %add3A_89, %get3A_93 : vector<16xf32>
      %get3A_95 = arith.constant 13 : i32
      %get3A_96 = arith.index_cast %get3A_95 : i32 to index
      %get3A_97 = arith.index_cast %add3A_31 : i32 to index
      %get3A_98 = tpu.vector_load %arg6[%get3A_96, %get3A_97] {strides = array<i32>} : memref<16x640xf32, #tpu.memory_space<vmem>>, vector<16xf32>,
      %add3A_99 = arith.addf %add3A_94, %get3A_98 : vector<16xf32>
      %get3A_100 = arith.constant 14 : i32
      %get3A_101 = arith.index_cast %get3A_100 : i32 to index
      %get3A_102 = arith.index_cast %add3A_31 : i32 to index
      %get3A_103 = tpu.vector_load %arg6[%get3A_101, %get3A_102] {strides = array<i32>} : memref<16x640xf32, #tpu.memory_space<vmem>>, vector<16xf32>,
      %add3A_104 = arith.addf %add3A_99, %get3A_103 : vector<16xf32>
      %get3A_105 = arith.constant 15 : i32
      %get3A_106 = arith.index_cast %get3A_105 : i32 to index
      %get3A_107 = arith.index_cast %add3A_31 : i32 to index
      %get3A_108 = tpu.vector_load %arg6[%get3A_106, %get3A_107] {strides = array<i32>} : memref<16x640xf32, #tpu.memory_space<vmem>>, vector<16xf32>,
      %add3A_109 = arith.addf %add3A_104, %get3A_108 : vector<16xf32>
      %swap3A = arith.index_cast %add3A_31 : i32 to index
      %swap3A_110 = tpu.vector_load %arg7[%swap3A] {strides = array<i32>} : memref<640xf32, #tpu.memory_space<vmem>>, vector<16xf32>,
      tpu.vector_store %arg7[%swap3A], %add3A_109 {strides = array<i32>} : memref<640xf32, #tpu.memory_space<vmem>>, vector<16xf32>,
    }
    %scan3A_21 = arith.constant 40 : i32
    %mul3A_22 = arith.constant 10240 : i32
    %mul3A_23 = arith.muli %arg0, %mul3A_22 : i32
    %mul3A_24 = arith.constant 640 : i32
    %mul3A_25 = arith.muli %arg1, %mul3A_24 : i32
    %add3A_26 = arith.addi %mul3A_23, %mul3A_25 : i32
    "tpu.region"() ({
      %run_scoped3A = tpu.sem_alloc : memref<!tpu.dma_semaphore, #tpu.memory_space<semaphore_mem>>
      %dma_start3A = tpu.memref_slice %arg3[%add3A_26] : memref<20480xf32, #tpu.memory_space<hbm>> -> memref<640xf32, #tpu.memory_space<hbm>>
      %dma_start3A_27 = tpu.memref_slice %arg3[%add3A_26] : memref<20480xf32, #tpu.memory_space<hbm>> -> memref<640xf32, #tpu.memory_space<hbm>>
      tpu.enqueue_dma source(%arg7 : memref<640xf32, #tpu.memory_space<vmem>>) target(%dma_start3A_27 : memref<640xf32, #tpu.memory_space<hbm>>) target_semaphore(%run_scoped3A : memref<!tpu.dma_semaphore, #tpu.memory_space<semaphore_mem>>)
      %dma_wait3A = tpu.memref_slice %arg3[%add3A_26] : memref<20480xf32, #tpu.memory_space<hbm>> -> memref<640xf32, #tpu.memory_space<hbm>>
      %dma_wait3A_28 = tpu.memref_slice %arg3[%add3A_26] : memref<20480xf32, #tpu.memory_space<hbm>> -> memref<640xf32, #tpu.memory_space<hbm>>
      tpu.wait_dma2 semaphore(%run_scoped3A : memref<!tpu.dma_semaphore, #tpu.memory_space<semaphore_mem>>) src(%arg7 : memref<640xf32, #tpu.memory_space<vmem>>) dst(%dma_wait3A_28 : memref<640xf32, #tpu.memory_space<hbm>>)
      tpu.yield
    }) : () -> ()
    return
  }
}

#map = affine_map<(d0, d1) -> (0, 0)>
module attributes {stable_mosaic.version = 14 : i64} {
  func.func @k(%arg0: i32, %arg1: i32, %arg2: memref<10240x128xf32, #tpu.memory_space<hbm>>, %arg3: memref<2560x128xi32, #tpu.memory_space<hbm>>, %arg4: memref<2560x128xi32, #tpu.memory_space<hbm>>, %arg5: memref<10240x128xf32, #tpu.memory_space<hbm>>, %arg6: memref<20480x128xf32, #tpu.memory_space<hbm>>, %arg7: memref<40x128xi32, #tpu.memory_space<vmem>>, %arg8: memref<40x128xi32, #tpu.memory_space<vmem>>, %arg9: memref<128x128xf32, #tpu.memory_space<vmem>>, %arg10: memref<128x128xf32, #tpu.memory_space<vmem>>, %arg11: memref<10240x128xf32, #tpu.memory_space<vmem_shared>>, %arg12: memref<!tpu.dma_semaphore, #tpu.memory_space<semaphore_mem>>, %arg13: memref<!tpu.dma_semaphore, #tpu.memory_space<semaphore_mem>>) attributes {dimension_semantics = [#tpu.dimension_semantics<core_parallel>, #tpu.dimension_semantics<subcore_parallel>], iteration_bounds = array<i64: 2, 16>, scalar_prefetch = 0 : i64, scratch_operands = 7 : i64, tpu.core_type = #tpu.core_type<sc_vector_subcore>, window_params = [{transform_indices = #map}, {transform_indices = #map}, {transform_indices = #map}, {transform_indices = #map}, {transform_indices = #map}]} {
    %mul3A = arith.constant 640 : i32
    %mul3A_0 = arith.muli %arg1, %mul3A : i32
    %mul3A_1 = arith.constant 640 : i32
    %mul3A_2 = arith.muli %arg1, %mul3A_1 : i32
    "tpu.region"() ({
      %run_scoped3A = tpu.sem_alloc : memref<!tpu.dma_semaphore, #tpu.memory_space<semaphore_mem>>
      %dma_start3A = arith.constant 0 : i32
      %dma_start3A_17 = tpu.memref_slice %arg11[%mul3A_2, %dma_start3A] : memref<10240x128xf32, #tpu.memory_space<vmem_shared>> -> memref<640x128xf32, #tpu.memory_space<vmem_shared>>
      %dma_start3A_18 = arith.constant 0 : i32
      %dma_start3A_19 = tpu.memref_slice %arg5[%mul3A_0, %dma_start3A_18] : memref<10240x128xf32, #tpu.memory_space<hbm>> -> memref<640x128xf32, #tpu.memory_space<hbm>>
      tpu.enqueue_dma source(%dma_start3A_19 : memref<640x128xf32, #tpu.memory_space<hbm>>) target(%dma_start3A_17 : memref<640x128xf32, #tpu.memory_space<vmem_shared>>) target_semaphore(%run_scoped3A : memref<!tpu.dma_semaphore, #tpu.memory_space<semaphore_mem>>)
      %dma_wait3A = arith.constant 0 : i32
      %dma_wait3A_20 = tpu.memref_slice %arg11[%mul3A_2, %dma_wait3A] : memref<10240x128xf32, #tpu.memory_space<vmem_shared>> -> memref<640x128xf32, #tpu.memory_space<vmem_shared>>
      %dma_wait3A_21 = arith.constant 0 : i32
      %dma_wait3A_22 = tpu.memref_slice %arg5[%mul3A_0, %dma_wait3A_21] : memref<10240x128xf32, #tpu.memory_space<hbm>> -> memref<640x128xf32, #tpu.memory_space<hbm>>
      tpu.wait_dma2 semaphore(%run_scoped3A : memref<!tpu.dma_semaphore, #tpu.memory_space<semaphore_mem>>) src(%dma_wait3A_22 : memref<640x128xf32, #tpu.memory_space<hbm>>) dst(%dma_wait3A_20 : memref<640x128xf32, #tpu.memory_space<vmem_shared>>)
      tpu.yield
    }) : () -> ()
    %barrier3A = arith.constant 0 : index
    tpu.barrier barrier_id(%barrier3A)
    %eq3A = arith.constant 0 : i32
    %eq3A_3 = arith.cmpi eq, %arg0, %eq3A : i32
    %convert_element_type3A = arith.extui %eq3A_3 : i1 to i32
    %cond3A = arith.constant 0 : i32
    %cond3A_4 = arith.cmpi ne, %convert_element_type3A, %cond3A : i32
    scf.if %cond3A_4 {
      %mul3A_17 = arith.constant 80 : i32
      %mul3A_18 = arith.muli %arg1, %mul3A_17 : i32
      %add3A_19 = arith.constant 0 : i32
      %add3A_20 = arith.addi %mul3A_18, %add3A_19 : i32
      "tpu.region"() ({
        %run_scoped3A_91 = tpu.sem_alloc : memref<!tpu.dma_semaphore, #tpu.memory_space<semaphore_mem>>
        %dma_start3A_92 = arith.constant 0 : i32
        %dma_start3A_93 = tpu.memref_slice %arg3[%add3A_20, %dma_start3A_92] : memref<2560x128xi32, #tpu.memory_space<hbm>> -> memref<40x128xi32, #tpu.memory_space<hbm>>
        %dma_start3A_94 = arith.constant 0 : i32
        %dma_start3A_95 = tpu.memref_slice %arg3[%add3A_20, %dma_start3A_94] : memref<2560x128xi32, #tpu.memory_space<hbm>> -> memref<40x128xi32, #tpu.memory_space<hbm>>
        tpu.enqueue_dma source(%dma_start3A_95 : memref<40x128xi32, #tpu.memory_space<hbm>>) target(%arg7 : memref<40x128xi32, #tpu.memory_space<vmem>>) target_semaphore(%run_scoped3A_91 : memref<!tpu.dma_semaphore, #tpu.memory_space<semaphore_mem>>)
        %dma_wait3A_96 = arith.constant 0 : i32
        %dma_wait3A_97 = tpu.memref_slice %arg3[%add3A_20, %dma_wait3A_96] : memref<2560x128xi32, #tpu.memory_space<hbm>> -> memref<40x128xi32, #tpu.memory_space<hbm>>
        %dma_wait3A_98 = arith.constant 0 : i32
        %dma_wait3A_99 = tpu.memref_slice %arg3[%add3A_20, %dma_wait3A_98] : memref<2560x128xi32, #tpu.memory_space<hbm>> -> memref<40x128xi32, #tpu.memory_space<hbm>>
        tpu.wait_dma2 semaphore(%run_scoped3A_91 : memref<!tpu.dma_semaphore, #tpu.memory_space<semaphore_mem>>) src(%dma_wait3A_99 : memref<40x128xi32, #tpu.memory_space<hbm>>) dst(%arg7 : memref<40x128xi32, #tpu.memory_space<vmem>>)
        tpu.yield
      }) : () -> ()
      "tpu.region"() ({
        %run_scoped3A_91 = tpu.sem_alloc : memref<!tpu.dma_semaphore, #tpu.memory_space<semaphore_mem>>
        %dma_start3A_92 = arith.constant 0 : i32
        %dma_start3A_93 = tpu.memref_slice %arg4[%add3A_20, %dma_start3A_92] : memref<2560x128xi32, #tpu.memory_space<hbm>> -> memref<40x128xi32, #tpu.memory_space<hbm>>
        %dma_start3A_94 = arith.constant 0 : i32
        %dma_start3A_95 = tpu.memref_slice %arg4[%add3A_20, %dma_start3A_94] : memref<2560x128xi32, #tpu.memory_space<hbm>> -> memref<40x128xi32, #tpu.memory_space<hbm>>
        tpu.enqueue_dma source(%dma_start3A_95 : memref<40x128xi32, #tpu.memory_space<hbm>>) target(%arg8 : memref<40x128xi32, #tpu.memory_space<vmem>>) target_semaphore(%run_scoped3A_91 : memref<!tpu.dma_semaphore, #tpu.memory_space<semaphore_mem>>)
        %dma_wait3A_96 = arith.constant 0 : i32
        %dma_wait3A_97 = tpu.memref_slice %arg4[%add3A_20, %dma_wait3A_96] : memref<2560x128xi32, #tpu.memory_space<hbm>> -> memref<40x128xi32, #tpu.memory_space<hbm>>
        %dma_wait3A_98 = arith.constant 0 : i32
        %dma_wait3A_99 = tpu.memref_slice %arg4[%add3A_20, %dma_wait3A_98] : memref<2560x128xi32, #tpu.memory_space<hbm>> -> memref<40x128xi32, #tpu.memory_space<hbm>>
        tpu.wait_dma2 semaphore(%run_scoped3A_91 : memref<!tpu.dma_semaphore, #tpu.memory_space<semaphore_mem>>) src(%dma_wait3A_99 : memref<40x128xi32, #tpu.memory_space<hbm>>) dst(%arg8 : memref<40x128xi32, #tpu.memory_space<vmem>>)
        tpu.yield
      }) : () -> ()
      %dma_start3A = arith.constant 0 : i32
      %dma_start3A_21 = arith.constant 0 : i32
      %dma_start3A_22 = tpu.memref_slice %arg7[%dma_start3A, %dma_start3A_21] : memref<40x128xi32, #tpu.memory_space<vmem>> -> memref<1x128xi32, #tpu.memory_space<vmem>>
      %dma_start3A_23 = tpu.memref_squeeze %dma_start3A_22 : memref<1x128xi32, #tpu.memory_space<vmem>> -> memref<128xi32, #tpu.memory_space<vmem>>
      %dma_start3A_24 = arith.constant 0 : i32
      %dma_start3A_25 = arith.constant 0 : i32
      %dma_start3A_26 = tpu.memref_slice %arg2[%dma_start3A_24, %dma_start3A_25] : memref<10240x128xf32, #tpu.memory_space<hbm>> -> memref<10240x128xf32, #tpu.memory_space<hbm>>
      tpu.enqueue_indirect_dma source(%dma_start3A_26 : memref<10240x128xf32, #tpu.memory_space<hbm>>) target(%arg9 : memref<128x128xf32, #tpu.memory_space<vmem>>) offsets(%dma_start3A_23 : memref<128xi32, #tpu.memory_space<vmem>>) semaphore(%arg12 : memref<!tpu.dma_semaphore, #tpu.memory_space<semaphore_mem>>)
      %dma_start3A_27 = arith.constant 1 : i32
      %dma_start3A_28 = arith.constant 0 : i32
      %dma_start3A_29 = tpu.memref_slice %arg7[%dma_start3A_27, %dma_start3A_28] : memref<40x128xi32, #tpu.memory_space<vmem>> -> memref<1x128xi32, #tpu.memory_space<vmem>>
      %dma_start3A_30 = tpu.memref_squeeze %dma_start3A_29 : memref<1x128xi32, #tpu.memory_space<vmem>> -> memref<128xi32, #tpu.memory_space<vmem>>
      %dma_start3A_31 = arith.constant 0 : i32
      %dma_start3A_32 = arith.constant 0 : i32
      %dma_start3A_33 = tpu.memref_slice %arg2[%dma_start3A_31, %dma_start3A_32] : memref<10240x128xf32, #tpu.memory_space<hbm>> -> memref<10240x128xf32, #tpu.memory_space<hbm>>
      tpu.enqueue_indirect_dma source(%dma_start3A_33 : memref<10240x128xf32, #tpu.memory_space<hbm>>) target(%arg10 : memref<128x128xf32, #tpu.memory_space<vmem>>) offsets(%dma_start3A_30 : memref<128xi32, #tpu.memory_space<vmem>>) semaphore(%arg13 : memref<!tpu.dma_semaphore, #tpu.memory_space<semaphore_mem>>)
      %scan3A = arith.constant 0 : i32
      %scan3A_34 = arith.constant 19 : i32
      %scan3A_35 = arith.addi %scan3A, %scan3A_34 : i32
      %scan3A_36 = arith.constant 1 : i32
      scf.for %scan3A_91 = %scan3A to %scan3A_35 step %scan3A_36  : i32 {
        %mul3A_92 = arith.constant 2 : i32
        %mul3A_93 = arith.muli %scan3A_91, %mul3A_92 : i32
        %add3A_94 = arith.constant 0 : i32
        %add3A_95 = arith.addi %add3A_94, %mul3A_93 : i32
        %add3A_96 = arith.constant 0 : i32
        %add3A_97 = arith.addi %add3A_95, %add3A_96 : i32
        %dma_wait3A_98 = arith.constant 0 : i32
        %dma_wait3A_99 = tpu.memref_slice %arg7[%add3A_97, %dma_wait3A_98] : memref<40x128xi32, #tpu.memory_space<vmem>> -> memref<1x128xi32, #tpu.memory_space<vmem>>
        %dma_wait3A_100 = tpu.memref_squeeze %dma_wait3A_99 : memref<1x128xi32, #tpu.memory_space<vmem>> -> memref<128xi32, #tpu.memory_space<vmem>>
        %dma_wait3A_101 = arith.constant 0 : i32
        %dma_wait3A_102 = arith.constant 0 : i32
        %dma_wait3A_103 = tpu.memref_slice %arg2[%dma_wait3A_101, %dma_wait3A_102] : memref<10240x128xf32, #tpu.memory_space<hbm>> -> memref<10240x128xf32, #tpu.memory_space<hbm>>
        tpu.wait_indirect_dma semaphore(%arg12 : memref<!tpu.dma_semaphore, #tpu.memory_space<semaphore_mem>>) src(%dma_wait3A_103 : memref<10240x128xf32, #tpu.memory_space<hbm>>) dst(%arg9 : memref<128x128xf32, #tpu.memory_space<vmem>>)
        "tpu.region"() ({
          %run_scoped3A_128 = tpu.sem_alloc : memref<!tpu.dma_semaphore, #tpu.memory_space<semaphore_mem>>
          %dma_start3A_129 = arith.constant 0 : i32
          %dma_start3A_130 = tpu.memref_slice %arg8[%add3A_97, %dma_start3A_129] : memref<40x128xi32, #tpu.memory_space<vmem>> -> memref<1x128xi32, #tpu.memory_space<vmem>>
          %dma_start3A_131 = tpu.memref_squeeze %dma_start3A_130 : memref<1x128xi32, #tpu.memory_space<vmem>> -> memref<128xi32, #tpu.memory_space<vmem>>
          %dma_start3A_132 = arith.constant 0 : i32
          %dma_start3A_133 = arith.constant 0 : i32
          %dma_start3A_134 = tpu.memref_slice %arg11[%dma_start3A_132, %dma_start3A_133] : memref<10240x128xf32, #tpu.memory_space<vmem_shared>> -> memref<10240x128xf32, #tpu.memory_space<vmem_shared>>
          tpu.enqueue_indirect_dma source(%arg9 : memref<128x128xf32, #tpu.memory_space<vmem>>) target(%dma_start3A_134 : memref<10240x128xf32, #tpu.memory_space<vmem_shared>>) offsets(%dma_start3A_131 : memref<128xi32, #tpu.memory_space<vmem>>) semaphore(%run_scoped3A_128 : memref<!tpu.dma_semaphore, #tpu.memory_space<semaphore_mem>>) {add = true}
          %dma_wait3A_135 = arith.constant 0 : i32
          %dma_wait3A_136 = tpu.memref_slice %arg8[%add3A_97, %dma_wait3A_135] : memref<40x128xi32, #tpu.memory_space<vmem>> -> memref<1x128xi32, #tpu.memory_space<vmem>>
          %dma_wait3A_137 = tpu.memref_squeeze %dma_wait3A_136 : memref<1x128xi32, #tpu.memory_space<vmem>> -> memref<128xi32, #tpu.memory_space<vmem>>
          %dma_wait3A_138 = arith.constant 0 : i32
          %dma_wait3A_139 = arith.constant 0 : i32
          %dma_wait3A_140 = tpu.memref_slice %arg11[%dma_wait3A_138, %dma_wait3A_139] : memref<10240x128xf32, #tpu.memory_space<vmem_shared>> -> memref<10240x128xf32, #tpu.memory_space<vmem_shared>>
          tpu.wait_indirect_dma semaphore(%run_scoped3A_128 : memref<!tpu.dma_semaphore, #tpu.memory_space<semaphore_mem>>) src(%arg9 : memref<128x128xf32, #tpu.memory_space<vmem>>) dst(%dma_wait3A_140 : memref<10240x128xf32, #tpu.memory_space<vmem_shared>>)
          tpu.yield
        }) : () -> ()
        %add3A_104 = arith.constant 2 : i32
        %add3A_105 = arith.addi %add3A_97, %add3A_104 : i32
        %dma_start3A_106 = arith.constant 0 : i32
        %dma_start3A_107 = tpu.memref_slice %arg7[%add3A_105, %dma_start3A_106] : memref<40x128xi32, #tpu.memory_space<vmem>> -> memref<1x128xi32, #tpu.memory_space<vmem>>
        %dma_start3A_108 = tpu.memref_squeeze %dma_start3A_107 : memref<1x128xi32, #tpu.memory_space<vmem>> -> memref<128xi32, #tpu.memory_space<vmem>>
        %dma_start3A_109 = arith.constant 0 : i32
        %dma_start3A_110 = arith.constant 0 : i32
        %dma_start3A_111 = tpu.memref_slice %arg2[%dma_start3A_109, %dma_start3A_110] : memref<10240x128xf32, #tpu.memory_space<hbm>> -> memref<10240x128xf32, #tpu.memory_space<hbm>>
        tpu.enqueue_indirect_dma source(%dma_start3A_111 : memref<10240x128xf32, #tpu.memory_space<hbm>>) target(%arg9 : memref<128x128xf32, #tpu.memory_space<vmem>>) offsets(%dma_start3A_108 : memref<128xi32, #tpu.memory_space<vmem>>) semaphore(%arg12 : memref<!tpu.dma_semaphore, #tpu.memory_space<semaphore_mem>>)
        %add3A_112 = arith.constant 1 : i32
        %add3A_113 = arith.addi %add3A_95, %add3A_112 : i32
        %dma_wait3A_114 = arith.constant 0 : i32
        %dma_wait3A_115 = tpu.memref_slice %arg7[%add3A_113, %dma_wait3A_114] : memref<40x128xi32, #tpu.memory_space<vmem>> -> memref<1x128xi32, #tpu.memory_space<vmem>>
        %dma_wait3A_116 = tpu.memref_squeeze %dma_wait3A_115 : memref<1x128xi32, #tpu.memory_space<vmem>> -> memref<128xi32, #tpu.memory_space<vmem>>
        %dma_wait3A_117 = arith.constant 0 : i32
        %dma_wait3A_118 = arith.constant 0 : i32
        %dma_wait3A_119 = tpu.memref_slice %arg2[%dma_wait3A_117, %dma_wait3A_118] : memref<10240x128xf32, #tpu.memory_space<hbm>> -> memref<10240x128xf32, #tpu.memory_space<hbm>>
        tpu.wait_indirect_dma semaphore(%arg13 : memref<!tpu.dma_semaphore, #tpu.memory_space<semaphore_mem>>) src(%dma_wait3A_119 : memref<10240x128xf32, #tpu.memory_space<hbm>>) dst(%arg10 : memref<128x128xf32, #tpu.memory_space<vmem>>)
        "tpu.region"() ({
          %run_scoped3A_128 = tpu.sem_alloc : memref<!tpu.dma_semaphore, #tpu.memory_space<semaphore_mem>>
          %dma_start3A_129 = arith.constant 0 : i32
          %dma_start3A_130 = tpu.memref_slice %arg8[%add3A_113, %dma_start3A_129] : memref<40x128xi32, #tpu.memory_space<vmem>> -> memref<1x128xi32, #tpu.memory_space<vmem>>
          %dma_start3A_131 = tpu.memref_squeeze %dma_start3A_130 : memref<1x128xi32, #tpu.memory_space<vmem>> -> memref<128xi32, #tpu.memory_space<vmem>>
          %dma_start3A_132 = arith.constant 0 : i32
          %dma_start3A_133 = arith.constant 0 : i32
          %dma_start3A_134 = tpu.memref_slice %arg11[%dma_start3A_132, %dma_start3A_133] : memref<10240x128xf32, #tpu.memory_space<vmem_shared>> -> memref<10240x128xf32, #tpu.memory_space<vmem_shared>>
          tpu.enqueue_indirect_dma source(%arg10 : memref<128x128xf32, #tpu.memory_space<vmem>>) target(%dma_start3A_134 : memref<10240x128xf32, #tpu.memory_space<vmem_shared>>) offsets(%dma_start3A_131 : memref<128xi32, #tpu.memory_space<vmem>>) semaphore(%run_scoped3A_128 : memref<!tpu.dma_semaphore, #tpu.memory_space<semaphore_mem>>) {add = true}
          %dma_wait3A_135 = arith.constant 0 : i32
          %dma_wait3A_136 = tpu.memref_slice %arg8[%add3A_113, %dma_wait3A_135] : memref<40x128xi32, #tpu.memory_space<vmem>> -> memref<1x128xi32, #tpu.memory_space<vmem>>
          %dma_wait3A_137 = tpu.memref_squeeze %dma_wait3A_136 : memref<1x128xi32, #tpu.memory_space<vmem>> -> memref<128xi32, #tpu.memory_space<vmem>>
          %dma_wait3A_138 = arith.constant 0 : i32
          %dma_wait3A_139 = arith.constant 0 : i32
          %dma_wait3A_140 = tpu.memref_slice %arg11[%dma_wait3A_138, %dma_wait3A_139] : memref<10240x128xf32, #tpu.memory_space<vmem_shared>> -> memref<10240x128xf32, #tpu.memory_space<vmem_shared>>
          tpu.wait_indirect_dma semaphore(%run_scoped3A_128 : memref<!tpu.dma_semaphore, #tpu.memory_space<semaphore_mem>>) src(%arg10 : memref<128x128xf32, #tpu.memory_space<vmem>>) dst(%dma_wait3A_140 : memref<10240x128xf32, #tpu.memory_space<vmem_shared>>)
          tpu.yield
        }) : () -> ()
        %add3A_120 = arith.constant 2 : i32
        %add3A_121 = arith.addi %add3A_113, %add3A_120 : i32
        %dma_start3A_122 = arith.constant 0 : i32
        %dma_start3A_123 = tpu.memref_slice %arg7[%add3A_121, %dma_start3A_122] : memref<40x128xi32, #tpu.memory_space<vmem>> -> memref<1x128xi32, #tpu.memory_space<vmem>>
        %dma_start3A_124 = tpu.memref_squeeze %dma_start3A_123 : memref<1x128xi32, #tpu.memory_space<vmem>> -> memref<128xi32, #tpu.memory_space<vmem>>
        %dma_start3A_125 = arith.constant 0 : i32
        %dma_start3A_126 = arith.constant 0 : i32
        %dma_start3A_127 = tpu.memref_slice %arg2[%dma_start3A_125, %dma_start3A_126] : memref<10240x128xf32, #tpu.memory_space<hbm>> -> memref<10240x128xf32, #tpu.memory_space<hbm>>
        tpu.enqueue_indirect_dma source(%dma_start3A_127 : memref<10240x128xf32, #tpu.memory_space<hbm>>) target(%arg10 : memref<128x128xf32, #tpu.memory_space<vmem>>) offsets(%dma_start3A_124 : memref<128xi32, #tpu.memory_space<vmem>>) semaphore(%arg13 : memref<!tpu.dma_semaphore, #tpu.memory_space<semaphore_mem>>)
      }
      %scan3A_37 = arith.constant 19 : i32
      %dma_wait3A = arith.constant 38 : i32
      %dma_wait3A_38 = arith.constant 0 : i32
      %dma_wait3A_39 = tpu.memref_slice %arg7[%dma_wait3A, %dma_wait3A_38] : memref<40x128xi32, #tpu.memory_space<vmem>> -> memref<1x128xi32, #tpu.memory_space<vmem>>
      %dma_wait3A_40 = tpu.memref_squeeze %dma_wait3A_39 : memref<1x128xi32, #tpu.memory_space<vmem>> -> memref<128xi32, #tpu.memory_space<vmem>>
      %dma_wait3A_41 = arith.constant 0 : i32
      %dma_wait3A_42 = arith.constant 0 : i32
      %dma_wait3A_43 = tpu.memref_slice %arg2[%dma_wait3A_41, %dma_wait3A_42] : memref<10240x128xf32, #tpu.memory_space<hbm>> -> memref<10240x128xf32, #tpu.memory_space<hbm>>
      tpu.wait_indirect_dma semaphore(%arg12 : memref<!tpu.dma_semaphore, #tpu.memory_space<semaphore_mem>>) src(%dma_wait3A_43 : memref<10240x128xf32, #tpu.memory_space<hbm>>) dst(%arg9 : memref<128x128xf32, #tpu.memory_space<vmem>>)
      %run_scoped3A = arith.constant 38 : i32
      "tpu.region"() ({
        %run_scoped3A_91 = tpu.sem_alloc : memref<!tpu.dma_semaphore, #tpu.memory_space<semaphore_mem>>
        %dma_start3A_92 = arith.constant 0 : i32
        %dma_start3A_93 = tpu.memref_slice %arg8[%run_scoped3A, %dma_start3A_92] : memref<40x128xi32, #tpu.memory_space<vmem>> -> memref<1x128xi32, #tpu.memory_space<vmem>>
        %dma_start3A_94 = tpu.memref_squeeze %dma_start3A_93 : memref<1x128xi32, #tpu.memory_space<vmem>> -> memref<128xi32, #tpu.memory_space<vmem>>
        %dma_start3A_95 = arith.constant 0 : i32
        %dma_start3A_96 = arith.constant 0 : i32
        %dma_start3A_97 = tpu.memref_slice %arg11[%dma_start3A_95, %dma_start3A_96] : memref<10240x128xf32, #tpu.memory_space<vmem_shared>> -> memref<10240x128xf32, #tpu.memory_space<vmem_shared>>
        tpu.enqueue_indirect_dma source(%arg9 : memref<128x128xf32, #tpu.memory_space<vmem>>) target(%dma_start3A_97 : memref<10240x128xf32, #tpu.memory_space<vmem_shared>>) offsets(%dma_start3A_94 : memref<128xi32, #tpu.memory_space<vmem>>) semaphore(%run_scoped3A_91 : memref<!tpu.dma_semaphore, #tpu.memory_space<semaphore_mem>>) {add = true}
        %dma_wait3A_98 = arith.constant 0 : i32
        %dma_wait3A_99 = tpu.memref_slice %arg8[%run_scoped3A, %dma_wait3A_98] : memref<40x128xi32, #tpu.memory_space<vmem>> -> memref<1x128xi32, #tpu.memory_space<vmem>>
        %dma_wait3A_100 = tpu.memref_squeeze %dma_wait3A_99 : memref<1x128xi32, #tpu.memory_space<vmem>> -> memref<128xi32, #tpu.memory_space<vmem>>
        %dma_wait3A_101 = arith.constant 0 : i32
        %dma_wait3A_102 = arith.constant 0 : i32
        %dma_wait3A_103 = tpu.memref_slice %arg11[%dma_wait3A_101, %dma_wait3A_102] : memref<10240x128xf32, #tpu.memory_space<vmem_shared>> -> memref<10240x128xf32, #tpu.memory_space<vmem_shared>>
        tpu.wait_indirect_dma semaphore(%run_scoped3A_91 : memref<!tpu.dma_semaphore, #tpu.memory_space<semaphore_mem>>) src(%arg9 : memref<128x128xf32, #tpu.memory_space<vmem>>) dst(%dma_wait3A_103 : memref<10240x128xf32, #tpu.memory_space<vmem_shared>>)
        tpu.yield
      }) : () -> ()
      %dma_wait3A_44 = arith.constant 39 : i32
      %dma_wait3A_45 = arith.constant 0 : i32
      %dma_wait3A_46 = tpu.memref_slice %arg7[%dma_wait3A_44, %dma_wait3A_45] : memref<40x128xi32, #tpu.memory_space<vmem>> -> memref<1x128xi32, #tpu.memory_space<vmem>>
      %dma_wait3A_47 = tpu.memref_squeeze %dma_wait3A_46 : memref<1x128xi32, #tpu.memory_space<vmem>> -> memref<128xi32, #tpu.memory_space<vmem>>
      %dma_wait3A_48 = arith.constant 0 : i32
      %dma_wait3A_49 = arith.constant 0 : i32
      %dma_wait3A_50 = tpu.memref_slice %arg2[%dma_wait3A_48, %dma_wait3A_49] : memref<10240x128xf32, #tpu.memory_space<hbm>> -> memref<10240x128xf32, #tpu.memory_space<hbm>>
      tpu.wait_indirect_dma semaphore(%arg13 : memref<!tpu.dma_semaphore, #tpu.memory_space<semaphore_mem>>) src(%dma_wait3A_50 : memref<10240x128xf32, #tpu.memory_space<hbm>>) dst(%arg10 : memref<128x128xf32, #tpu.memory_space<vmem>>)
      %run_scoped3A_51 = arith.constant 39 : i32
      "tpu.region"() ({
        %run_scoped3A_91 = tpu.sem_alloc : memref<!tpu.dma_semaphore, #tpu.memory_space<semaphore_mem>>
        %dma_start3A_92 = arith.constant 0 : i32
        %dma_start3A_93 = tpu.memref_slice %arg8[%run_scoped3A_51, %dma_start3A_92] : memref<40x128xi32, #tpu.memory_space<vmem>> -> memref<1x128xi32, #tpu.memory_space<vmem>>
        %dma_start3A_94 = tpu.memref_squeeze %dma_start3A_93 : memref<1x128xi32, #tpu.memory_space<vmem>> -> memref<128xi32, #tpu.memory_space<vmem>>
        %dma_start3A_95 = arith.constant 0 : i32
        %dma_start3A_96 = arith.constant 0 : i32
        %dma_start3A_97 = tpu.memref_slice %arg11[%dma_start3A_95, %dma_start3A_96] : memref<10240x128xf32, #tpu.memory_space<vmem_shared>> -> memref<10240x128xf32, #tpu.memory_space<vmem_shared>>
        tpu.enqueue_indirect_dma source(%arg10 : memref<128x128xf32, #tpu.memory_space<vmem>>) target(%dma_start3A_97 : memref<10240x128xf32, #tpu.memory_space<vmem_shared>>) offsets(%dma_start3A_94 : memref<128xi32, #tpu.memory_space<vmem>>) semaphore(%run_scoped3A_91 : memref<!tpu.dma_semaphore, #tpu.memory_space<semaphore_mem>>) {add = true}
        %dma_wait3A_98 = arith.constant 0 : i32
        %dma_wait3A_99 = tpu.memref_slice %arg8[%run_scoped3A_51, %dma_wait3A_98] : memref<40x128xi32, #tpu.memory_space<vmem>> -> memref<1x128xi32, #tpu.memory_space<vmem>>
        %dma_wait3A_100 = tpu.memref_squeeze %dma_wait3A_99 : memref<1x128xi32, #tpu.memory_space<vmem>> -> memref<128xi32, #tpu.memory_space<vmem>>
        %dma_wait3A_101 = arith.constant 0 : i32
        %dma_wait3A_102 = arith.constant 0 : i32
        %dma_wait3A_103 = tpu.memref_slice %arg11[%dma_wait3A_101, %dma_wait3A_102] : memref<10240x128xf32, #tpu.memory_space<vmem_shared>> -> memref<10240x128xf32, #tpu.memory_space<vmem_shared>>
        tpu.wait_indirect_dma semaphore(%run_scoped3A_91 : memref<!tpu.dma_semaphore, #tpu.memory_space<semaphore_mem>>) src(%arg10 : memref<128x128xf32, #tpu.memory_space<vmem>>) dst(%dma_wait3A_103 : memref<10240x128xf32, #tpu.memory_space<vmem_shared>>)
        tpu.yield
      }) : () -> ()
      %mul3A_52 = arith.constant 80 : i32
      %mul3A_53 = arith.muli %arg1, %mul3A_52 : i32
      %add3A_54 = arith.constant 40 : i32
      %add3A_55 = arith.addi %mul3A_53, %add3A_54 : i32
      "tpu.region"() ({
        %run_scoped3A_91 = tpu.sem_alloc : memref<!tpu.dma_semaphore, #tpu.memory_space<semaphore_mem>>
        %dma_start3A_92 = arith.constant 0 : i32
        %dma_start3A_93 = tpu.memref_slice %arg3[%add3A_55, %dma_start3A_92] : memref<2560x128xi32, #tpu.memory_space<hbm>> -> memref<40x128xi32, #tpu.memory_space<hbm>>
        %dma_start3A_94 = arith.constant 0 : i32
        %dma_start3A_95 = tpu.memref_slice %arg3[%add3A_55, %dma_start3A_94] : memref<2560x128xi32, #tpu.memory_space<hbm>> -> memref<40x128xi32, #tpu.memory_space<hbm>>
        tpu.enqueue_dma source(%dma_start3A_95 : memref<40x128xi32, #tpu.memory_space<hbm>>) target(%arg7 : memref<40x128xi32, #tpu.memory_space<vmem>>) target_semaphore(%run_scoped3A_91 : memref<!tpu.dma_semaphore, #tpu.memory_space<semaphore_mem>>)
        %dma_wait3A_96 = arith.constant 0 : i32
        %dma_wait3A_97 = tpu.memref_slice %arg3[%add3A_55, %dma_wait3A_96] : memref<2560x128xi32, #tpu.memory_space<hbm>> -> memref<40x128xi32, #tpu.memory_space<hbm>>
        %dma_wait3A_98 = arith.constant 0 : i32
        %dma_wait3A_99 = tpu.memref_slice %arg3[%add3A_55, %dma_wait3A_98] : memref<2560x128xi32, #tpu.memory_space<hbm>> -> memref<40x128xi32, #tpu.memory_space<hbm>>
        tpu.wait_dma2 semaphore(%run_scoped3A_91 : memref<!tpu.dma_semaphore, #tpu.memory_space<semaphore_mem>>) src(%dma_wait3A_99 : memref<40x128xi32, #tpu.memory_space<hbm>>) dst(%arg7 : memref<40x128xi32, #tpu.memory_space<vmem>>)
        tpu.yield
      }) : () -> ()
      "tpu.region"() ({
        %run_scoped3A_91 = tpu.sem_alloc : memref<!tpu.dma_semaphore, #tpu.memory_space<semaphore_mem>>
        %dma_start3A_92 = arith.constant 0 : i32
        %dma_start3A_93 = tpu.memref_slice %arg4[%add3A_55, %dma_start3A_92] : memref<2560x128xi32, #tpu.memory_space<hbm>> -> memref<40x128xi32, #tpu.memory_space<hbm>>
        %dma_start3A_94 = arith.constant 0 : i32
        %dma_start3A_95 = tpu.memref_slice %arg4[%add3A_55, %dma_start3A_94] : memref<2560x128xi32, #tpu.memory_space<hbm>> -> memref<40x128xi32, #tpu.memory_space<hbm>>
        tpu.enqueue_dma source(%dma_start3A_95 : memref<40x128xi32, #tpu.memory_space<hbm>>) target(%arg8 : memref<40x128xi32, #tpu.memory_space<vmem>>) target_semaphore(%run_scoped3A_91 : memref<!tpu.dma_semaphore, #tpu.memory_space<semaphore_mem>>)
        %dma_wait3A_96 = arith.constant 0 : i32
        %dma_wait3A_97 = tpu.memref_slice %arg4[%add3A_55, %dma_wait3A_96] : memref<2560x128xi32, #tpu.memory_space<hbm>> -> memref<40x128xi32, #tpu.memory_space<hbm>>
        %dma_wait3A_98 = arith.constant 0 : i32
        %dma_wait3A_99 = tpu.memref_slice %arg4[%add3A_55, %dma_wait3A_98] : memref<2560x128xi32, #tpu.memory_space<hbm>> -> memref<40x128xi32, #tpu.memory_space<hbm>>
        tpu.wait_dma2 semaphore(%run_scoped3A_91 : memref<!tpu.dma_semaphore, #tpu.memory_space<semaphore_mem>>) src(%dma_wait3A_99 : memref<40x128xi32, #tpu.memory_space<hbm>>) dst(%arg8 : memref<40x128xi32, #tpu.memory_space<vmem>>)
        tpu.yield
      }) : () -> ()
      %dma_start3A_56 = arith.constant 0 : i32
      %dma_start3A_57 = arith.constant 0 : i32
      %dma_start3A_58 = tpu.memref_slice %arg7[%dma_start3A_56, %dma_start3A_57] : memref<40x128xi32, #tpu.memory_space<vmem>> -> memref<1x128xi32, #tpu.memory_space<vmem>>
      %dma_start3A_59 = tpu.memref_squeeze %dma_start3A_58 : memref<1x128xi32, #tpu.memory_space<vmem>> -> memref<128xi32, #tpu.memory_space<vmem>>
      %dma_start3A_60 = arith.constant 0 : i32
      %dma_start3A_61 = arith.constant 0 : i32
      %dma_start3A_62 = tpu.memref_slice %arg2[%dma_start3A_60, %dma_start3A_61] : memref<10240x128xf32, #tpu.memory_space<hbm>> -> memref<10240x128xf32, #tpu.memory_space<hbm>>
      tpu.enqueue_indirect_dma source(%dma_start3A_62 : memref<10240x128xf32, #tpu.memory_space<hbm>>) target(%arg9 : memref<128x128xf32, #tpu.memory_space<vmem>>) offsets(%dma_start3A_59 : memref<128xi32, #tpu.memory_space<vmem>>) semaphore(%arg12 : memref<!tpu.dma_semaphore, #tpu.memory_space<semaphore_mem>>)
      %dma_start3A_63 = arith.constant 1 : i32
      %dma_start3A_64 = arith.constant 0 : i32
      %dma_start3A_65 = tpu.memref_slice %arg7[%dma_start3A_63, %dma_start3A_64] : memref<40x128xi32, #tpu.memory_space<vmem>> -> memref<1x128xi32, #tpu.memory_space<vmem>>
      %dma_start3A_66 = tpu.memref_squeeze %dma_start3A_65 : memref<1x128xi32, #tpu.memory_space<vmem>> -> memref<128xi32, #tpu.memory_space<vmem>>
      %dma_start3A_67 = arith.constant 0 : i32
      %dma_start3A_68 = arith.constant 0 : i32
      %dma_start3A_69 = tpu.memref_slice %arg2[%dma_start3A_67, %dma_start3A_68] : memref<10240x128xf32, #tpu.memory_space<hbm>> -> memref<10240x128xf32, #tpu.memory_space<hbm>>
      tpu.enqueue_indirect_dma source(%dma_start3A_69 : memref<10240x128xf32, #tpu.memory_space<hbm>>) target(%arg10 : memref<128x128xf32, #tpu.memory_space<vmem>>) offsets(%dma_start3A_66 : memref<128xi32, #tpu.memory_space<vmem>>) semaphore(%arg13 : memref<!tpu.dma_semaphore, #tpu.memory_space<semaphore_mem>>)
      %scan3A_70 = arith.constant 0 : i32
      %scan3A_71 = arith.constant 19 : i32
      %scan3A_72 = arith.addi %scan3A_70, %scan3A_71 : i32
      %scan3A_73 = arith.constant 1 : i32
      scf.for %scan3A_91 = %scan3A_70 to %scan3A_72 step %scan3A_73  : i32 {
        %mul3A_92 = arith.constant 2 : i32
        %mul3A_93 = arith.muli %scan3A_91, %mul3A_92 : i32
        %add3A_94 = arith.constant 0 : i32
        %add3A_95 = arith.addi %add3A_94, %mul3A_93 : i32
        %add3A_96 = arith.constant 0 : i32
        %add3A_97 = arith.addi %add3A_95, %add3A_96 : i32
        %dma_wait3A_98 = arith.constant 0 : i32
        %dma_wait3A_99 = tpu.memref_slice %arg7[%add3A_97, %dma_wait3A_98] : memref<40x128xi32, #tpu.memory_space<vmem>> -> memref<1x128xi32, #tpu.memory_space<vmem>>
        %dma_wait3A_100 = tpu.memref_squeeze %dma_wait3A_99 : memref<1x128xi32, #tpu.memory_space<vmem>> -> memref<128xi32, #tpu.memory_space<vmem>>
        %dma_wait3A_101 = arith.constant 0 : i32
        %dma_wait3A_102 = arith.constant 0 : i32
        %dma_wait3A_103 = tpu.memref_slice %arg2[%dma_wait3A_101, %dma_wait3A_102] : memref<10240x128xf32, #tpu.memory_space<hbm>> -> memref<10240x128xf32, #tpu.memory_space<hbm>>
        tpu.wait_indirect_dma semaphore(%arg12 : memref<!tpu.dma_semaphore, #tpu.memory_space<semaphore_mem>>) src(%dma_wait3A_103 : memref<10240x128xf32, #tpu.memory_space<hbm>>) dst(%arg9 : memref<128x128xf32, #tpu.memory_space<vmem>>)
        "tpu.region"() ({
          %run_scoped3A_128 = tpu.sem_alloc : memref<!tpu.dma_semaphore, #tpu.memory_space<semaphore_mem>>
          %dma_start3A_129 = arith.constant 0 : i32
          %dma_start3A_130 = tpu.memref_slice %arg8[%add3A_97, %dma_start3A_129] : memref<40x128xi32, #tpu.memory_space<vmem>> -> memref<1x128xi32, #tpu.memory_space<vmem>>
          %dma_start3A_131 = tpu.memref_squeeze %dma_start3A_130 : memref<1x128xi32, #tpu.memory_space<vmem>> -> memref<128xi32, #tpu.memory_space<vmem>>
          %dma_start3A_132 = arith.constant 0 : i32
          %dma_start3A_133 = arith.constant 0 : i32
          %dma_start3A_134 = tpu.memref_slice %arg11[%dma_start3A_132, %dma_start3A_133] : memref<10240x128xf32, #tpu.memory_space<vmem_shared>> -> memref<10240x128xf32, #tpu.memory_space<vmem_shared>>
          tpu.enqueue_indirect_dma source(%arg9 : memref<128x128xf32, #tpu.memory_space<vmem>>) target(%dma_start3A_134 : memref<10240x128xf32, #tpu.memory_space<vmem_shared>>) offsets(%dma_start3A_131 : memref<128xi32, #tpu.memory_space<vmem>>) semaphore(%run_scoped3A_128 : memref<!tpu.dma_semaphore, #tpu.memory_space<semaphore_mem>>) {add = true}
          %dma_wait3A_135 = arith.constant 0 : i32
          %dma_wait3A_136 = tpu.memref_slice %arg8[%add3A_97, %dma_wait3A_135] : memref<40x128xi32, #tpu.memory_space<vmem>> -> memref<1x128xi32, #tpu.memory_space<vmem>>
          %dma_wait3A_137 = tpu.memref_squeeze %dma_wait3A_136 : memref<1x128xi32, #tpu.memory_space<vmem>> -> memref<128xi32, #tpu.memory_space<vmem>>
          %dma_wait3A_138 = arith.constant 0 : i32
          %dma_wait3A_139 = arith.constant 0 : i32
          %dma_wait3A_140 = tpu.memref_slice %arg11[%dma_wait3A_138, %dma_wait3A_139] : memref<10240x128xf32, #tpu.memory_space<vmem_shared>> -> memref<10240x128xf32, #tpu.memory_space<vmem_shared>>
          tpu.wait_indirect_dma semaphore(%run_scoped3A_128 : memref<!tpu.dma_semaphore, #tpu.memory_space<semaphore_mem>>) src(%arg9 : memref<128x128xf32, #tpu.memory_space<vmem>>) dst(%dma_wait3A_140 : memref<10240x128xf32, #tpu.memory_space<vmem_shared>>)
          tpu.yield
        }) : () -> ()
        %add3A_104 = arith.constant 2 : i32
        %add3A_105 = arith.addi %add3A_97, %add3A_104 : i32
        %dma_start3A_106 = arith.constant 0 : i32
        %dma_start3A_107 = tpu.memref_slice %arg7[%add3A_105, %dma_start3A_106] : memref<40x128xi32, #tpu.memory_space<vmem>> -> memref<1x128xi32, #tpu.memory_space<vmem>>
        %dma_start3A_108 = tpu.memref_squeeze %dma_start3A_107 : memref<1x128xi32, #tpu.memory_space<vmem>> -> memref<128xi32, #tpu.memory_space<vmem>>
        %dma_start3A_109 = arith.constant 0 : i32
        %dma_start3A_110 = arith.constant 0 : i32
        %dma_start3A_111 = tpu.memref_slice %arg2[%dma_start3A_109, %dma_start3A_110] : memref<10240x128xf32, #tpu.memory_space<hbm>> -> memref<10240x128xf32, #tpu.memory_space<hbm>>
        tpu.enqueue_indirect_dma source(%dma_start3A_111 : memref<10240x128xf32, #tpu.memory_space<hbm>>) target(%arg9 : memref<128x128xf32, #tpu.memory_space<vmem>>) offsets(%dma_start3A_108 : memref<128xi32, #tpu.memory_space<vmem>>) semaphore(%arg12 : memref<!tpu.dma_semaphore, #tpu.memory_space<semaphore_mem>>)
        %add3A_112 = arith.constant 1 : i32
        %add3A_113 = arith.addi %add3A_95, %add3A_112 : i32
        %dma_wait3A_114 = arith.constant 0 : i32
        %dma_wait3A_115 = tpu.memref_slice %arg7[%add3A_113, %dma_wait3A_114] : memref<40x128xi32, #tpu.memory_space<vmem>> -> memref<1x128xi32, #tpu.memory_space<vmem>>
        %dma_wait3A_116 = tpu.memref_squeeze %dma_wait3A_115 : memref<1x128xi32, #tpu.memory_space<vmem>> -> memref<128xi32, #tpu.memory_space<vmem>>
        %dma_wait3A_117 = arith.constant 0 : i32
        %dma_wait3A_118 = arith.constant 0 : i32
        %dma_wait3A_119 = tpu.memref_slice %arg2[%dma_wait3A_117, %dma_wait3A_118] : memref<10240x128xf32, #tpu.memory_space<hbm>> -> memref<10240x128xf32, #tpu.memory_space<hbm>>
        tpu.wait_indirect_dma semaphore(%arg13 : memref<!tpu.dma_semaphore, #tpu.memory_space<semaphore_mem>>) src(%dma_wait3A_119 : memref<10240x128xf32, #tpu.memory_space<hbm>>) dst(%arg10 : memref<128x128xf32, #tpu.memory_space<vmem>>)
        "tpu.region"() ({
          %run_scoped3A_128 = tpu.sem_alloc : memref<!tpu.dma_semaphore, #tpu.memory_space<semaphore_mem>>
          %dma_start3A_129 = arith.constant 0 : i32
          %dma_start3A_130 = tpu.memref_slice %arg8[%add3A_113, %dma_start3A_129] : memref<40x128xi32, #tpu.memory_space<vmem>> -> memref<1x128xi32, #tpu.memory_space<vmem>>
          %dma_start3A_131 = tpu.memref_squeeze %dma_start3A_130 : memref<1x128xi32, #tpu.memory_space<vmem>> -> memref<128xi32, #tpu.memory_space<vmem>>
          %dma_start3A_132 = arith.constant 0 : i32
          %dma_start3A_133 = arith.constant 0 : i32
          %dma_start3A_134 = tpu.memref_slice %arg11[%dma_start3A_132, %dma_start3A_133] : memref<10240x128xf32, #tpu.memory_space<vmem_shared>> -> memref<10240x128xf32, #tpu.memory_space<vmem_shared>>
          tpu.enqueue_indirect_dma source(%arg10 : memref<128x128xf32, #tpu.memory_space<vmem>>) target(%dma_start3A_134 : memref<10240x128xf32, #tpu.memory_space<vmem_shared>>) offsets(%dma_start3A_131 : memref<128xi32, #tpu.memory_space<vmem>>) semaphore(%run_scoped3A_128 : memref<!tpu.dma_semaphore, #tpu.memory_space<semaphore_mem>>) {add = true}
          %dma_wait3A_135 = arith.constant 0 : i32
          %dma_wait3A_136 = tpu.memref_slice %arg8[%add3A_113, %dma_wait3A_135] : memref<40x128xi32, #tpu.memory_space<vmem>> -> memref<1x128xi32, #tpu.memory_space<vmem>>
          %dma_wait3A_137 = tpu.memref_squeeze %dma_wait3A_136 : memref<1x128xi32, #tpu.memory_space<vmem>> -> memref<128xi32, #tpu.memory_space<vmem>>
          %dma_wait3A_138 = arith.constant 0 : i32
          %dma_wait3A_139 = arith.constant 0 : i32
          %dma_wait3A_140 = tpu.memref_slice %arg11[%dma_wait3A_138, %dma_wait3A_139] : memref<10240x128xf32, #tpu.memory_space<vmem_shared>> -> memref<10240x128xf32, #tpu.memory_space<vmem_shared>>
          tpu.wait_indirect_dma semaphore(%run_scoped3A_128 : memref<!tpu.dma_semaphore, #tpu.memory_space<semaphore_mem>>) src(%arg10 : memref<128x128xf32, #tpu.memory_space<vmem>>) dst(%dma_wait3A_140 : memref<10240x128xf32, #tpu.memory_space<vmem_shared>>)
          tpu.yield
        }) : () -> ()
        %add3A_120 = arith.constant 2 : i32
        %add3A_121 = arith.addi %add3A_113, %add3A_120 : i32
        %dma_start3A_122 = arith.constant 0 : i32
        %dma_start3A_123 = tpu.memref_slice %arg7[%add3A_121, %dma_start3A_122] : memref<40x128xi32, #tpu.memory_space<vmem>> -> memref<1x128xi32, #tpu.memory_space<vmem>>
        %dma_start3A_124 = tpu.memref_squeeze %dma_start3A_123 : memref<1x128xi32, #tpu.memory_space<vmem>> -> memref<128xi32, #tpu.memory_space<vmem>>
        %dma_start3A_125 = arith.constant 0 : i32
        %dma_start3A_126 = arith.constant 0 : i32
        %dma_start3A_127 = tpu.memref_slice %arg2[%dma_start3A_125, %dma_start3A_126] : memref<10240x128xf32, #tpu.memory_space<hbm>> -> memref<10240x128xf32, #tpu.memory_space<hbm>>
        tpu.enqueue_indirect_dma source(%dma_start3A_127 : memref<10240x128xf32, #tpu.memory_space<hbm>>) target(%arg10 : memref<128x128xf32, #tpu.memory_space<vmem>>) offsets(%dma_start3A_124 : memref<128xi32, #tpu.memory_space<vmem>>) semaphore(%arg13 : memref<!tpu.dma_semaphore, #tpu.memory_space<semaphore_mem>>)
      }
      %scan3A_74 = arith.constant 19 : i32
      %dma_wait3A_75 = arith.constant 38 : i32
      %dma_wait3A_76 = arith.constant 0 : i32
      %dma_wait3A_77 = tpu.memref_slice %arg7[%dma_wait3A_75, %dma_wait3A_76] : memref<40x128xi32, #tpu.memory_space<vmem>> -> memref<1x128xi32, #tpu.memory_space<vmem>>
      %dma_wait3A_78 = tpu.memref_squeeze %dma_wait3A_77 : memref<1x128xi32, #tpu.memory_space<vmem>> -> memref<128xi32, #tpu.memory_space<vmem>>
      %dma_wait3A_79 = arith.constant 0 : i32
      %dma_wait3A_80 = arith.constant 0 : i32
      %dma_wait3A_81 = tpu.memref_slice %arg2[%dma_wait3A_79, %dma_wait3A_80] : memref<10240x128xf32, #tpu.memory_space<hbm>> -> memref<10240x128xf32, #tpu.memory_space<hbm>>
      tpu.wait_indirect_dma semaphore(%arg12 : memref<!tpu.dma_semaphore, #tpu.memory_space<semaphore_mem>>) src(%dma_wait3A_81 : memref<10240x128xf32, #tpu.memory_space<hbm>>) dst(%arg9 : memref<128x128xf32, #tpu.memory_space<vmem>>)
      %run_scoped3A_82 = arith.constant 38 : i32
      "tpu.region"() ({
        %run_scoped3A_91 = tpu.sem_alloc : memref<!tpu.dma_semaphore, #tpu.memory_space<semaphore_mem>>
        %dma_start3A_92 = arith.constant 0 : i32
        %dma_start3A_93 = tpu.memref_slice %arg8[%run_scoped3A_82, %dma_start3A_92] : memref<40x128xi32, #tpu.memory_space<vmem>> -> memref<1x128xi32, #tpu.memory_space<vmem>>
        %dma_start3A_94 = tpu.memref_squeeze %dma_start3A_93 : memref<1x128xi32, #tpu.memory_space<vmem>> -> memref<128xi32, #tpu.memory_space<vmem>>
        %dma_start3A_95 = arith.constant 0 : i32
        %dma_start3A_96 = arith.constant 0 : i32
        %dma_start3A_97 = tpu.memref_slice %arg11[%dma_start3A_95, %dma_start3A_96] : memref<10240x128xf32, #tpu.memory_space<vmem_shared>> -> memref<10240x128xf32, #tpu.memory_space<vmem_shared>>
        tpu.enqueue_indirect_dma source(%arg9 : memref<128x128xf32, #tpu.memory_space<vmem>>) target(%dma_start3A_97 : memref<10240x128xf32, #tpu.memory_space<vmem_shared>>) offsets(%dma_start3A_94 : memref<128xi32, #tpu.memory_space<vmem>>) semaphore(%run_scoped3A_91 : memref<!tpu.dma_semaphore, #tpu.memory_space<semaphore_mem>>) {add = true}
        %dma_wait3A_98 = arith.constant 0 : i32
        %dma_wait3A_99 = tpu.memref_slice %arg8[%run_scoped3A_82, %dma_wait3A_98] : memref<40x128xi32, #tpu.memory_space<vmem>> -> memref<1x128xi32, #tpu.memory_space<vmem>>
        %dma_wait3A_100 = tpu.memref_squeeze %dma_wait3A_99 : memref<1x128xi32, #tpu.memory_space<vmem>> -> memref<128xi32, #tpu.memory_space<vmem>>
        %dma_wait3A_101 = arith.constant 0 : i32
        %dma_wait3A_102 = arith.constant 0 : i32
        %dma_wait3A_103 = tpu.memref_slice %arg11[%dma_wait3A_101, %dma_wait3A_102] : memref<10240x128xf32, #tpu.memory_space<vmem_shared>> -> memref<10240x128xf32, #tpu.memory_space<vmem_shared>>
        tpu.wait_indirect_dma semaphore(%run_scoped3A_91 : memref<!tpu.dma_semaphore, #tpu.memory_space<semaphore_mem>>) src(%arg9 : memref<128x128xf32, #tpu.memory_space<vmem>>) dst(%dma_wait3A_103 : memref<10240x128xf32, #tpu.memory_space<vmem_shared>>)
        tpu.yield
      }) : () -> ()
      %dma_wait3A_83 = arith.constant 39 : i32
      %dma_wait3A_84 = arith.constant 0 : i32
      %dma_wait3A_85 = tpu.memref_slice %arg7[%dma_wait3A_83, %dma_wait3A_84] : memref<40x128xi32, #tpu.memory_space<vmem>> -> memref<1x128xi32, #tpu.memory_space<vmem>>
      %dma_wait3A_86 = tpu.memref_squeeze %dma_wait3A_85 : memref<1x128xi32, #tpu.memory_space<vmem>> -> memref<128xi32, #tpu.memory_space<vmem>>
      %dma_wait3A_87 = arith.constant 0 : i32
      %dma_wait3A_88 = arith.constant 0 : i32
      %dma_wait3A_89 = tpu.memref_slice %arg2[%dma_wait3A_87, %dma_wait3A_88] : memref<10240x128xf32, #tpu.memory_space<hbm>> -> memref<10240x128xf32, #tpu.memory_space<hbm>>
      tpu.wait_indirect_dma semaphore(%arg13 : memref<!tpu.dma_semaphore, #tpu.memory_space<semaphore_mem>>) src(%dma_wait3A_89 : memref<10240x128xf32, #tpu.memory_space<hbm>>) dst(%arg10 : memref<128x128xf32, #tpu.memory_space<vmem>>)
      %run_scoped3A_90 = arith.constant 39 : i32
      "tpu.region"() ({
        %run_scoped3A_91 = tpu.sem_alloc : memref<!tpu.dma_semaphore, #tpu.memory_space<semaphore_mem>>
        %dma_start3A_92 = arith.constant 0 : i32
        %dma_start3A_93 = tpu.memref_slice %arg8[%run_scoped3A_90, %dma_start3A_92] : memref<40x128xi32, #tpu.memory_space<vmem>> -> memref<1x128xi32, #tpu.memory_space<vmem>>
        %dma_start3A_94 = tpu.memref_squeeze %dma_start3A_93 : memref<1x128xi32, #tpu.memory_space<vmem>> -> memref<128xi32, #tpu.memory_space<vmem>>
        %dma_start3A_95 = arith.constant 0 : i32
        %dma_start3A_96 = arith.constant 0 : i32
        %dma_start3A_97 = tpu.memref_slice %arg11[%dma_start3A_95, %dma_start3A_96] : memref<10240x128xf32, #tpu.memory_space<vmem_shared>> -> memref<10240x128xf32, #tpu.memory_space<vmem_shared>>
        tpu.enqueue_indirect_dma source(%arg10 : memref<128x128xf32, #tpu.memory_space<vmem>>) target(%dma_start3A_97 : memref<10240x128xf32, #tpu.memory_space<vmem_shared>>) offsets(%dma_start3A_94 : memref<128xi32, #tpu.memory_space<vmem>>) semaphore(%run_scoped3A_91 : memref<!tpu.dma_semaphore, #tpu.memory_space<semaphore_mem>>) {add = true}
        %dma_wait3A_98 = arith.constant 0 : i32
        %dma_wait3A_99 = tpu.memref_slice %arg8[%run_scoped3A_90, %dma_wait3A_98] : memref<40x128xi32, #tpu.memory_space<vmem>> -> memref<1x128xi32, #tpu.memory_space<vmem>>
        %dma_wait3A_100 = tpu.memref_squeeze %dma_wait3A_99 : memref<1x128xi32, #tpu.memory_space<vmem>> -> memref<128xi32, #tpu.memory_space<vmem>>
        %dma_wait3A_101 = arith.constant 0 : i32
        %dma_wait3A_102 = arith.constant 0 : i32
        %dma_wait3A_103 = tpu.memref_slice %arg11[%dma_wait3A_101, %dma_wait3A_102] : memref<10240x128xf32, #tpu.memory_space<vmem_shared>> -> memref<10240x128xf32, #tpu.memory_space<vmem_shared>>
        tpu.wait_indirect_dma semaphore(%run_scoped3A_91 : memref<!tpu.dma_semaphore, #tpu.memory_space<semaphore_mem>>) src(%arg10 : memref<128x128xf32, #tpu.memory_space<vmem>>) dst(%dma_wait3A_103 : memref<10240x128xf32, #tpu.memory_space<vmem_shared>>)
        tpu.yield
      }) : () -> ()
    } else {
    }
    %eq3A_5 = arith.constant 1 : i32
    %eq3A_6 = arith.cmpi eq, %arg0, %eq3A_5 : i32
    %convert_element_type3A_7 = arith.extui %eq3A_6 : i1 to i32
    %cond3A_8 = arith.constant 0 : i32
    %cond3A_9 = arith.cmpi ne, %convert_element_type3A_7, %cond3A_8 : i32
    scf.if %cond3A_9 {
      %mul3A_17 = arith.constant 80 : i32
      %mul3A_18 = arith.muli %arg1, %mul3A_17 : i32
      %add3A_19 = arith.constant 1280 : i32
      %add3A_20 = arith.addi %add3A_19, %mul3A_18 : i32
      %add3A_21 = arith.constant 0 : i32
      %add3A_22 = arith.addi %add3A_20, %add3A_21 : i32
      "tpu.region"() ({
        %run_scoped3A_95 = tpu.sem_alloc : memref<!tpu.dma_semaphore, #tpu.memory_space<semaphore_mem>>
        %dma_start3A_96 = arith.constant 0 : i32
        %dma_start3A_97 = tpu.memref_slice %arg3[%add3A_22, %dma_start3A_96] : memref<2560x128xi32, #tpu.memory_space<hbm>> -> memref<40x128xi32, #tpu.memory_space<hbm>>
        %dma_start3A_98 = arith.constant 0 : i32
        %dma_start3A_99 = tpu.memref_slice %arg3[%add3A_22, %dma_start3A_98] : memref<2560x128xi32, #tpu.memory_space<hbm>> -> memref<40x128xi32, #tpu.memory_space<hbm>>
        tpu.enqueue_dma source(%dma_start3A_99 : memref<40x128xi32, #tpu.memory_space<hbm>>) target(%arg7 : memref<40x128xi32, #tpu.memory_space<vmem>>) target_semaphore(%run_scoped3A_95 : memref<!tpu.dma_semaphore, #tpu.memory_space<semaphore_mem>>)
        %dma_wait3A_100 = arith.constant 0 : i32
        %dma_wait3A_101 = tpu.memref_slice %arg3[%add3A_22, %dma_wait3A_100] : memref<2560x128xi32, #tpu.memory_space<hbm>> -> memref<40x128xi32, #tpu.memory_space<hbm>>
        %dma_wait3A_102 = arith.constant 0 : i32
        %dma_wait3A_103 = tpu.memref_slice %arg3[%add3A_22, %dma_wait3A_102] : memref<2560x128xi32, #tpu.memory_space<hbm>> -> memref<40x128xi32, #tpu.memory_space<hbm>>
        tpu.wait_dma2 semaphore(%run_scoped3A_95 : memref<!tpu.dma_semaphore, #tpu.memory_space<semaphore_mem>>) src(%dma_wait3A_103 : memref<40x128xi32, #tpu.memory_space<hbm>>) dst(%arg7 : memref<40x128xi32, #tpu.memory_space<vmem>>)
        tpu.yield
      }) : () -> ()
      "tpu.region"() ({
        %run_scoped3A_95 = tpu.sem_alloc : memref<!tpu.dma_semaphore, #tpu.memory_space<semaphore_mem>>
        %dma_start3A_96 = arith.constant 0 : i32
        %dma_start3A_97 = tpu.memref_slice %arg4[%add3A_22, %dma_start3A_96] : memref<2560x128xi32, #tpu.memory_space<hbm>> -> memref<40x128xi32, #tpu.memory_space<hbm>>
        %dma_start3A_98 = arith.constant 0 : i32
        %dma_start3A_99 = tpu.memref_slice %arg4[%add3A_22, %dma_start3A_98] : memref<2560x128xi32, #tpu.memory_space<hbm>> -> memref<40x128xi32, #tpu.memory_space<hbm>>
        tpu.enqueue_dma source(%dma_start3A_99 : memref<40x128xi32, #tpu.memory_space<hbm>>) target(%arg8 : memref<40x128xi32, #tpu.memory_space<vmem>>) target_semaphore(%run_scoped3A_95 : memref<!tpu.dma_semaphore, #tpu.memory_space<semaphore_mem>>)
        %dma_wait3A_100 = arith.constant 0 : i32
        %dma_wait3A_101 = tpu.memref_slice %arg4[%add3A_22, %dma_wait3A_100] : memref<2560x128xi32, #tpu.memory_space<hbm>> -> memref<40x128xi32, #tpu.memory_space<hbm>>
        %dma_wait3A_102 = arith.constant 0 : i32
        %dma_wait3A_103 = tpu.memref_slice %arg4[%add3A_22, %dma_wait3A_102] : memref<2560x128xi32, #tpu.memory_space<hbm>> -> memref<40x128xi32, #tpu.memory_space<hbm>>
        tpu.wait_dma2 semaphore(%run_scoped3A_95 : memref<!tpu.dma_semaphore, #tpu.memory_space<semaphore_mem>>) src(%dma_wait3A_103 : memref<40x128xi32, #tpu.memory_space<hbm>>) dst(%arg8 : memref<40x128xi32, #tpu.memory_space<vmem>>)
        tpu.yield
      }) : () -> ()
      %dma_start3A = arith.constant 0 : i32
      %dma_start3A_23 = arith.constant 0 : i32
      %dma_start3A_24 = tpu.memref_slice %arg7[%dma_start3A, %dma_start3A_23] : memref<40x128xi32, #tpu.memory_space<vmem>> -> memref<1x128xi32, #tpu.memory_space<vmem>>
      %dma_start3A_25 = tpu.memref_squeeze %dma_start3A_24 : memref<1x128xi32, #tpu.memory_space<vmem>> -> memref<128xi32, #tpu.memory_space<vmem>>
      %dma_start3A_26 = arith.constant 0 : i32
      %dma_start3A_27 = arith.constant 0 : i32
      %dma_start3A_28 = tpu.memref_slice %arg2[%dma_start3A_26, %dma_start3A_27] : memref<10240x128xf32, #tpu.memory_space<hbm>> -> memref<10240x128xf32, #tpu.memory_space<hbm>>
      tpu.enqueue_indirect_dma source(%dma_start3A_28 : memref<10240x128xf32, #tpu.memory_space<hbm>>) target(%arg9 : memref<128x128xf32, #tpu.memory_space<vmem>>) offsets(%dma_start3A_25 : memref<128xi32, #tpu.memory_space<vmem>>) semaphore(%arg12 : memref<!tpu.dma_semaphore, #tpu.memory_space<semaphore_mem>>)
      %dma_start3A_29 = arith.constant 1 : i32
      %dma_start3A_30 = arith.constant 0 : i32
      %dma_start3A_31 = tpu.memref_slice %arg7[%dma_start3A_29, %dma_start3A_30] : memref<40x128xi32, #tpu.memory_space<vmem>> -> memref<1x128xi32, #tpu.memory_space<vmem>>
      %dma_start3A_32 = tpu.memref_squeeze %dma_start3A_31 : memref<1x128xi32, #tpu.memory_space<vmem>> -> memref<128xi32, #tpu.memory_space<vmem>>
      %dma_start3A_33 = arith.constant 0 : i32
      %dma_start3A_34 = arith.constant 0 : i32
      %dma_start3A_35 = tpu.memref_slice %arg2[%dma_start3A_33, %dma_start3A_34] : memref<10240x128xf32, #tpu.memory_space<hbm>> -> memref<10240x128xf32, #tpu.memory_space<hbm>>
      tpu.enqueue_indirect_dma source(%dma_start3A_35 : memref<10240x128xf32, #tpu.memory_space<hbm>>) target(%arg10 : memref<128x128xf32, #tpu.memory_space<vmem>>) offsets(%dma_start3A_32 : memref<128xi32, #tpu.memory_space<vmem>>) semaphore(%arg13 : memref<!tpu.dma_semaphore, #tpu.memory_space<semaphore_mem>>)
      %scan3A = arith.constant 0 : i32
      %scan3A_36 = arith.constant 19 : i32
      %scan3A_37 = arith.addi %scan3A, %scan3A_36 : i32
      %scan3A_38 = arith.constant 1 : i32
      scf.for %scan3A_95 = %scan3A to %scan3A_37 step %scan3A_38  : i32 {
        %mul3A_96 = arith.constant 2 : i32
        %mul3A_97 = arith.muli %scan3A_95, %mul3A_96 : i32
        %add3A_98 = arith.constant 0 : i32
        %add3A_99 = arith.addi %add3A_98, %mul3A_97 : i32
        %add3A_100 = arith.constant 0 : i32
        %add3A_101 = arith.addi %add3A_99, %add3A_100 : i32
        %dma_wait3A_102 = arith.constant 0 : i32
        %dma_wait3A_103 = tpu.memref_slice %arg7[%add3A_101, %dma_wait3A_102] : memref<40x128xi32, #tpu.memory_space<vmem>> -> memref<1x128xi32, #tpu.memory_space<vmem>>
        %dma_wait3A_104 = tpu.memref_squeeze %dma_wait3A_103 : memref<1x128xi32, #tpu.memory_space<vmem>> -> memref<128xi32, #tpu.memory_space<vmem>>
        %dma_wait3A_105 = arith.constant 0 : i32
        %dma_wait3A_106 = arith.constant 0 : i32
        %dma_wait3A_107 = tpu.memref_slice %arg2[%dma_wait3A_105, %dma_wait3A_106] : memref<10240x128xf32, #tpu.memory_space<hbm>> -> memref<10240x128xf32, #tpu.memory_space<hbm>>
        tpu.wait_indirect_dma semaphore(%arg12 : memref<!tpu.dma_semaphore, #tpu.memory_space<semaphore_mem>>) src(%dma_wait3A_107 : memref<10240x128xf32, #tpu.memory_space<hbm>>) dst(%arg9 : memref<128x128xf32, #tpu.memory_space<vmem>>)
        "tpu.region"() ({
          %run_scoped3A_132 = tpu.sem_alloc : memref<!tpu.dma_semaphore, #tpu.memory_space<semaphore_mem>>
          %dma_start3A_133 = arith.constant 0 : i32
          %dma_start3A_134 = tpu.memref_slice %arg8[%add3A_101, %dma_start3A_133] : memref<40x128xi32, #tpu.memory_space<vmem>> -> memref<1x128xi32, #tpu.memory_space<vmem>>
          %dma_start3A_135 = tpu.memref_squeeze %dma_start3A_134 : memref<1x128xi32, #tpu.memory_space<vmem>> -> memref<128xi32, #tpu.memory_space<vmem>>
          %dma_start3A_136 = arith.constant 0 : i32
          %dma_start3A_137 = arith.constant 0 : i32
          %dma_start3A_138 = tpu.memref_slice %arg11[%dma_start3A_136, %dma_start3A_137] : memref<10240x128xf32, #tpu.memory_space<vmem_shared>> -> memref<10240x128xf32, #tpu.memory_space<vmem_shared>>
          tpu.enqueue_indirect_dma source(%arg9 : memref<128x128xf32, #tpu.memory_space<vmem>>) target(%dma_start3A_138 : memref<10240x128xf32, #tpu.memory_space<vmem_shared>>) offsets(%dma_start3A_135 : memref<128xi32, #tpu.memory_space<vmem>>) semaphore(%run_scoped3A_132 : memref<!tpu.dma_semaphore, #tpu.memory_space<semaphore_mem>>) {add = true}
          %dma_wait3A_139 = arith.constant 0 : i32
          %dma_wait3A_140 = tpu.memref_slice %arg8[%add3A_101, %dma_wait3A_139] : memref<40x128xi32, #tpu.memory_space<vmem>> -> memref<1x128xi32, #tpu.memory_space<vmem>>
          %dma_wait3A_141 = tpu.memref_squeeze %dma_wait3A_140 : memref<1x128xi32, #tpu.memory_space<vmem>> -> memref<128xi32, #tpu.memory_space<vmem>>
          %dma_wait3A_142 = arith.constant 0 : i32
          %dma_wait3A_143 = arith.constant 0 : i32
          %dma_wait3A_144 = tpu.memref_slice %arg11[%dma_wait3A_142, %dma_wait3A_143] : memref<10240x128xf32, #tpu.memory_space<vmem_shared>> -> memref<10240x128xf32, #tpu.memory_space<vmem_shared>>
          tpu.wait_indirect_dma semaphore(%run_scoped3A_132 : memref<!tpu.dma_semaphore, #tpu.memory_space<semaphore_mem>>) src(%arg9 : memref<128x128xf32, #tpu.memory_space<vmem>>) dst(%dma_wait3A_144 : memref<10240x128xf32, #tpu.memory_space<vmem_shared>>)
          tpu.yield
        }) : () -> ()
        %add3A_108 = arith.constant 2 : i32
        %add3A_109 = arith.addi %add3A_101, %add3A_108 : i32
        %dma_start3A_110 = arith.constant 0 : i32
        %dma_start3A_111 = tpu.memref_slice %arg7[%add3A_109, %dma_start3A_110] : memref<40x128xi32, #tpu.memory_space<vmem>> -> memref<1x128xi32, #tpu.memory_space<vmem>>
        %dma_start3A_112 = tpu.memref_squeeze %dma_start3A_111 : memref<1x128xi32, #tpu.memory_space<vmem>> -> memref<128xi32, #tpu.memory_space<vmem>>
        %dma_start3A_113 = arith.constant 0 : i32
        %dma_start3A_114 = arith.constant 0 : i32
        %dma_start3A_115 = tpu.memref_slice %arg2[%dma_start3A_113, %dma_start3A_114] : memref<10240x128xf32, #tpu.memory_space<hbm>> -> memref<10240x128xf32, #tpu.memory_space<hbm>>
        tpu.enqueue_indirect_dma source(%dma_start3A_115 : memref<10240x128xf32, #tpu.memory_space<hbm>>) target(%arg9 : memref<128x128xf32, #tpu.memory_space<vmem>>) offsets(%dma_start3A_112 : memref<128xi32, #tpu.memory_space<vmem>>) semaphore(%arg12 : memref<!tpu.dma_semaphore, #tpu.memory_space<semaphore_mem>>)
        %add3A_116 = arith.constant 1 : i32
        %add3A_117 = arith.addi %add3A_99, %add3A_116 : i32
        %dma_wait3A_118 = arith.constant 0 : i32
        %dma_wait3A_119 = tpu.memref_slice %arg7[%add3A_117, %dma_wait3A_118] : memref<40x128xi32, #tpu.memory_space<vmem>> -> memref<1x128xi32, #tpu.memory_space<vmem>>
        %dma_wait3A_120 = tpu.memref_squeeze %dma_wait3A_119 : memref<1x128xi32, #tpu.memory_space<vmem>> -> memref<128xi32, #tpu.memory_space<vmem>>
        %dma_wait3A_121 = arith.constant 0 : i32
        %dma_wait3A_122 = arith.constant 0 : i32
        %dma_wait3A_123 = tpu.memref_slice %arg2[%dma_wait3A_121, %dma_wait3A_122] : memref<10240x128xf32, #tpu.memory_space<hbm>> -> memref<10240x128xf32, #tpu.memory_space<hbm>>
        tpu.wait_indirect_dma semaphore(%arg13 : memref<!tpu.dma_semaphore, #tpu.memory_space<semaphore_mem>>) src(%dma_wait3A_123 : memref<10240x128xf32, #tpu.memory_space<hbm>>) dst(%arg10 : memref<128x128xf32, #tpu.memory_space<vmem>>)
        "tpu.region"() ({
          %run_scoped3A_132 = tpu.sem_alloc : memref<!tpu.dma_semaphore, #tpu.memory_space<semaphore_mem>>
          %dma_start3A_133 = arith.constant 0 : i32
          %dma_start3A_134 = tpu.memref_slice %arg8[%add3A_117, %dma_start3A_133] : memref<40x128xi32, #tpu.memory_space<vmem>> -> memref<1x128xi32, #tpu.memory_space<vmem>>
          %dma_start3A_135 = tpu.memref_squeeze %dma_start3A_134 : memref<1x128xi32, #tpu.memory_space<vmem>> -> memref<128xi32, #tpu.memory_space<vmem>>
          %dma_start3A_136 = arith.constant 0 : i32
          %dma_start3A_137 = arith.constant 0 : i32
          %dma_start3A_138 = tpu.memref_slice %arg11[%dma_start3A_136, %dma_start3A_137] : memref<10240x128xf32, #tpu.memory_space<vmem_shared>> -> memref<10240x128xf32, #tpu.memory_space<vmem_shared>>
          tpu.enqueue_indirect_dma source(%arg10 : memref<128x128xf32, #tpu.memory_space<vmem>>) target(%dma_start3A_138 : memref<10240x128xf32, #tpu.memory_space<vmem_shared>>) offsets(%dma_start3A_135 : memref<128xi32, #tpu.memory_space<vmem>>) semaphore(%run_scoped3A_132 : memref<!tpu.dma_semaphore, #tpu.memory_space<semaphore_mem>>) {add = true}
          %dma_wait3A_139 = arith.constant 0 : i32
          %dma_wait3A_140 = tpu.memref_slice %arg8[%add3A_117, %dma_wait3A_139] : memref<40x128xi32, #tpu.memory_space<vmem>> -> memref<1x128xi32, #tpu.memory_space<vmem>>
          %dma_wait3A_141 = tpu.memref_squeeze %dma_wait3A_140 : memref<1x128xi32, #tpu.memory_space<vmem>> -> memref<128xi32, #tpu.memory_space<vmem>>
          %dma_wait3A_142 = arith.constant 0 : i32
          %dma_wait3A_143 = arith.constant 0 : i32
          %dma_wait3A_144 = tpu.memref_slice %arg11[%dma_wait3A_142, %dma_wait3A_143] : memref<10240x128xf32, #tpu.memory_space<vmem_shared>> -> memref<10240x128xf32, #tpu.memory_space<vmem_shared>>
          tpu.wait_indirect_dma semaphore(%run_scoped3A_132 : memref<!tpu.dma_semaphore, #tpu.memory_space<semaphore_mem>>) src(%arg10 : memref<128x128xf32, #tpu.memory_space<vmem>>) dst(%dma_wait3A_144 : memref<10240x128xf32, #tpu.memory_space<vmem_shared>>)
          tpu.yield
        }) : () -> ()
        %add3A_124 = arith.constant 2 : i32
        %add3A_125 = arith.addi %add3A_117, %add3A_124 : i32
        %dma_start3A_126 = arith.constant 0 : i32
        %dma_start3A_127 = tpu.memref_slice %arg7[%add3A_125, %dma_start3A_126] : memref<40x128xi32, #tpu.memory_space<vmem>> -> memref<1x128xi32, #tpu.memory_space<vmem>>
        %dma_start3A_128 = tpu.memref_squeeze %dma_start3A_127 : memref<1x128xi32, #tpu.memory_space<vmem>> -> memref<128xi32, #tpu.memory_space<vmem>>
        %dma_start3A_129 = arith.constant 0 : i32
        %dma_start3A_130 = arith.constant 0 : i32
        %dma_start3A_131 = tpu.memref_slice %arg2[%dma_start3A_129, %dma_start3A_130] : memref<10240x128xf32, #tpu.memory_space<hbm>> -> memref<10240x128xf32, #tpu.memory_space<hbm>>
        tpu.enqueue_indirect_dma source(%dma_start3A_131 : memref<10240x128xf32, #tpu.memory_space<hbm>>) target(%arg10 : memref<128x128xf32, #tpu.memory_space<vmem>>) offsets(%dma_start3A_128 : memref<128xi32, #tpu.memory_space<vmem>>) semaphore(%arg13 : memref<!tpu.dma_semaphore, #tpu.memory_space<semaphore_mem>>)
      }
      %scan3A_39 = arith.constant 19 : i32
      %dma_wait3A = arith.constant 38 : i32
      %dma_wait3A_40 = arith.constant 0 : i32
      %dma_wait3A_41 = tpu.memref_slice %arg7[%dma_wait3A, %dma_wait3A_40] : memref<40x128xi32, #tpu.memory_space<vmem>> -> memref<1x128xi32, #tpu.memory_space<vmem>>
      %dma_wait3A_42 = tpu.memref_squeeze %dma_wait3A_41 : memref<1x128xi32, #tpu.memory_space<vmem>> -> memref<128xi32, #tpu.memory_space<vmem>>
      %dma_wait3A_43 = arith.constant 0 : i32
      %dma_wait3A_44 = arith.constant 0 : i32
      %dma_wait3A_45 = tpu.memref_slice %arg2[%dma_wait3A_43, %dma_wait3A_44] : memref<10240x128xf32, #tpu.memory_space<hbm>> -> memref<10240x128xf32, #tpu.memory_space<hbm>>
      tpu.wait_indirect_dma semaphore(%arg12 : memref<!tpu.dma_semaphore, #tpu.memory_space<semaphore_mem>>) src(%dma_wait3A_45 : memref<10240x128xf32, #tpu.memory_space<hbm>>) dst(%arg9 : memref<128x128xf32, #tpu.memory_space<vmem>>)
      %run_scoped3A = arith.constant 38 : i32
      "tpu.region"() ({
        %run_scoped3A_95 = tpu.sem_alloc : memref<!tpu.dma_semaphore, #tpu.memory_space<semaphore_mem>>
        %dma_start3A_96 = arith.constant 0 : i32
        %dma_start3A_97 = tpu.memref_slice %arg8[%run_scoped3A, %dma_start3A_96] : memref<40x128xi32, #tpu.memory_space<vmem>> -> memref<1x128xi32, #tpu.memory_space<vmem>>
        %dma_start3A_98 = tpu.memref_squeeze %dma_start3A_97 : memref<1x128xi32, #tpu.memory_space<vmem>> -> memref<128xi32, #tpu.memory_space<vmem>>
        %dma_start3A_99 = arith.constant 0 : i32
        %dma_start3A_100 = arith.constant 0 : i32
        %dma_start3A_101 = tpu.memref_slice %arg11[%dma_start3A_99, %dma_start3A_100] : memref<10240x128xf32, #tpu.memory_space<vmem_shared>> -> memref<10240x128xf32, #tpu.memory_space<vmem_shared>>
        tpu.enqueue_indirect_dma source(%arg9 : memref<128x128xf32, #tpu.memory_space<vmem>>) target(%dma_start3A_101 : memref<10240x128xf32, #tpu.memory_space<vmem_shared>>) offsets(%dma_start3A_98 : memref<128xi32, #tpu.memory_space<vmem>>) semaphore(%run_scoped3A_95 : memref<!tpu.dma_semaphore, #tpu.memory_space<semaphore_mem>>) {add = true}
        %dma_wait3A_102 = arith.constant 0 : i32
        %dma_wait3A_103 = tpu.memref_slice %arg8[%run_scoped3A, %dma_wait3A_102] : memref<40x128xi32, #tpu.memory_space<vmem>> -> memref<1x128xi32, #tpu.memory_space<vmem>>
        %dma_wait3A_104 = tpu.memref_squeeze %dma_wait3A_103 : memref<1x128xi32, #tpu.memory_space<vmem>> -> memref<128xi32, #tpu.memory_space<vmem>>
        %dma_wait3A_105 = arith.constant 0 : i32
        %dma_wait3A_106 = arith.constant 0 : i32
        %dma_wait3A_107 = tpu.memref_slice %arg11[%dma_wait3A_105, %dma_wait3A_106] : memref<10240x128xf32, #tpu.memory_space<vmem_shared>> -> memref<10240x128xf32, #tpu.memory_space<vmem_shared>>
        tpu.wait_indirect_dma semaphore(%run_scoped3A_95 : memref<!tpu.dma_semaphore, #tpu.memory_space<semaphore_mem>>) src(%arg9 : memref<128x128xf32, #tpu.memory_space<vmem>>) dst(%dma_wait3A_107 : memref<10240x128xf32, #tpu.memory_space<vmem_shared>>)
        tpu.yield
      }) : () -> ()
      %dma_wait3A_46 = arith.constant 39 : i32
      %dma_wait3A_47 = arith.constant 0 : i32
      %dma_wait3A_48 = tpu.memref_slice %arg7[%dma_wait3A_46, %dma_wait3A_47] : memref<40x128xi32, #tpu.memory_space<vmem>> -> memref<1x128xi32, #tpu.memory_space<vmem>>
      %dma_wait3A_49 = tpu.memref_squeeze %dma_wait3A_48 : memref<1x128xi32, #tpu.memory_space<vmem>> -> memref<128xi32, #tpu.memory_space<vmem>>
      %dma_wait3A_50 = arith.constant 0 : i32
      %dma_wait3A_51 = arith.constant 0 : i32
      %dma_wait3A_52 = tpu.memref_slice %arg2[%dma_wait3A_50, %dma_wait3A_51] : memref<10240x128xf32, #tpu.memory_space<hbm>> -> memref<10240x128xf32, #tpu.memory_space<hbm>>
      tpu.wait_indirect_dma semaphore(%arg13 : memref<!tpu.dma_semaphore, #tpu.memory_space<semaphore_mem>>) src(%dma_wait3A_52 : memref<10240x128xf32, #tpu.memory_space<hbm>>) dst(%arg10 : memref<128x128xf32, #tpu.memory_space<vmem>>)
      %run_scoped3A_53 = arith.constant 39 : i32
      "tpu.region"() ({
        %run_scoped3A_95 = tpu.sem_alloc : memref<!tpu.dma_semaphore, #tpu.memory_space<semaphore_mem>>
        %dma_start3A_96 = arith.constant 0 : i32
        %dma_start3A_97 = tpu.memref_slice %arg8[%run_scoped3A_53, %dma_start3A_96] : memref<40x128xi32, #tpu.memory_space<vmem>> -> memref<1x128xi32, #tpu.memory_space<vmem>>
        %dma_start3A_98 = tpu.memref_squeeze %dma_start3A_97 : memref<1x128xi32, #tpu.memory_space<vmem>> -> memref<128xi32, #tpu.memory_space<vmem>>
        %dma_start3A_99 = arith.constant 0 : i32
        %dma_start3A_100 = arith.constant 0 : i32
        %dma_start3A_101 = tpu.memref_slice %arg11[%dma_start3A_99, %dma_start3A_100] : memref<10240x128xf32, #tpu.memory_space<vmem_shared>> -> memref<10240x128xf32, #tpu.memory_space<vmem_shared>>
        tpu.enqueue_indirect_dma source(%arg10 : memref<128x128xf32, #tpu.memory_space<vmem>>) target(%dma_start3A_101 : memref<10240x128xf32, #tpu.memory_space<vmem_shared>>) offsets(%dma_start3A_98 : memref<128xi32, #tpu.memory_space<vmem>>) semaphore(%run_scoped3A_95 : memref<!tpu.dma_semaphore, #tpu.memory_space<semaphore_mem>>) {add = true}
        %dma_wait3A_102 = arith.constant 0 : i32
        %dma_wait3A_103 = tpu.memref_slice %arg8[%run_scoped3A_53, %dma_wait3A_102] : memref<40x128xi32, #tpu.memory_space<vmem>> -> memref<1x128xi32, #tpu.memory_space<vmem>>
        %dma_wait3A_104 = tpu.memref_squeeze %dma_wait3A_103 : memref<1x128xi32, #tpu.memory_space<vmem>> -> memref<128xi32, #tpu.memory_space<vmem>>
        %dma_wait3A_105 = arith.constant 0 : i32
        %dma_wait3A_106 = arith.constant 0 : i32
        %dma_wait3A_107 = tpu.memref_slice %arg11[%dma_wait3A_105, %dma_wait3A_106] : memref<10240x128xf32, #tpu.memory_space<vmem_shared>> -> memref<10240x128xf32, #tpu.memory_space<vmem_shared>>
        tpu.wait_indirect_dma semaphore(%run_scoped3A_95 : memref<!tpu.dma_semaphore, #tpu.memory_space<semaphore_mem>>) src(%arg10 : memref<128x128xf32, #tpu.memory_space<vmem>>) dst(%dma_wait3A_107 : memref<10240x128xf32, #tpu.memory_space<vmem_shared>>)
        tpu.yield
      }) : () -> ()
      %mul3A_54 = arith.constant 80 : i32
      %mul3A_55 = arith.muli %arg1, %mul3A_54 : i32
      %add3A_56 = arith.constant 1280 : i32
      %add3A_57 = arith.addi %add3A_56, %mul3A_55 : i32
      %add3A_58 = arith.constant 40 : i32
      %add3A_59 = arith.addi %add3A_57, %add3A_58 : i32
      "tpu.region"() ({
        %run_scoped3A_95 = tpu.sem_alloc : memref<!tpu.dma_semaphore, #tpu.memory_space<semaphore_mem>>
        %dma_start3A_96 = arith.constant 0 : i32
        %dma_start3A_97 = tpu.memref_slice %arg3[%add3A_59, %dma_start3A_96] : memref<2560x128xi32, #tpu.memory_space<hbm>> -> memref<40x128xi32, #tpu.memory_space<hbm>>
        %dma_start3A_98 = arith.constant 0 : i32
        %dma_start3A_99 = tpu.memref_slice %arg3[%add3A_59, %dma_start3A_98] : memref<2560x128xi32, #tpu.memory_space<hbm>> -> memref<40x128xi32, #tpu.memory_space<hbm>>
        tpu.enqueue_dma source(%dma_start3A_99 : memref<40x128xi32, #tpu.memory_space<hbm>>) target(%arg7 : memref<40x128xi32, #tpu.memory_space<vmem>>) target_semaphore(%run_scoped3A_95 : memref<!tpu.dma_semaphore, #tpu.memory_space<semaphore_mem>>)
        %dma_wait3A_100 = arith.constant 0 : i32
        %dma_wait3A_101 = tpu.memref_slice %arg3[%add3A_59, %dma_wait3A_100] : memref<2560x128xi32, #tpu.memory_space<hbm>> -> memref<40x128xi32, #tpu.memory_space<hbm>>
        %dma_wait3A_102 = arith.constant 0 : i32
        %dma_wait3A_103 = tpu.memref_slice %arg3[%add3A_59, %dma_wait3A_102] : memref<2560x128xi32, #tpu.memory_space<hbm>> -> memref<40x128xi32, #tpu.memory_space<hbm>>
        tpu.wait_dma2 semaphore(%run_scoped3A_95 : memref<!tpu.dma_semaphore, #tpu.memory_space<semaphore_mem>>) src(%dma_wait3A_103 : memref<40x128xi32, #tpu.memory_space<hbm>>) dst(%arg7 : memref<40x128xi32, #tpu.memory_space<vmem>>)
        tpu.yield
      }) : () -> ()
      "tpu.region"() ({
        %run_scoped3A_95 = tpu.sem_alloc : memref<!tpu.dma_semaphore, #tpu.memory_space<semaphore_mem>>
        %dma_start3A_96 = arith.constant 0 : i32
        %dma_start3A_97 = tpu.memref_slice %arg4[%add3A_59, %dma_start3A_96] : memref<2560x128xi32, #tpu.memory_space<hbm>> -> memref<40x128xi32, #tpu.memory_space<hbm>>
        %dma_start3A_98 = arith.constant 0 : i32
        %dma_start3A_99 = tpu.memref_slice %arg4[%add3A_59, %dma_start3A_98] : memref<2560x128xi32, #tpu.memory_space<hbm>> -> memref<40x128xi32, #tpu.memory_space<hbm>>
        tpu.enqueue_dma source(%dma_start3A_99 : memref<40x128xi32, #tpu.memory_space<hbm>>) target(%arg8 : memref<40x128xi32, #tpu.memory_space<vmem>>) target_semaphore(%run_scoped3A_95 : memref<!tpu.dma_semaphore, #tpu.memory_space<semaphore_mem>>)
        %dma_wait3A_100 = arith.constant 0 : i32
        %dma_wait3A_101 = tpu.memref_slice %arg4[%add3A_59, %dma_wait3A_100] : memref<2560x128xi32, #tpu.memory_space<hbm>> -> memref<40x128xi32, #tpu.memory_space<hbm>>
        %dma_wait3A_102 = arith.constant 0 : i32
        %dma_wait3A_103 = tpu.memref_slice %arg4[%add3A_59, %dma_wait3A_102] : memref<2560x128xi32, #tpu.memory_space<hbm>> -> memref<40x128xi32, #tpu.memory_space<hbm>>
        tpu.wait_dma2 semaphore(%run_scoped3A_95 : memref<!tpu.dma_semaphore, #tpu.memory_space<semaphore_mem>>) src(%dma_wait3A_103 : memref<40x128xi32, #tpu.memory_space<hbm>>) dst(%arg8 : memref<40x128xi32, #tpu.memory_space<vmem>>)
        tpu.yield
      }) : () -> ()
      %dma_start3A_60 = arith.constant 0 : i32
      %dma_start3A_61 = arith.constant 0 : i32
      %dma_start3A_62 = tpu.memref_slice %arg7[%dma_start3A_60, %dma_start3A_61] : memref<40x128xi32, #tpu.memory_space<vmem>> -> memref<1x128xi32, #tpu.memory_space<vmem>>
      %dma_start3A_63 = tpu.memref_squeeze %dma_start3A_62 : memref<1x128xi32, #tpu.memory_space<vmem>> -> memref<128xi32, #tpu.memory_space<vmem>>
      %dma_start3A_64 = arith.constant 0 : i32
      %dma_start3A_65 = arith.constant 0 : i32
      %dma_start3A_66 = tpu.memref_slice %arg2[%dma_start3A_64, %dma_start3A_65] : memref<10240x128xf32, #tpu.memory_space<hbm>> -> memref<10240x128xf32, #tpu.memory_space<hbm>>
      tpu.enqueue_indirect_dma source(%dma_start3A_66 : memref<10240x128xf32, #tpu.memory_space<hbm>>) target(%arg9 : memref<128x128xf32, #tpu.memory_space<vmem>>) offsets(%dma_start3A_63 : memref<128xi32, #tpu.memory_space<vmem>>) semaphore(%arg12 : memref<!tpu.dma_semaphore, #tpu.memory_space<semaphore_mem>>)
      %dma_start3A_67 = arith.constant 1 : i32
      %dma_start3A_68 = arith.constant 0 : i32
      %dma_start3A_69 = tpu.memref_slice %arg7[%dma_start3A_67, %dma_start3A_68] : memref<40x128xi32, #tpu.memory_space<vmem>> -> memref<1x128xi32, #tpu.memory_space<vmem>>
      %dma_start3A_70 = tpu.memref_squeeze %dma_start3A_69 : memref<1x128xi32, #tpu.memory_space<vmem>> -> memref<128xi32, #tpu.memory_space<vmem>>
      %dma_start3A_71 = arith.constant 0 : i32
      %dma_start3A_72 = arith.constant 0 : i32
      %dma_start3A_73 = tpu.memref_slice %arg2[%dma_start3A_71, %dma_start3A_72] : memref<10240x128xf32, #tpu.memory_space<hbm>> -> memref<10240x128xf32, #tpu.memory_space<hbm>>
      tpu.enqueue_indirect_dma source(%dma_start3A_73 : memref<10240x128xf32, #tpu.memory_space<hbm>>) target(%arg10 : memref<128x128xf32, #tpu.memory_space<vmem>>) offsets(%dma_start3A_70 : memref<128xi32, #tpu.memory_space<vmem>>) semaphore(%arg13 : memref<!tpu.dma_semaphore, #tpu.memory_space<semaphore_mem>>)
      %scan3A_74 = arith.constant 0 : i32
      %scan3A_75 = arith.constant 19 : i32
      %scan3A_76 = arith.addi %scan3A_74, %scan3A_75 : i32
      %scan3A_77 = arith.constant 1 : i32
      scf.for %scan3A_95 = %scan3A_74 to %scan3A_76 step %scan3A_77  : i32 {
        %mul3A_96 = arith.constant 2 : i32
        %mul3A_97 = arith.muli %scan3A_95, %mul3A_96 : i32
        %add3A_98 = arith.constant 0 : i32
        %add3A_99 = arith.addi %add3A_98, %mul3A_97 : i32
        %add3A_100 = arith.constant 0 : i32
        %add3A_101 = arith.addi %add3A_99, %add3A_100 : i32
        %dma_wait3A_102 = arith.constant 0 : i32
        %dma_wait3A_103 = tpu.memref_slice %arg7[%add3A_101, %dma_wait3A_102] : memref<40x128xi32, #tpu.memory_space<vmem>> -> memref<1x128xi32, #tpu.memory_space<vmem>>
        %dma_wait3A_104 = tpu.memref_squeeze %dma_wait3A_103 : memref<1x128xi32, #tpu.memory_space<vmem>> -> memref<128xi32, #tpu.memory_space<vmem>>
        %dma_wait3A_105 = arith.constant 0 : i32
        %dma_wait3A_106 = arith.constant 0 : i32
        %dma_wait3A_107 = tpu.memref_slice %arg2[%dma_wait3A_105, %dma_wait3A_106] : memref<10240x128xf32, #tpu.memory_space<hbm>> -> memref<10240x128xf32, #tpu.memory_space<hbm>>
        tpu.wait_indirect_dma semaphore(%arg12 : memref<!tpu.dma_semaphore, #tpu.memory_space<semaphore_mem>>) src(%dma_wait3A_107 : memref<10240x128xf32, #tpu.memory_space<hbm>>) dst(%arg9 : memref<128x128xf32, #tpu.memory_space<vmem>>)
        "tpu.region"() ({
          %run_scoped3A_132 = tpu.sem_alloc : memref<!tpu.dma_semaphore, #tpu.memory_space<semaphore_mem>>
          %dma_start3A_133 = arith.constant 0 : i32
          %dma_start3A_134 = tpu.memref_slice %arg8[%add3A_101, %dma_start3A_133] : memref<40x128xi32, #tpu.memory_space<vmem>> -> memref<1x128xi32, #tpu.memory_space<vmem>>
          %dma_start3A_135 = tpu.memref_squeeze %dma_start3A_134 : memref<1x128xi32, #tpu.memory_space<vmem>> -> memref<128xi32, #tpu.memory_space<vmem>>
          %dma_start3A_136 = arith.constant 0 : i32
          %dma_start3A_137 = arith.constant 0 : i32
          %dma_start3A_138 = tpu.memref_slice %arg11[%dma_start3A_136, %dma_start3A_137] : memref<10240x128xf32, #tpu.memory_space<vmem_shared>> -> memref<10240x128xf32, #tpu.memory_space<vmem_shared>>
          tpu.enqueue_indirect_dma source(%arg9 : memref<128x128xf32, #tpu.memory_space<vmem>>) target(%dma_start3A_138 : memref<10240x128xf32, #tpu.memory_space<vmem_shared>>) offsets(%dma_start3A_135 : memref<128xi32, #tpu.memory_space<vmem>>) semaphore(%run_scoped3A_132 : memref<!tpu.dma_semaphore, #tpu.memory_space<semaphore_mem>>) {add = true}
          %dma_wait3A_139 = arith.constant 0 : i32
          %dma_wait3A_140 = tpu.memref_slice %arg8[%add3A_101, %dma_wait3A_139] : memref<40x128xi32, #tpu.memory_space<vmem>> -> memref<1x128xi32, #tpu.memory_space<vmem>>
          %dma_wait3A_141 = tpu.memref_squeeze %dma_wait3A_140 : memref<1x128xi32, #tpu.memory_space<vmem>> -> memref<128xi32, #tpu.memory_space<vmem>>
          %dma_wait3A_142 = arith.constant 0 : i32
          %dma_wait3A_143 = arith.constant 0 : i32
          %dma_wait3A_144 = tpu.memref_slice %arg11[%dma_wait3A_142, %dma_wait3A_143] : memref<10240x128xf32, #tpu.memory_space<vmem_shared>> -> memref<10240x128xf32, #tpu.memory_space<vmem_shared>>
          tpu.wait_indirect_dma semaphore(%run_scoped3A_132 : memref<!tpu.dma_semaphore, #tpu.memory_space<semaphore_mem>>) src(%arg9 : memref<128x128xf32, #tpu.memory_space<vmem>>) dst(%dma_wait3A_144 : memref<10240x128xf32, #tpu.memory_space<vmem_shared>>)
          tpu.yield
        }) : () -> ()
        %add3A_108 = arith.constant 2 : i32
        %add3A_109 = arith.addi %add3A_101, %add3A_108 : i32
        %dma_start3A_110 = arith.constant 0 : i32
        %dma_start3A_111 = tpu.memref_slice %arg7[%add3A_109, %dma_start3A_110] : memref<40x128xi32, #tpu.memory_space<vmem>> -> memref<1x128xi32, #tpu.memory_space<vmem>>
        %dma_start3A_112 = tpu.memref_squeeze %dma_start3A_111 : memref<1x128xi32, #tpu.memory_space<vmem>> -> memref<128xi32, #tpu.memory_space<vmem>>
        %dma_start3A_113 = arith.constant 0 : i32
        %dma_start3A_114 = arith.constant 0 : i32
        %dma_start3A_115 = tpu.memref_slice %arg2[%dma_start3A_113, %dma_start3A_114] : memref<10240x128xf32, #tpu.memory_space<hbm>> -> memref<10240x128xf32, #tpu.memory_space<hbm>>
        tpu.enqueue_indirect_dma source(%dma_start3A_115 : memref<10240x128xf32, #tpu.memory_space<hbm>>) target(%arg9 : memref<128x128xf32, #tpu.memory_space<vmem>>) offsets(%dma_start3A_112 : memref<128xi32, #tpu.memory_space<vmem>>) semaphore(%arg12 : memref<!tpu.dma_semaphore, #tpu.memory_space<semaphore_mem>>)
        %add3A_116 = arith.constant 1 : i32
        %add3A_117 = arith.addi %add3A_99, %add3A_116 : i32
        %dma_wait3A_118 = arith.constant 0 : i32
        %dma_wait3A_119 = tpu.memref_slice %arg7[%add3A_117, %dma_wait3A_118] : memref<40x128xi32, #tpu.memory_space<vmem>> -> memref<1x128xi32, #tpu.memory_space<vmem>>
        %dma_wait3A_120 = tpu.memref_squeeze %dma_wait3A_119 : memref<1x128xi32, #tpu.memory_space<vmem>> -> memref<128xi32, #tpu.memory_space<vmem>>
        %dma_wait3A_121 = arith.constant 0 : i32
        %dma_wait3A_122 = arith.constant 0 : i32
        %dma_wait3A_123 = tpu.memref_slice %arg2[%dma_wait3A_121, %dma_wait3A_122] : memref<10240x128xf32, #tpu.memory_space<hbm>> -> memref<10240x128xf32, #tpu.memory_space<hbm>>
        tpu.wait_indirect_dma semaphore(%arg13 : memref<!tpu.dma_semaphore, #tpu.memory_space<semaphore_mem>>) src(%dma_wait3A_123 : memref<10240x128xf32, #tpu.memory_space<hbm>>) dst(%arg10 : memref<128x128xf32, #tpu.memory_space<vmem>>)
        "tpu.region"() ({
          %run_scoped3A_132 = tpu.sem_alloc : memref<!tpu.dma_semaphore, #tpu.memory_space<semaphore_mem>>
          %dma_start3A_133 = arith.constant 0 : i32
          %dma_start3A_134 = tpu.memref_slice %arg8[%add3A_117, %dma_start3A_133] : memref<40x128xi32, #tpu.memory_space<vmem>> -> memref<1x128xi32, #tpu.memory_space<vmem>>
          %dma_start3A_135 = tpu.memref_squeeze %dma_start3A_134 : memref<1x128xi32, #tpu.memory_space<vmem>> -> memref<128xi32, #tpu.memory_space<vmem>>
          %dma_start3A_136 = arith.constant 0 : i32
          %dma_start3A_137 = arith.constant 0 : i32
          %dma_start3A_138 = tpu.memref_slice %arg11[%dma_start3A_136, %dma_start3A_137] : memref<10240x128xf32, #tpu.memory_space<vmem_shared>> -> memref<10240x128xf32, #tpu.memory_space<vmem_shared>>
          tpu.enqueue_indirect_dma source(%arg10 : memref<128x128xf32, #tpu.memory_space<vmem>>) target(%dma_start3A_138 : memref<10240x128xf32, #tpu.memory_space<vmem_shared>>) offsets(%dma_start3A_135 : memref<128xi32, #tpu.memory_space<vmem>>) semaphore(%run_scoped3A_132 : memref<!tpu.dma_semaphore, #tpu.memory_space<semaphore_mem>>) {add = true}
          %dma_wait3A_139 = arith.constant 0 : i32
          %dma_wait3A_140 = tpu.memref_slice %arg8[%add3A_117, %dma_wait3A_139] : memref<40x128xi32, #tpu.memory_space<vmem>> -> memref<1x128xi32, #tpu.memory_space<vmem>>
          %dma_wait3A_141 = tpu.memref_squeeze %dma_wait3A_140 : memref<1x128xi32, #tpu.memory_space<vmem>> -> memref<128xi32, #tpu.memory_space<vmem>>
          %dma_wait3A_142 = arith.constant 0 : i32
          %dma_wait3A_143 = arith.constant 0 : i32
          %dma_wait3A_144 = tpu.memref_slice %arg11[%dma_wait3A_142, %dma_wait3A_143] : memref<10240x128xf32, #tpu.memory_space<vmem_shared>> -> memref<10240x128xf32, #tpu.memory_space<vmem_shared>>
          tpu.wait_indirect_dma semaphore(%run_scoped3A_132 : memref<!tpu.dma_semaphore, #tpu.memory_space<semaphore_mem>>) src(%arg10 : memref<128x128xf32, #tpu.memory_space<vmem>>) dst(%dma_wait3A_144 : memref<10240x128xf32, #tpu.memory_space<vmem_shared>>)
          tpu.yield
        }) : () -> ()
        %add3A_124 = arith.constant 2 : i32
        %add3A_125 = arith.addi %add3A_117, %add3A_124 : i32
        %dma_start3A_126 = arith.constant 0 : i32
        %dma_start3A_127 = tpu.memref_slice %arg7[%add3A_125, %dma_start3A_126] : memref<40x128xi32, #tpu.memory_space<vmem>> -> memref<1x128xi32, #tpu.memory_space<vmem>>
        %dma_start3A_128 = tpu.memref_squeeze %dma_start3A_127 : memref<1x128xi32, #tpu.memory_space<vmem>> -> memref<128xi32, #tpu.memory_space<vmem>>
        %dma_start3A_129 = arith.constant 0 : i32
        %dma_start3A_130 = arith.constant 0 : i32
        %dma_start3A_131 = tpu.memref_slice %arg2[%dma_start3A_129, %dma_start3A_130] : memref<10240x128xf32, #tpu.memory_space<hbm>> -> memref<10240x128xf32, #tpu.memory_space<hbm>>
        tpu.enqueue_indirect_dma source(%dma_start3A_131 : memref<10240x128xf32, #tpu.memory_space<hbm>>) target(%arg10 : memref<128x128xf32, #tpu.memory_space<vmem>>) offsets(%dma_start3A_128 : memref<128xi32, #tpu.memory_space<vmem>>) semaphore(%arg13 : memref<!tpu.dma_semaphore, #tpu.memory_space<semaphore_mem>>)
      }
      %scan3A_78 = arith.constant 19 : i32
      %dma_wait3A_79 = arith.constant 38 : i32
      %dma_wait3A_80 = arith.constant 0 : i32
      %dma_wait3A_81 = tpu.memref_slice %arg7[%dma_wait3A_79, %dma_wait3A_80] : memref<40x128xi32, #tpu.memory_space<vmem>> -> memref<1x128xi32, #tpu.memory_space<vmem>>
      %dma_wait3A_82 = tpu.memref_squeeze %dma_wait3A_81 : memref<1x128xi32, #tpu.memory_space<vmem>> -> memref<128xi32, #tpu.memory_space<vmem>>
      %dma_wait3A_83 = arith.constant 0 : i32
      %dma_wait3A_84 = arith.constant 0 : i32
      %dma_wait3A_85 = tpu.memref_slice %arg2[%dma_wait3A_83, %dma_wait3A_84] : memref<10240x128xf32, #tpu.memory_space<hbm>> -> memref<10240x128xf32, #tpu.memory_space<hbm>>
      tpu.wait_indirect_dma semaphore(%arg12 : memref<!tpu.dma_semaphore, #tpu.memory_space<semaphore_mem>>) src(%dma_wait3A_85 : memref<10240x128xf32, #tpu.memory_space<hbm>>) dst(%arg9 : memref<128x128xf32, #tpu.memory_space<vmem>>)
      %run_scoped3A_86 = arith.constant 38 : i32
      "tpu.region"() ({
        %run_scoped3A_95 = tpu.sem_alloc : memref<!tpu.dma_semaphore, #tpu.memory_space<semaphore_mem>>
        %dma_start3A_96 = arith.constant 0 : i32
        %dma_start3A_97 = tpu.memref_slice %arg8[%run_scoped3A_86, %dma_start3A_96] : memref<40x128xi32, #tpu.memory_space<vmem>> -> memref<1x128xi32, #tpu.memory_space<vmem>>
        %dma_start3A_98 = tpu.memref_squeeze %dma_start3A_97 : memref<1x128xi32, #tpu.memory_space<vmem>> -> memref<128xi32, #tpu.memory_space<vmem>>
        %dma_start3A_99 = arith.constant 0 : i32
        %dma_start3A_100 = arith.constant 0 : i32
        %dma_start3A_101 = tpu.memref_slice %arg11[%dma_start3A_99, %dma_start3A_100] : memref<10240x128xf32, #tpu.memory_space<vmem_shared>> -> memref<10240x128xf32, #tpu.memory_space<vmem_shared>>
        tpu.enqueue_indirect_dma source(%arg9 : memref<128x128xf32, #tpu.memory_space<vmem>>) target(%dma_start3A_101 : memref<10240x128xf32, #tpu.memory_space<vmem_shared>>) offsets(%dma_start3A_98 : memref<128xi32, #tpu.memory_space<vmem>>) semaphore(%run_scoped3A_95 : memref<!tpu.dma_semaphore, #tpu.memory_space<semaphore_mem>>) {add = true}
        %dma_wait3A_102 = arith.constant 0 : i32
        %dma_wait3A_103 = tpu.memref_slice %arg8[%run_scoped3A_86, %dma_wait3A_102] : memref<40x128xi32, #tpu.memory_space<vmem>> -> memref<1x128xi32, #tpu.memory_space<vmem>>
        %dma_wait3A_104 = tpu.memref_squeeze %dma_wait3A_103 : memref<1x128xi32, #tpu.memory_space<vmem>> -> memref<128xi32, #tpu.memory_space<vmem>>
        %dma_wait3A_105 = arith.constant 0 : i32
        %dma_wait3A_106 = arith.constant 0 : i32
        %dma_wait3A_107 = tpu.memref_slice %arg11[%dma_wait3A_105, %dma_wait3A_106] : memref<10240x128xf32, #tpu.memory_space<vmem_shared>> -> memref<10240x128xf32, #tpu.memory_space<vmem_shared>>
        tpu.wait_indirect_dma semaphore(%run_scoped3A_95 : memref<!tpu.dma_semaphore, #tpu.memory_space<semaphore_mem>>) src(%arg9 : memref<128x128xf32, #tpu.memory_space<vmem>>) dst(%dma_wait3A_107 : memref<10240x128xf32, #tpu.memory_space<vmem_shared>>)
        tpu.yield
      }) : () -> ()
      %dma_wait3A_87 = arith.constant 39 : i32
      %dma_wait3A_88 = arith.constant 0 : i32
      %dma_wait3A_89 = tpu.memref_slice %arg7[%dma_wait3A_87, %dma_wait3A_88] : memref<40x128xi32, #tpu.memory_space<vmem>> -> memref<1x128xi32, #tpu.memory_space<vmem>>
      %dma_wait3A_90 = tpu.memref_squeeze %dma_wait3A_89 : memref<1x128xi32, #tpu.memory_space<vmem>> -> memref<128xi32, #tpu.memory_space<vmem>>
      %dma_wait3A_91 = arith.constant 0 : i32
      %dma_wait3A_92 = arith.constant 0 : i32
      %dma_wait3A_93 = tpu.memref_slice %arg2[%dma_wait3A_91, %dma_wait3A_92] : memref<10240x128xf32, #tpu.memory_space<hbm>> -> memref<10240x128xf32, #tpu.memory_space<hbm>>
      tpu.wait_indirect_dma semaphore(%arg13 : memref<!tpu.dma_semaphore, #tpu.memory_space<semaphore_mem>>) src(%dma_wait3A_93 : memref<10240x128xf32, #tpu.memory_space<hbm>>) dst(%arg10 : memref<128x128xf32, #tpu.memory_space<vmem>>)
      %run_scoped3A_94 = arith.constant 39 : i32
      "tpu.region"() ({
        %run_scoped3A_95 = tpu.sem_alloc : memref<!tpu.dma_semaphore, #tpu.memory_space<semaphore_mem>>
        %dma_start3A_96 = arith.constant 0 : i32
        %dma_start3A_97 = tpu.memref_slice %arg8[%run_scoped3A_94, %dma_start3A_96] : memref<40x128xi32, #tpu.memory_space<vmem>> -> memref<1x128xi32, #tpu.memory_space<vmem>>
        %dma_start3A_98 = tpu.memref_squeeze %dma_start3A_97 : memref<1x128xi32, #tpu.memory_space<vmem>> -> memref<128xi32, #tpu.memory_space<vmem>>
        %dma_start3A_99 = arith.constant 0 : i32
        %dma_start3A_100 = arith.constant 0 : i32
        %dma_start3A_101 = tpu.memref_slice %arg11[%dma_start3A_99, %dma_start3A_100] : memref<10240x128xf32, #tpu.memory_space<vmem_shared>> -> memref<10240x128xf32, #tpu.memory_space<vmem_shared>>
        tpu.enqueue_indirect_dma source(%arg10 : memref<128x128xf32, #tpu.memory_space<vmem>>) target(%dma_start3A_101 : memref<10240x128xf32, #tpu.memory_space<vmem_shared>>) offsets(%dma_start3A_98 : memref<128xi32, #tpu.memory_space<vmem>>) semaphore(%run_scoped3A_95 : memref<!tpu.dma_semaphore, #tpu.memory_space<semaphore_mem>>) {add = true}
        %dma_wait3A_102 = arith.constant 0 : i32
        %dma_wait3A_103 = tpu.memref_slice %arg8[%run_scoped3A_94, %dma_wait3A_102] : memref<40x128xi32, #tpu.memory_space<vmem>> -> memref<1x128xi32, #tpu.memory_space<vmem>>
        %dma_wait3A_104 = tpu.memref_squeeze %dma_wait3A_103 : memref<1x128xi32, #tpu.memory_space<vmem>> -> memref<128xi32, #tpu.memory_space<vmem>>
        %dma_wait3A_105 = arith.constant 0 : i32
        %dma_wait3A_106 = arith.constant 0 : i32
        %dma_wait3A_107 = tpu.memref_slice %arg11[%dma_wait3A_105, %dma_wait3A_106] : memref<10240x128xf32, #tpu.memory_space<vmem_shared>> -> memref<10240x128xf32, #tpu.memory_space<vmem_shared>>
        tpu.wait_indirect_dma semaphore(%run_scoped3A_95 : memref<!tpu.dma_semaphore, #tpu.memory_space<semaphore_mem>>) src(%arg10 : memref<128x128xf32, #tpu.memory_space<vmem>>) dst(%dma_wait3A_107 : memref<10240x128xf32, #tpu.memory_space<vmem_shared>>)
        tpu.yield
      }) : () -> ()
    } else {
    }
    %barrier3A_10 = arith.constant 0 : index
    tpu.barrier barrier_id(%barrier3A_10)
    %mul3A_11 = arith.constant 640 : i32
    %mul3A_12 = arith.muli %arg1, %mul3A_11 : i32
    %mul3A_13 = arith.constant 10240 : i32
    %mul3A_14 = arith.muli %arg0, %mul3A_13 : i32
    %mul3A_15 = arith.constant 640 : i32
    %mul3A_16 = arith.muli %arg1, %mul3A_15 : i32
    %add3A = arith.addi %mul3A_14, %mul3A_16 : i32
    "tpu.region"() ({
      %run_scoped3A = tpu.sem_alloc : memref<!tpu.dma_semaphore, #tpu.memory_space<semaphore_mem>>
      %dma_start3A = arith.constant 0 : i32
      %dma_start3A_17 = tpu.memref_slice %arg6[%add3A, %dma_start3A] : memref<20480x128xf32, #tpu.memory_space<hbm>> -> memref<640x128xf32, #tpu.memory_space<hbm>>
      %dma_start3A_18 = arith.constant 0 : i32
      %dma_start3A_19 = tpu.memref_slice %arg11[%mul3A_12, %dma_start3A_18] : memref<10240x128xf32, #tpu.memory_space<vmem_shared>> -> memref<640x128xf32, #tpu.memory_space<vmem_shared>>
      tpu.enqueue_dma source(%dma_start3A_19 : memref<640x128xf32, #tpu.memory_space<vmem_shared>>) target(%dma_start3A_17 : memref<640x128xf32, #tpu.memory_space<hbm>>) target_semaphore(%run_scoped3A : memref<!tpu.dma_semaphore, #tpu.memory_space<semaphore_mem>>)
      %dma_wait3A = arith.constant 0 : i32
      %dma_wait3A_20 = tpu.memref_slice %arg6[%add3A, %dma_wait3A] : memref<20480x128xf32, #tpu.memory_space<hbm>> -> memref<640x128xf32, #tpu.memory_space<hbm>>
      %dma_wait3A_21 = arith.constant 0 : i32
      %dma_wait3A_22 = tpu.memref_slice %arg11[%mul3A_12, %dma_wait3A_21] : memref<10240x128xf32, #tpu.memory_space<vmem_shared>> -> memref<640x128xf32, #tpu.memory_space<vmem_shared>>
      tpu.wait_dma2 semaphore(%run_scoped3A : memref<!tpu.dma_semaphore, #tpu.memory_space<semaphore_mem>>) src(%dma_wait3A_22 : memref<640x128xf32, #tpu.memory_space<vmem_shared>>) dst(%dma_wait3A_20 : memref<640x128xf32, #tpu.memory_space<hbm>>)
      tpu.yield
    }) : () -> ()
    return
  }
}

#map = affine_map<(d0, d1) -> (0, 0)>
module attributes {stable_mosaic.version = 14 : i64} {
  func.func @k(%arg0: i32, %arg1: i32, %arg2: memref<10240x128xf32, #tpu.memory_space<hbm>>, %arg3: memref<2560x128xi32, #tpu.memory_space<hbm>>, %arg4: memref<2560x128xi32, #tpu.memory_space<hbm>>, %arg5: memref<10240x128xf32, #tpu.memory_space<hbm>>, %arg6: memref<20480x128xf32, #tpu.memory_space<hbm>>, %arg7: memref<40x128xi32, #tpu.memory_space<vmem>>, %arg8: memref<40x128xi32, #tpu.memory_space<vmem>>, %arg9: memref<128x128xf32, #tpu.memory_space<vmem>>, %arg10: memref<128x128xf32, #tpu.memory_space<vmem>>, %arg11: memref<10240x128xf32, #tpu.memory_space<vmem_shared>>, %arg12: memref<!tpu.dma_semaphore, #tpu.memory_space<semaphore_mem>>, %arg13: memref<!tpu.dma_semaphore, #tpu.memory_space<semaphore_mem>>) attributes {dimension_semantics = [#tpu.dimension_semantics<core_parallel>, #tpu.dimension_semantics<subcore_parallel>], iteration_bounds = array<i64: 2, 16>, scalar_prefetch = 0 : i64, scratch_operands = 7 : i64, tpu.core_type = #tpu.core_type<sc_vector_subcore>, window_params = [{transform_indices = #map}, {transform_indices = #map}, {transform_indices = #map}, {transform_indices = #map}, {transform_indices = #map}]} {
    %mul3A = arith.constant 640 : i32
    %mul3A_0 = arith.muli %arg1, %mul3A : i32
    %mul3A_1 = arith.constant 640 : i32
    %mul3A_2 = arith.muli %arg1, %mul3A_1 : i32
    "tpu.region"() ({
      %run_scoped3A = tpu.sem_alloc : memref<!tpu.dma_semaphore, #tpu.memory_space<semaphore_mem>>
      %dma_start3A = arith.constant 0 : i32
      %dma_start3A_17 = tpu.memref_slice %arg11[%mul3A_2, %dma_start3A] : memref<10240x128xf32, #tpu.memory_space<vmem_shared>> -> memref<640x128xf32, #tpu.memory_space<vmem_shared>>
      %dma_start3A_18 = arith.constant 0 : i32
      %dma_start3A_19 = tpu.memref_slice %arg5[%mul3A_0, %dma_start3A_18] : memref<10240x128xf32, #tpu.memory_space<hbm>> -> memref<640x128xf32, #tpu.memory_space<hbm>>
      tpu.enqueue_dma source(%dma_start3A_19 : memref<640x128xf32, #tpu.memory_space<hbm>>) target(%dma_start3A_17 : memref<640x128xf32, #tpu.memory_space<vmem_shared>>) target_semaphore(%run_scoped3A : memref<!tpu.dma_semaphore, #tpu.memory_space<semaphore_mem>>)
      %dma_wait3A = arith.constant 0 : i32
      %dma_wait3A_20 = tpu.memref_slice %arg11[%mul3A_2, %dma_wait3A] : memref<10240x128xf32, #tpu.memory_space<vmem_shared>> -> memref<640x128xf32, #tpu.memory_space<vmem_shared>>
      %dma_wait3A_21 = arith.constant 0 : i32
      %dma_wait3A_22 = tpu.memref_slice %arg5[%mul3A_0, %dma_wait3A_21] : memref<10240x128xf32, #tpu.memory_space<hbm>> -> memref<640x128xf32, #tpu.memory_space<hbm>>
      tpu.wait_dma2 semaphore(%run_scoped3A : memref<!tpu.dma_semaphore, #tpu.memory_space<semaphore_mem>>) src(%dma_wait3A_22 : memref<640x128xf32, #tpu.memory_space<hbm>>) dst(%dma_wait3A_20 : memref<640x128xf32, #tpu.memory_space<vmem_shared>>)
      tpu.yield
    }) : () -> ()
    %barrier3A = arith.constant 0 : index
    tpu.barrier barrier_id(%barrier3A)
    %eq3A = arith.constant 0 : i32
    %eq3A_3 = arith.cmpi eq, %arg0, %eq3A : i32
    %convert_element_type3A = arith.extui %eq3A_3 : i1 to i32
    %cond3A = arith.constant 0 : i32
    %cond3A_4 = arith.cmpi ne, %convert_element_type3A, %cond3A : i32
    scf.if %cond3A_4 {
      %mul3A_17 = arith.constant 80 : i32
      %mul3A_18 = arith.muli %arg1, %mul3A_17 : i32
      %add3A_19 = arith.constant 0 : i32
      %add3A_20 = arith.addi %mul3A_18, %add3A_19 : i32
      "tpu.region"() ({
        %run_scoped3A_91 = tpu.sem_alloc : memref<!tpu.dma_semaphore, #tpu.memory_space<semaphore_mem>>
        %dma_start3A_92 = arith.constant 0 : i32
        %dma_start3A_93 = tpu.memref_slice %arg3[%add3A_20, %dma_start3A_92] : memref<2560x128xi32, #tpu.memory_space<hbm>> -> memref<40x128xi32, #tpu.memory_space<hbm>>
        %dma_start3A_94 = arith.constant 0 : i32
        %dma_start3A_95 = tpu.memref_slice %arg3[%add3A_20, %dma_start3A_94] : memref<2560x128xi32, #tpu.memory_space<hbm>> -> memref<40x128xi32, #tpu.memory_space<hbm>>
        tpu.enqueue_dma source(%dma_start3A_95 : memref<40x128xi32, #tpu.memory_space<hbm>>) target(%arg7 : memref<40x128xi32, #tpu.memory_space<vmem>>) target_semaphore(%run_scoped3A_91 : memref<!tpu.dma_semaphore, #tpu.memory_space<semaphore_mem>>)
        %dma_wait3A_96 = arith.constant 0 : i32
        %dma_wait3A_97 = tpu.memref_slice %arg3[%add3A_20, %dma_wait3A_96] : memref<2560x128xi32, #tpu.memory_space<hbm>> -> memref<40x128xi32, #tpu.memory_space<hbm>>
        %dma_wait3A_98 = arith.constant 0 : i32
        %dma_wait3A_99 = tpu.memref_slice %arg3[%add3A_20, %dma_wait3A_98] : memref<2560x128xi32, #tpu.memory_space<hbm>> -> memref<40x128xi32, #tpu.memory_space<hbm>>
        tpu.wait_dma2 semaphore(%run_scoped3A_91 : memref<!tpu.dma_semaphore, #tpu.memory_space<semaphore_mem>>) src(%dma_wait3A_99 : memref<40x128xi32, #tpu.memory_space<hbm>>) dst(%arg7 : memref<40x128xi32, #tpu.memory_space<vmem>>)
        tpu.yield
      }) : () -> ()
      "tpu.region"() ({
        %run_scoped3A_91 = tpu.sem_alloc : memref<!tpu.dma_semaphore, #tpu.memory_space<semaphore_mem>>
        %dma_start3A_92 = arith.constant 0 : i32
        %dma_start3A_93 = tpu.memref_slice %arg4[%add3A_20, %dma_start3A_92] : memref<2560x128xi32, #tpu.memory_space<hbm>> -> memref<40x128xi32, #tpu.memory_space<hbm>>
        %dma_start3A_94 = arith.constant 0 : i32
        %dma_start3A_95 = tpu.memref_slice %arg4[%add3A_20, %dma_start3A_94] : memref<2560x128xi32, #tpu.memory_space<hbm>> -> memref<40x128xi32, #tpu.memory_space<hbm>>
        tpu.enqueue_dma source(%dma_start3A_95 : memref<40x128xi32, #tpu.memory_space<hbm>>) target(%arg8 : memref<40x128xi32, #tpu.memory_space<vmem>>) target_semaphore(%run_scoped3A_91 : memref<!tpu.dma_semaphore, #tpu.memory_space<semaphore_mem>>)
        %dma_wait3A_96 = arith.constant 0 : i32
        %dma_wait3A_97 = tpu.memref_slice %arg4[%add3A_20, %dma_wait3A_96] : memref<2560x128xi32, #tpu.memory_space<hbm>> -> memref<40x128xi32, #tpu.memory_space<hbm>>
        %dma_wait3A_98 = arith.constant 0 : i32
        %dma_wait3A_99 = tpu.memref_slice %arg4[%add3A_20, %dma_wait3A_98] : memref<2560x128xi32, #tpu.memory_space<hbm>> -> memref<40x128xi32, #tpu.memory_space<hbm>>
        tpu.wait_dma2 semaphore(%run_scoped3A_91 : memref<!tpu.dma_semaphore, #tpu.memory_space<semaphore_mem>>) src(%dma_wait3A_99 : memref<40x128xi32, #tpu.memory_space<hbm>>) dst(%arg8 : memref<40x128xi32, #tpu.memory_space<vmem>>)
        tpu.yield
      }) : () -> ()
      %dma_start3A = arith.constant 0 : i32
      %dma_start3A_21 = arith.constant 0 : i32
      %dma_start3A_22 = tpu.memref_slice %arg7[%dma_start3A, %dma_start3A_21] : memref<40x128xi32, #tpu.memory_space<vmem>> -> memref<1x128xi32, #tpu.memory_space<vmem>>
      %dma_start3A_23 = tpu.memref_squeeze %dma_start3A_22 : memref<1x128xi32, #tpu.memory_space<vmem>> -> memref<128xi32, #tpu.memory_space<vmem>>
      %dma_start3A_24 = arith.constant 0 : i32
      %dma_start3A_25 = arith.constant 0 : i32
      %dma_start3A_26 = tpu.memref_slice %arg2[%dma_start3A_24, %dma_start3A_25] : memref<10240x128xf32, #tpu.memory_space<hbm>> -> memref<10240x128xf32, #tpu.memory_space<hbm>>
      tpu.enqueue_indirect_dma source(%dma_start3A_26 : memref<10240x128xf32, #tpu.memory_space<hbm>>) target(%arg9 : memref<128x128xf32, #tpu.memory_space<vmem>>) offsets(%dma_start3A_23 : memref<128xi32, #tpu.memory_space<vmem>>) semaphore(%arg12 : memref<!tpu.dma_semaphore, #tpu.memory_space<semaphore_mem>>)
      %dma_start3A_27 = arith.constant 1 : i32
      %dma_start3A_28 = arith.constant 0 : i32
      %dma_start3A_29 = tpu.memref_slice %arg7[%dma_start3A_27, %dma_start3A_28] : memref<40x128xi32, #tpu.memory_space<vmem>> -> memref<1x128xi32, #tpu.memory_space<vmem>>
      %dma_start3A_30 = tpu.memref_squeeze %dma_start3A_29 : memref<1x128xi32, #tpu.memory_space<vmem>> -> memref<128xi32, #tpu.memory_space<vmem>>
      %dma_start3A_31 = arith.constant 0 : i32
      %dma_start3A_32 = arith.constant 0 : i32
      %dma_start3A_33 = tpu.memref_slice %arg2[%dma_start3A_31, %dma_start3A_32] : memref<10240x128xf32, #tpu.memory_space<hbm>> -> memref<10240x128xf32, #tpu.memory_space<hbm>>
      tpu.enqueue_indirect_dma source(%dma_start3A_33 : memref<10240x128xf32, #tpu.memory_space<hbm>>) target(%arg10 : memref<128x128xf32, #tpu.memory_space<vmem>>) offsets(%dma_start3A_30 : memref<128xi32, #tpu.memory_space<vmem>>) semaphore(%arg13 : memref<!tpu.dma_semaphore, #tpu.memory_space<semaphore_mem>>)
      %scan3A = arith.constant 0 : i32
      %scan3A_34 = arith.constant 19 : i32
      %scan3A_35 = arith.addi %scan3A, %scan3A_34 : i32
      %scan3A_36 = arith.constant 1 : i32
      scf.for %scan3A_91 = %scan3A to %scan3A_35 step %scan3A_36  : i32 {
        %mul3A_92 = arith.constant 2 : i32
        %mul3A_93 = arith.muli %scan3A_91, %mul3A_92 : i32
        %add3A_94 = arith.constant 0 : i32
        %add3A_95 = arith.addi %add3A_94, %mul3A_93 : i32
        %add3A_96 = arith.constant 0 : i32
        %add3A_97 = arith.addi %add3A_95, %add3A_96 : i32
        %dma_wait3A_98 = arith.constant 0 : i32
        %dma_wait3A_99 = tpu.memref_slice %arg7[%add3A_97, %dma_wait3A_98] : memref<40x128xi32, #tpu.memory_space<vmem>> -> memref<1x128xi32, #tpu.memory_space<vmem>>
        %dma_wait3A_100 = tpu.memref_squeeze %dma_wait3A_99 : memref<1x128xi32, #tpu.memory_space<vmem>> -> memref<128xi32, #tpu.memory_space<vmem>>
        %dma_wait3A_101 = arith.constant 0 : i32
        %dma_wait3A_102 = arith.constant 0 : i32
        %dma_wait3A_103 = tpu.memref_slice %arg2[%dma_wait3A_101, %dma_wait3A_102] : memref<10240x128xf32, #tpu.memory_space<hbm>> -> memref<10240x128xf32, #tpu.memory_space<hbm>>
        tpu.wait_indirect_dma semaphore(%arg12 : memref<!tpu.dma_semaphore, #tpu.memory_space<semaphore_mem>>) src(%dma_wait3A_103 : memref<10240x128xf32, #tpu.memory_space<hbm>>) dst(%arg9 : memref<128x128xf32, #tpu.memory_space<vmem>>)
        "tpu.region"() ({
          %run_scoped3A_128 = tpu.sem_alloc : memref<!tpu.dma_semaphore, #tpu.memory_space<semaphore_mem>>
          %dma_start3A_129 = arith.constant 0 : i32
          %dma_start3A_130 = tpu.memref_slice %arg8[%add3A_97, %dma_start3A_129] : memref<40x128xi32, #tpu.memory_space<vmem>> -> memref<1x128xi32, #tpu.memory_space<vmem>>
          %dma_start3A_131 = tpu.memref_squeeze %dma_start3A_130 : memref<1x128xi32, #tpu.memory_space<vmem>> -> memref<128xi32, #tpu.memory_space<vmem>>
          %dma_start3A_132 = arith.constant 0 : i32
          %dma_start3A_133 = arith.constant 0 : i32
          %dma_start3A_134 = tpu.memref_slice %arg11[%dma_start3A_132, %dma_start3A_133] : memref<10240x128xf32, #tpu.memory_space<vmem_shared>> -> memref<10240x128xf32, #tpu.memory_space<vmem_shared>>
          tpu.enqueue_indirect_dma source(%arg9 : memref<128x128xf32, #tpu.memory_space<vmem>>) target(%dma_start3A_134 : memref<10240x128xf32, #tpu.memory_space<vmem_shared>>) offsets(%dma_start3A_131 : memref<128xi32, #tpu.memory_space<vmem>>) semaphore(%run_scoped3A_128 : memref<!tpu.dma_semaphore, #tpu.memory_space<semaphore_mem>>) {add = true}
          %dma_wait3A_135 = arith.constant 0 : i32
          %dma_wait3A_136 = tpu.memref_slice %arg8[%add3A_97, %dma_wait3A_135] : memref<40x128xi32, #tpu.memory_space<vmem>> -> memref<1x128xi32, #tpu.memory_space<vmem>>
          %dma_wait3A_137 = tpu.memref_squeeze %dma_wait3A_136 : memref<1x128xi32, #tpu.memory_space<vmem>> -> memref<128xi32, #tpu.memory_space<vmem>>
          %dma_wait3A_138 = arith.constant 0 : i32
          %dma_wait3A_139 = arith.constant 0 : i32
          %dma_wait3A_140 = tpu.memref_slice %arg11[%dma_wait3A_138, %dma_wait3A_139] : memref<10240x128xf32, #tpu.memory_space<vmem_shared>> -> memref<10240x128xf32, #tpu.memory_space<vmem_shared>>
          tpu.wait_indirect_dma semaphore(%run_scoped3A_128 : memref<!tpu.dma_semaphore, #tpu.memory_space<semaphore_mem>>) src(%arg9 : memref<128x128xf32, #tpu.memory_space<vmem>>) dst(%dma_wait3A_140 : memref<10240x128xf32, #tpu.memory_space<vmem_shared>>)
          tpu.yield
        }) : () -> ()
        %add3A_104 = arith.constant 2 : i32
        %add3A_105 = arith.addi %add3A_97, %add3A_104 : i32
        %dma_start3A_106 = arith.constant 0 : i32
        %dma_start3A_107 = tpu.memref_slice %arg7[%add3A_105, %dma_start3A_106] : memref<40x128xi32, #tpu.memory_space<vmem>> -> memref<1x128xi32, #tpu.memory_space<vmem>>
        %dma_start3A_108 = tpu.memref_squeeze %dma_start3A_107 : memref<1x128xi32, #tpu.memory_space<vmem>> -> memref<128xi32, #tpu.memory_space<vmem>>
        %dma_start3A_109 = arith.constant 0 : i32
        %dma_start3A_110 = arith.constant 0 : i32
        %dma_start3A_111 = tpu.memref_slice %arg2[%dma_start3A_109, %dma_start3A_110] : memref<10240x128xf32, #tpu.memory_space<hbm>> -> memref<10240x128xf32, #tpu.memory_space<hbm>>
        tpu.enqueue_indirect_dma source(%dma_start3A_111 : memref<10240x128xf32, #tpu.memory_space<hbm>>) target(%arg9 : memref<128x128xf32, #tpu.memory_space<vmem>>) offsets(%dma_start3A_108 : memref<128xi32, #tpu.memory_space<vmem>>) semaphore(%arg12 : memref<!tpu.dma_semaphore, #tpu.memory_space<semaphore_mem>>)
        %add3A_112 = arith.constant 1 : i32
        %add3A_113 = arith.addi %add3A_95, %add3A_112 : i32
        %dma_wait3A_114 = arith.constant 0 : i32
        %dma_wait3A_115 = tpu.memref_slice %arg7[%add3A_113, %dma_wait3A_114] : memref<40x128xi32, #tpu.memory_space<vmem>> -> memref<1x128xi32, #tpu.memory_space<vmem>>
        %dma_wait3A_116 = tpu.memref_squeeze %dma_wait3A_115 : memref<1x128xi32, #tpu.memory_space<vmem>> -> memref<128xi32, #tpu.memory_space<vmem>>
        %dma_wait3A_117 = arith.constant 0 : i32
        %dma_wait3A_118 = arith.constant 0 : i32
        %dma_wait3A_119 = tpu.memref_slice %arg2[%dma_wait3A_117, %dma_wait3A_118] : memref<10240x128xf32, #tpu.memory_space<hbm>> -> memref<10240x128xf32, #tpu.memory_space<hbm>>
        tpu.wait_indirect_dma semaphore(%arg13 : memref<!tpu.dma_semaphore, #tpu.memory_space<semaphore_mem>>) src(%dma_wait3A_119 : memref<10240x128xf32, #tpu.memory_space<hbm>>) dst(%arg10 : memref<128x128xf32, #tpu.memory_space<vmem>>)
        "tpu.region"() ({
          %run_scoped3A_128 = tpu.sem_alloc : memref<!tpu.dma_semaphore, #tpu.memory_space<semaphore_mem>>
          %dma_start3A_129 = arith.constant 0 : i32
          %dma_start3A_130 = tpu.memref_slice %arg8[%add3A_113, %dma_start3A_129] : memref<40x128xi32, #tpu.memory_space<vmem>> -> memref<1x128xi32, #tpu.memory_space<vmem>>
          %dma_start3A_131 = tpu.memref_squeeze %dma_start3A_130 : memref<1x128xi32, #tpu.memory_space<vmem>> -> memref<128xi32, #tpu.memory_space<vmem>>
          %dma_start3A_132 = arith.constant 0 : i32
          %dma_start3A_133 = arith.constant 0 : i32
          %dma_start3A_134 = tpu.memref_slice %arg11[%dma_start3A_132, %dma_start3A_133] : memref<10240x128xf32, #tpu.memory_space<vmem_shared>> -> memref<10240x128xf32, #tpu.memory_space<vmem_shared>>
          tpu.enqueue_indirect_dma source(%arg10 : memref<128x128xf32, #tpu.memory_space<vmem>>) target(%dma_start3A_134 : memref<10240x128xf32, #tpu.memory_space<vmem_shared>>) offsets(%dma_start3A_131 : memref<128xi32, #tpu.memory_space<vmem>>) semaphore(%run_scoped3A_128 : memref<!tpu.dma_semaphore, #tpu.memory_space<semaphore_mem>>) {add = true}
          %dma_wait3A_135 = arith.constant 0 : i32
          %dma_wait3A_136 = tpu.memref_slice %arg8[%add3A_113, %dma_wait3A_135] : memref<40x128xi32, #tpu.memory_space<vmem>> -> memref<1x128xi32, #tpu.memory_space<vmem>>
          %dma_wait3A_137 = tpu.memref_squeeze %dma_wait3A_136 : memref<1x128xi32, #tpu.memory_space<vmem>> -> memref<128xi32, #tpu.memory_space<vmem>>
          %dma_wait3A_138 = arith.constant 0 : i32
          %dma_wait3A_139 = arith.constant 0 : i32
          %dma_wait3A_140 = tpu.memref_slice %arg11[%dma_wait3A_138, %dma_wait3A_139] : memref<10240x128xf32, #tpu.memory_space<vmem_shared>> -> memref<10240x128xf32, #tpu.memory_space<vmem_shared>>
          tpu.wait_indirect_dma semaphore(%run_scoped3A_128 : memref<!tpu.dma_semaphore, #tpu.memory_space<semaphore_mem>>) src(%arg10 : memref<128x128xf32, #tpu.memory_space<vmem>>) dst(%dma_wait3A_140 : memref<10240x128xf32, #tpu.memory_space<vmem_shared>>)
          tpu.yield
        }) : () -> ()
        %add3A_120 = arith.constant 2 : i32
        %add3A_121 = arith.addi %add3A_113, %add3A_120 : i32
        %dma_start3A_122 = arith.constant 0 : i32
        %dma_start3A_123 = tpu.memref_slice %arg7[%add3A_121, %dma_start3A_122] : memref<40x128xi32, #tpu.memory_space<vmem>> -> memref<1x128xi32, #tpu.memory_space<vmem>>
        %dma_start3A_124 = tpu.memref_squeeze %dma_start3A_123 : memref<1x128xi32, #tpu.memory_space<vmem>> -> memref<128xi32, #tpu.memory_space<vmem>>
        %dma_start3A_125 = arith.constant 0 : i32
        %dma_start3A_126 = arith.constant 0 : i32
        %dma_start3A_127 = tpu.memref_slice %arg2[%dma_start3A_125, %dma_start3A_126] : memref<10240x128xf32, #tpu.memory_space<hbm>> -> memref<10240x128xf32, #tpu.memory_space<hbm>>
        tpu.enqueue_indirect_dma source(%dma_start3A_127 : memref<10240x128xf32, #tpu.memory_space<hbm>>) target(%arg10 : memref<128x128xf32, #tpu.memory_space<vmem>>) offsets(%dma_start3A_124 : memref<128xi32, #tpu.memory_space<vmem>>) semaphore(%arg13 : memref<!tpu.dma_semaphore, #tpu.memory_space<semaphore_mem>>)
      }
      %scan3A_37 = arith.constant 19 : i32
      %dma_wait3A = arith.constant 38 : i32
      %dma_wait3A_38 = arith.constant 0 : i32
      %dma_wait3A_39 = tpu.memref_slice %arg7[%dma_wait3A, %dma_wait3A_38] : memref<40x128xi32, #tpu.memory_space<vmem>> -> memref<1x128xi32, #tpu.memory_space<vmem>>
      %dma_wait3A_40 = tpu.memref_squeeze %dma_wait3A_39 : memref<1x128xi32, #tpu.memory_space<vmem>> -> memref<128xi32, #tpu.memory_space<vmem>>
      %dma_wait3A_41 = arith.constant 0 : i32
      %dma_wait3A_42 = arith.constant 0 : i32
      %dma_wait3A_43 = tpu.memref_slice %arg2[%dma_wait3A_41, %dma_wait3A_42] : memref<10240x128xf32, #tpu.memory_space<hbm>> -> memref<10240x128xf32, #tpu.memory_space<hbm>>
      tpu.wait_indirect_dma semaphore(%arg12 : memref<!tpu.dma_semaphore, #tpu.memory_space<semaphore_mem>>) src(%dma_wait3A_43 : memref<10240x128xf32, #tpu.memory_space<hbm>>) dst(%arg9 : memref<128x128xf32, #tpu.memory_space<vmem>>)
      %run_scoped3A = arith.constant 38 : i32
      "tpu.region"() ({
        %run_scoped3A_91 = tpu.sem_alloc : memref<!tpu.dma_semaphore, #tpu.memory_space<semaphore_mem>>
        %dma_start3A_92 = arith.constant 0 : i32
        %dma_start3A_93 = tpu.memref_slice %arg8[%run_scoped3A, %dma_start3A_92] : memref<40x128xi32, #tpu.memory_space<vmem>> -> memref<1x128xi32, #tpu.memory_space<vmem>>
        %dma_start3A_94 = tpu.memref_squeeze %dma_start3A_93 : memref<1x128xi32, #tpu.memory_space<vmem>> -> memref<128xi32, #tpu.memory_space<vmem>>
        %dma_start3A_95 = arith.constant 0 : i32
        %dma_start3A_96 = arith.constant 0 : i32
        %dma_start3A_97 = tpu.memref_slice %arg11[%dma_start3A_95, %dma_start3A_96] : memref<10240x128xf32, #tpu.memory_space<vmem_shared>> -> memref<10240x128xf32, #tpu.memory_space<vmem_shared>>
        tpu.enqueue_indirect_dma source(%arg9 : memref<128x128xf32, #tpu.memory_space<vmem>>) target(%dma_start3A_97 : memref<10240x128xf32, #tpu.memory_space<vmem_shared>>) offsets(%dma_start3A_94 : memref<128xi32, #tpu.memory_space<vmem>>) semaphore(%run_scoped3A_91 : memref<!tpu.dma_semaphore, #tpu.memory_space<semaphore_mem>>) {add = true}
        %dma_wait3A_98 = arith.constant 0 : i32
        %dma_wait3A_99 = tpu.memref_slice %arg8[%run_scoped3A, %dma_wait3A_98] : memref<40x128xi32, #tpu.memory_space<vmem>> -> memref<1x128xi32, #tpu.memory_space<vmem>>
        %dma_wait3A_100 = tpu.memref_squeeze %dma_wait3A_99 : memref<1x128xi32, #tpu.memory_space<vmem>> -> memref<128xi32, #tpu.memory_space<vmem>>
        %dma_wait3A_101 = arith.constant 0 : i32
        %dma_wait3A_102 = arith.constant 0 : i32
        %dma_wait3A_103 = tpu.memref_slice %arg11[%dma_wait3A_101, %dma_wait3A_102] : memref<10240x128xf32, #tpu.memory_space<vmem_shared>> -> memref<10240x128xf32, #tpu.memory_space<vmem_shared>>
        tpu.wait_indirect_dma semaphore(%run_scoped3A_91 : memref<!tpu.dma_semaphore, #tpu.memory_space<semaphore_mem>>) src(%arg9 : memref<128x128xf32, #tpu.memory_space<vmem>>) dst(%dma_wait3A_103 : memref<10240x128xf32, #tpu.memory_space<vmem_shared>>)
        tpu.yield
      }) : () -> ()
      %dma_wait3A_44 = arith.constant 39 : i32
      %dma_wait3A_45 = arith.constant 0 : i32
      %dma_wait3A_46 = tpu.memref_slice %arg7[%dma_wait3A_44, %dma_wait3A_45] : memref<40x128xi32, #tpu.memory_space<vmem>> -> memref<1x128xi32, #tpu.memory_space<vmem>>
      %dma_wait3A_47 = tpu.memref_squeeze %dma_wait3A_46 : memref<1x128xi32, #tpu.memory_space<vmem>> -> memref<128xi32, #tpu.memory_space<vmem>>
      %dma_wait3A_48 = arith.constant 0 : i32
      %dma_wait3A_49 = arith.constant 0 : i32
      %dma_wait3A_50 = tpu.memref_slice %arg2[%dma_wait3A_48, %dma_wait3A_49] : memref<10240x128xf32, #tpu.memory_space<hbm>> -> memref<10240x128xf32, #tpu.memory_space<hbm>>
      tpu.wait_indirect_dma semaphore(%arg13 : memref<!tpu.dma_semaphore, #tpu.memory_space<semaphore_mem>>) src(%dma_wait3A_50 : memref<10240x128xf32, #tpu.memory_space<hbm>>) dst(%arg10 : memref<128x128xf32, #tpu.memory_space<vmem>>)
      %run_scoped3A_51 = arith.constant 39 : i32
      "tpu.region"() ({
        %run_scoped3A_91 = tpu.sem_alloc : memref<!tpu.dma_semaphore, #tpu.memory_space<semaphore_mem>>
        %dma_start3A_92 = arith.constant 0 : i32
        %dma_start3A_93 = tpu.memref_slice %arg8[%run_scoped3A_51, %dma_start3A_92] : memref<40x128xi32, #tpu.memory_space<vmem>> -> memref<1x128xi32, #tpu.memory_space<vmem>>
        %dma_start3A_94 = tpu.memref_squeeze %dma_start3A_93 : memref<1x128xi32, #tpu.memory_space<vmem>> -> memref<128xi32, #tpu.memory_space<vmem>>
        %dma_start3A_95 = arith.constant 0 : i32
        %dma_start3A_96 = arith.constant 0 : i32
        %dma_start3A_97 = tpu.memref_slice %arg11[%dma_start3A_95, %dma_start3A_96] : memref<10240x128xf32, #tpu.memory_space<vmem_shared>> -> memref<10240x128xf32, #tpu.memory_space<vmem_shared>>
        tpu.enqueue_indirect_dma source(%arg10 : memref<128x128xf32, #tpu.memory_space<vmem>>) target(%dma_start3A_97 : memref<10240x128xf32, #tpu.memory_space<vmem_shared>>) offsets(%dma_start3A_94 : memref<128xi32, #tpu.memory_space<vmem>>) semaphore(%run_scoped3A_91 : memref<!tpu.dma_semaphore, #tpu.memory_space<semaphore_mem>>) {add = true}
        %dma_wait3A_98 = arith.constant 0 : i32
        %dma_wait3A_99 = tpu.memref_slice %arg8[%run_scoped3A_51, %dma_wait3A_98] : memref<40x128xi32, #tpu.memory_space<vmem>> -> memref<1x128xi32, #tpu.memory_space<vmem>>
        %dma_wait3A_100 = tpu.memref_squeeze %dma_wait3A_99 : memref<1x128xi32, #tpu.memory_space<vmem>> -> memref<128xi32, #tpu.memory_space<vmem>>
        %dma_wait3A_101 = arith.constant 0 : i32
        %dma_wait3A_102 = arith.constant 0 : i32
        %dma_wait3A_103 = tpu.memref_slice %arg11[%dma_wait3A_101, %dma_wait3A_102] : memref<10240x128xf32, #tpu.memory_space<vmem_shared>> -> memref<10240x128xf32, #tpu.memory_space<vmem_shared>>
        tpu.wait_indirect_dma semaphore(%run_scoped3A_91 : memref<!tpu.dma_semaphore, #tpu.memory_space<semaphore_mem>>) src(%arg10 : memref<128x128xf32, #tpu.memory_space<vmem>>) dst(%dma_wait3A_103 : memref<10240x128xf32, #tpu.memory_space<vmem_shared>>)
        tpu.yield
      }) : () -> ()
      %mul3A_52 = arith.constant 80 : i32
      %mul3A_53 = arith.muli %arg1, %mul3A_52 : i32
      %add3A_54 = arith.constant 40 : i32
      %add3A_55 = arith.addi %mul3A_53, %add3A_54 : i32
      "tpu.region"() ({
        %run_scoped3A_91 = tpu.sem_alloc : memref<!tpu.dma_semaphore, #tpu.memory_space<semaphore_mem>>
        %dma_start3A_92 = arith.constant 0 : i32
        %dma_start3A_93 = tpu.memref_slice %arg3[%add3A_55, %dma_start3A_92] : memref<2560x128xi32, #tpu.memory_space<hbm>> -> memref<40x128xi32, #tpu.memory_space<hbm>>
        %dma_start3A_94 = arith.constant 0 : i32
        %dma_start3A_95 = tpu.memref_slice %arg3[%add3A_55, %dma_start3A_94] : memref<2560x128xi32, #tpu.memory_space<hbm>> -> memref<40x128xi32, #tpu.memory_space<hbm>>
        tpu.enqueue_dma source(%dma_start3A_95 : memref<40x128xi32, #tpu.memory_space<hbm>>) target(%arg7 : memref<40x128xi32, #tpu.memory_space<vmem>>) target_semaphore(%run_scoped3A_91 : memref<!tpu.dma_semaphore, #tpu.memory_space<semaphore_mem>>)
        %dma_wait3A_96 = arith.constant 0 : i32
        %dma_wait3A_97 = tpu.memref_slice %arg3[%add3A_55, %dma_wait3A_96] : memref<2560x128xi32, #tpu.memory_space<hbm>> -> memref<40x128xi32, #tpu.memory_space<hbm>>
        %dma_wait3A_98 = arith.constant 0 : i32
        %dma_wait3A_99 = tpu.memref_slice %arg3[%add3A_55, %dma_wait3A_98] : memref<2560x128xi32, #tpu.memory_space<hbm>> -> memref<40x128xi32, #tpu.memory_space<hbm>>
        tpu.wait_dma2 semaphore(%run_scoped3A_91 : memref<!tpu.dma_semaphore, #tpu.memory_space<semaphore_mem>>) src(%dma_wait3A_99 : memref<40x128xi32, #tpu.memory_space<hbm>>) dst(%arg7 : memref<40x128xi32, #tpu.memory_space<vmem>>)
        tpu.yield
      }) : () -> ()
      "tpu.region"() ({
        %run_scoped3A_91 = tpu.sem_alloc : memref<!tpu.dma_semaphore, #tpu.memory_space<semaphore_mem>>
        %dma_start3A_92 = arith.constant 0 : i32
        %dma_start3A_93 = tpu.memref_slice %arg4[%add3A_55, %dma_start3A_92] : memref<2560x128xi32, #tpu.memory_space<hbm>> -> memref<40x128xi32, #tpu.memory_space<hbm>>
        %dma_start3A_94 = arith.constant 0 : i32
        %dma_start3A_95 = tpu.memref_slice %arg4[%add3A_55, %dma_start3A_94] : memref<2560x128xi32, #tpu.memory_space<hbm>> -> memref<40x128xi32, #tpu.memory_space<hbm>>
        tpu.enqueue_dma source(%dma_start3A_95 : memref<40x128xi32, #tpu.memory_space<hbm>>) target(%arg8 : memref<40x128xi32, #tpu.memory_space<vmem>>) target_semaphore(%run_scoped3A_91 : memref<!tpu.dma_semaphore, #tpu.memory_space<semaphore_mem>>)
        %dma_wait3A_96 = arith.constant 0 : i32
        %dma_wait3A_97 = tpu.memref_slice %arg4[%add3A_55, %dma_wait3A_96] : memref<2560x128xi32, #tpu.memory_space<hbm>> -> memref<40x128xi32, #tpu.memory_space<hbm>>
        %dma_wait3A_98 = arith.constant 0 : i32
        %dma_wait3A_99 = tpu.memref_slice %arg4[%add3A_55, %dma_wait3A_98] : memref<2560x128xi32, #tpu.memory_space<hbm>> -> memref<40x128xi32, #tpu.memory_space<hbm>>
        tpu.wait_dma2 semaphore(%run_scoped3A_91 : memref<!tpu.dma_semaphore, #tpu.memory_space<semaphore_mem>>) src(%dma_wait3A_99 : memref<40x128xi32, #tpu.memory_space<hbm>>) dst(%arg8 : memref<40x128xi32, #tpu.memory_space<vmem>>)
        tpu.yield
      }) : () -> ()
      %dma_start3A_56 = arith.constant 0 : i32
      %dma_start3A_57 = arith.constant 0 : i32
      %dma_start3A_58 = tpu.memref_slice %arg7[%dma_start3A_56, %dma_start3A_57] : memref<40x128xi32, #tpu.memory_space<vmem>> -> memref<1x128xi32, #tpu.memory_space<vmem>>
      %dma_start3A_59 = tpu.memref_squeeze %dma_start3A_58 : memref<1x128xi32, #tpu.memory_space<vmem>> -> memref<128xi32, #tpu.memory_space<vmem>>
      %dma_start3A_60 = arith.constant 0 : i32
      %dma_start3A_61 = arith.constant 0 : i32
      %dma_start3A_62 = tpu.memref_slice %arg2[%dma_start3A_60, %dma_start3A_61] : memref<10240x128xf32, #tpu.memory_space<hbm>> -> memref<10240x128xf32, #tpu.memory_space<hbm>>
      tpu.enqueue_indirect_dma source(%dma_start3A_62 : memref<10240x128xf32, #tpu.memory_space<hbm>>) target(%arg9 : memref<128x128xf32, #tpu.memory_space<vmem>>) offsets(%dma_start3A_59 : memref<128xi32, #tpu.memory_space<vmem>>) semaphore(%arg12 : memref<!tpu.dma_semaphore, #tpu.memory_space<semaphore_mem>>)
      %dma_start3A_63 = arith.constant 1 : i32
      %dma_start3A_64 = arith.constant 0 : i32
      %dma_start3A_65 = tpu.memref_slice %arg7[%dma_start3A_63, %dma_start3A_64] : memref<40x128xi32, #tpu.memory_space<vmem>> -> memref<1x128xi32, #tpu.memory_space<vmem>>
      %dma_start3A_66 = tpu.memref_squeeze %dma_start3A_65 : memref<1x128xi32, #tpu.memory_space<vmem>> -> memref<128xi32, #tpu.memory_space<vmem>>
      %dma_start3A_67 = arith.constant 0 : i32
      %dma_start3A_68 = arith.constant 0 : i32
      %dma_start3A_69 = tpu.memref_slice %arg2[%dma_start3A_67, %dma_start3A_68] : memref<10240x128xf32, #tpu.memory_space<hbm>> -> memref<10240x128xf32, #tpu.memory_space<hbm>>
      tpu.enqueue_indirect_dma source(%dma_start3A_69 : memref<10240x128xf32, #tpu.memory_space<hbm>>) target(%arg10 : memref<128x128xf32, #tpu.memory_space<vmem>>) offsets(%dma_start3A_66 : memref<128xi32, #tpu.memory_space<vmem>>) semaphore(%arg13 : memref<!tpu.dma_semaphore, #tpu.memory_space<semaphore_mem>>)
      %scan3A_70 = arith.constant 0 : i32
      %scan3A_71 = arith.constant 19 : i32
      %scan3A_72 = arith.addi %scan3A_70, %scan3A_71 : i32
      %scan3A_73 = arith.constant 1 : i32
      scf.for %scan3A_91 = %scan3A_70 to %scan3A_72 step %scan3A_73  : i32 {
        %mul3A_92 = arith.constant 2 : i32
        %mul3A_93 = arith.muli %scan3A_91, %mul3A_92 : i32
        %add3A_94 = arith.constant 0 : i32
        %add3A_95 = arith.addi %add3A_94, %mul3A_93 : i32
        %add3A_96 = arith.constant 0 : i32
        %add3A_97 = arith.addi %add3A_95, %add3A_96 : i32
        %dma_wait3A_98 = arith.constant 0 : i32
        %dma_wait3A_99 = tpu.memref_slice %arg7[%add3A_97, %dma_wait3A_98] : memref<40x128xi32, #tpu.memory_space<vmem>> -> memref<1x128xi32, #tpu.memory_space<vmem>>
        %dma_wait3A_100 = tpu.memref_squeeze %dma_wait3A_99 : memref<1x128xi32, #tpu.memory_space<vmem>> -> memref<128xi32, #tpu.memory_space<vmem>>
        %dma_wait3A_101 = arith.constant 0 : i32
        %dma_wait3A_102 = arith.constant 0 : i32
        %dma_wait3A_103 = tpu.memref_slice %arg2[%dma_wait3A_101, %dma_wait3A_102] : memref<10240x128xf32, #tpu.memory_space<hbm>> -> memref<10240x128xf32, #tpu.memory_space<hbm>>
        tpu.wait_indirect_dma semaphore(%arg12 : memref<!tpu.dma_semaphore, #tpu.memory_space<semaphore_mem>>) src(%dma_wait3A_103 : memref<10240x128xf32, #tpu.memory_space<hbm>>) dst(%arg9 : memref<128x128xf32, #tpu.memory_space<vmem>>)
        "tpu.region"() ({
          %run_scoped3A_128 = tpu.sem_alloc : memref<!tpu.dma_semaphore, #tpu.memory_space<semaphore_mem>>
          %dma_start3A_129 = arith.constant 0 : i32
          %dma_start3A_130 = tpu.memref_slice %arg8[%add3A_97, %dma_start3A_129] : memref<40x128xi32, #tpu.memory_space<vmem>> -> memref<1x128xi32, #tpu.memory_space<vmem>>
          %dma_start3A_131 = tpu.memref_squeeze %dma_start3A_130 : memref<1x128xi32, #tpu.memory_space<vmem>> -> memref<128xi32, #tpu.memory_space<vmem>>
          %dma_start3A_132 = arith.constant 0 : i32
          %dma_start3A_133 = arith.constant 0 : i32
          %dma_start3A_134 = tpu.memref_slice %arg11[%dma_start3A_132, %dma_start3A_133] : memref<10240x128xf32, #tpu.memory_space<vmem_shared>> -> memref<10240x128xf32, #tpu.memory_space<vmem_shared>>
          tpu.enqueue_indirect_dma source(%arg9 : memref<128x128xf32, #tpu.memory_space<vmem>>) target(%dma_start3A_134 : memref<10240x128xf32, #tpu.memory_space<vmem_shared>>) offsets(%dma_start3A_131 : memref<128xi32, #tpu.memory_space<vmem>>) semaphore(%run_scoped3A_128 : memref<!tpu.dma_semaphore, #tpu.memory_space<semaphore_mem>>) {add = true}
          %dma_wait3A_135 = arith.constant 0 : i32
          %dma_wait3A_136 = tpu.memref_slice %arg8[%add3A_97, %dma_wait3A_135] : memref<40x128xi32, #tpu.memory_space<vmem>> -> memref<1x128xi32, #tpu.memory_space<vmem>>
          %dma_wait3A_137 = tpu.memref_squeeze %dma_wait3A_136 : memref<1x128xi32, #tpu.memory_space<vmem>> -> memref<128xi32, #tpu.memory_space<vmem>>
          %dma_wait3A_138 = arith.constant 0 : i32
          %dma_wait3A_139 = arith.constant 0 : i32
          %dma_wait3A_140 = tpu.memref_slice %arg11[%dma_wait3A_138, %dma_wait3A_139] : memref<10240x128xf32, #tpu.memory_space<vmem_shared>> -> memref<10240x128xf32, #tpu.memory_space<vmem_shared>>
          tpu.wait_indirect_dma semaphore(%run_scoped3A_128 : memref<!tpu.dma_semaphore, #tpu.memory_space<semaphore_mem>>) src(%arg9 : memref<128x128xf32, #tpu.memory_space<vmem>>) dst(%dma_wait3A_140 : memref<10240x128xf32, #tpu.memory_space<vmem_shared>>)
          tpu.yield
        }) : () -> ()
        %add3A_104 = arith.constant 2 : i32
        %add3A_105 = arith.addi %add3A_97, %add3A_104 : i32
        %dma_start3A_106 = arith.constant 0 : i32
        %dma_start3A_107 = tpu.memref_slice %arg7[%add3A_105, %dma_start3A_106] : memref<40x128xi32, #tpu.memory_space<vmem>> -> memref<1x128xi32, #tpu.memory_space<vmem>>
        %dma_start3A_108 = tpu.memref_squeeze %dma_start3A_107 : memref<1x128xi32, #tpu.memory_space<vmem>> -> memref<128xi32, #tpu.memory_space<vmem>>
        %dma_start3A_109 = arith.constant 0 : i32
        %dma_start3A_110 = arith.constant 0 : i32
        %dma_start3A_111 = tpu.memref_slice %arg2[%dma_start3A_109, %dma_start3A_110] : memref<10240x128xf32, #tpu.memory_space<hbm>> -> memref<10240x128xf32, #tpu.memory_space<hbm>>
        tpu.enqueue_indirect_dma source(%dma_start3A_111 : memref<10240x128xf32, #tpu.memory_space<hbm>>) target(%arg9 : memref<128x128xf32, #tpu.memory_space<vmem>>) offsets(%dma_start3A_108 : memref<128xi32, #tpu.memory_space<vmem>>) semaphore(%arg12 : memref<!tpu.dma_semaphore, #tpu.memory_space<semaphore_mem>>)
        %add3A_112 = arith.constant 1 : i32
        %add3A_113 = arith.addi %add3A_95, %add3A_112 : i32
        %dma_wait3A_114 = arith.constant 0 : i32
        %dma_wait3A_115 = tpu.memref_slice %arg7[%add3A_113, %dma_wait3A_114] : memref<40x128xi32, #tpu.memory_space<vmem>> -> memref<1x128xi32, #tpu.memory_space<vmem>>
        %dma_wait3A_116 = tpu.memref_squeeze %dma_wait3A_115 : memref<1x128xi32, #tpu.memory_space<vmem>> -> memref<128xi32, #tpu.memory_space<vmem>>
        %dma_wait3A_117 = arith.constant 0 : i32
        %dma_wait3A_118 = arith.constant 0 : i32
        %dma_wait3A_119 = tpu.memref_slice %arg2[%dma_wait3A_117, %dma_wait3A_118] : memref<10240x128xf32, #tpu.memory_space<hbm>> -> memref<10240x128xf32, #tpu.memory_space<hbm>>
        tpu.wait_indirect_dma semaphore(%arg13 : memref<!tpu.dma_semaphore, #tpu.memory_space<semaphore_mem>>) src(%dma_wait3A_119 : memref<10240x128xf32, #tpu.memory_space<hbm>>) dst(%arg10 : memref<128x128xf32, #tpu.memory_space<vmem>>)
        "tpu.region"() ({
          %run_scoped3A_128 = tpu.sem_alloc : memref<!tpu.dma_semaphore, #tpu.memory_space<semaphore_mem>>
          %dma_start3A_129 = arith.constant 0 : i32
          %dma_start3A_130 = tpu.memref_slice %arg8[%add3A_113, %dma_start3A_129] : memref<40x128xi32, #tpu.memory_space<vmem>> -> memref<1x128xi32, #tpu.memory_space<vmem>>
          %dma_start3A_131 = tpu.memref_squeeze %dma_start3A_130 : memref<1x128xi32, #tpu.memory_space<vmem>> -> memref<128xi32, #tpu.memory_space<vmem>>
          %dma_start3A_132 = arith.constant 0 : i32
          %dma_start3A_133 = arith.constant 0 : i32
          %dma_start3A_134 = tpu.memref_slice %arg11[%dma_start3A_132, %dma_start3A_133] : memref<10240x128xf32, #tpu.memory_space<vmem_shared>> -> memref<10240x128xf32, #tpu.memory_space<vmem_shared>>
          tpu.enqueue_indirect_dma source(%arg10 : memref<128x128xf32, #tpu.memory_space<vmem>>) target(%dma_start3A_134 : memref<10240x128xf32, #tpu.memory_space<vmem_shared>>) offsets(%dma_start3A_131 : memref<128xi32, #tpu.memory_space<vmem>>) semaphore(%run_scoped3A_128 : memref<!tpu.dma_semaphore, #tpu.memory_space<semaphore_mem>>) {add = true}
          %dma_wait3A_135 = arith.constant 0 : i32
          %dma_wait3A_136 = tpu.memref_slice %arg8[%add3A_113, %dma_wait3A_135] : memref<40x128xi32, #tpu.memory_space<vmem>> -> memref<1x128xi32, #tpu.memory_space<vmem>>
          %dma_wait3A_137 = tpu.memref_squeeze %dma_wait3A_136 : memref<1x128xi32, #tpu.memory_space<vmem>> -> memref<128xi32, #tpu.memory_space<vmem>>
          %dma_wait3A_138 = arith.constant 0 : i32
          %dma_wait3A_139 = arith.constant 0 : i32
          %dma_wait3A_140 = tpu.memref_slice %arg11[%dma_wait3A_138, %dma_wait3A_139] : memref<10240x128xf32, #tpu.memory_space<vmem_shared>> -> memref<10240x128xf32, #tpu.memory_space<vmem_shared>>
          tpu.wait_indirect_dma semaphore(%run_scoped3A_128 : memref<!tpu.dma_semaphore, #tpu.memory_space<semaphore_mem>>) src(%arg10 : memref<128x128xf32, #tpu.memory_space<vmem>>) dst(%dma_wait3A_140 : memref<10240x128xf32, #tpu.memory_space<vmem_shared>>)
          tpu.yield
        }) : () -> ()
        %add3A_120 = arith.constant 2 : i32
        %add3A_121 = arith.addi %add3A_113, %add3A_120 : i32
        %dma_start3A_122 = arith.constant 0 : i32
        %dma_start3A_123 = tpu.memref_slice %arg7[%add3A_121, %dma_start3A_122] : memref<40x128xi32, #tpu.memory_space<vmem>> -> memref<1x128xi32, #tpu.memory_space<vmem>>
        %dma_start3A_124 = tpu.memref_squeeze %dma_start3A_123 : memref<1x128xi32, #tpu.memory_space<vmem>> -> memref<128xi32, #tpu.memory_space<vmem>>
        %dma_start3A_125 = arith.constant 0 : i32
        %dma_start3A_126 = arith.constant 0 : i32
        %dma_start3A_127 = tpu.memref_slice %arg2[%dma_start3A_125, %dma_start3A_126] : memref<10240x128xf32, #tpu.memory_space<hbm>> -> memref<10240x128xf32, #tpu.memory_space<hbm>>
        tpu.enqueue_indirect_dma source(%dma_start3A_127 : memref<10240x128xf32, #tpu.memory_space<hbm>>) target(%arg10 : memref<128x128xf32, #tpu.memory_space<vmem>>) offsets(%dma_start3A_124 : memref<128xi32, #tpu.memory_space<vmem>>) semaphore(%arg13 : memref<!tpu.dma_semaphore, #tpu.memory_space<semaphore_mem>>)
      }
      %scan3A_74 = arith.constant 19 : i32
      %dma_wait3A_75 = arith.constant 38 : i32
      %dma_wait3A_76 = arith.constant 0 : i32
      %dma_wait3A_77 = tpu.memref_slice %arg7[%dma_wait3A_75, %dma_wait3A_76] : memref<40x128xi32, #tpu.memory_space<vmem>> -> memref<1x128xi32, #tpu.memory_space<vmem>>
      %dma_wait3A_78 = tpu.memref_squeeze %dma_wait3A_77 : memref<1x128xi32, #tpu.memory_space<vmem>> -> memref<128xi32, #tpu.memory_space<vmem>>
      %dma_wait3A_79 = arith.constant 0 : i32
      %dma_wait3A_80 = arith.constant 0 : i32
      %dma_wait3A_81 = tpu.memref_slice %arg2[%dma_wait3A_79, %dma_wait3A_80] : memref<10240x128xf32, #tpu.memory_space<hbm>> -> memref<10240x128xf32, #tpu.memory_space<hbm>>
      tpu.wait_indirect_dma semaphore(%arg12 : memref<!tpu.dma_semaphore, #tpu.memory_space<semaphore_mem>>) src(%dma_wait3A_81 : memref<10240x128xf32, #tpu.memory_space<hbm>>) dst(%arg9 : memref<128x128xf32, #tpu.memory_space<vmem>>)
      %run_scoped3A_82 = arith.constant 38 : i32
      "tpu.region"() ({
        %run_scoped3A_91 = tpu.sem_alloc : memref<!tpu.dma_semaphore, #tpu.memory_space<semaphore_mem>>
        %dma_start3A_92 = arith.constant 0 : i32
        %dma_start3A_93 = tpu.memref_slice %arg8[%run_scoped3A_82, %dma_start3A_92] : memref<40x128xi32, #tpu.memory_space<vmem>> -> memref<1x128xi32, #tpu.memory_space<vmem>>
        %dma_start3A_94 = tpu.memref_squeeze %dma_start3A_93 : memref<1x128xi32, #tpu.memory_space<vmem>> -> memref<128xi32, #tpu.memory_space<vmem>>
        %dma_start3A_95 = arith.constant 0 : i32
        %dma_start3A_96 = arith.constant 0 : i32
        %dma_start3A_97 = tpu.memref_slice %arg11[%dma_start3A_95, %dma_start3A_96] : memref<10240x128xf32, #tpu.memory_space<vmem_shared>> -> memref<10240x128xf32, #tpu.memory_space<vmem_shared>>
        tpu.enqueue_indirect_dma source(%arg9 : memref<128x128xf32, #tpu.memory_space<vmem>>) target(%dma_start3A_97 : memref<10240x128xf32, #tpu.memory_space<vmem_shared>>) offsets(%dma_start3A_94 : memref<128xi32, #tpu.memory_space<vmem>>) semaphore(%run_scoped3A_91 : memref<!tpu.dma_semaphore, #tpu.memory_space<semaphore_mem>>) {add = true}
        %dma_wait3A_98 = arith.constant 0 : i32
        %dma_wait3A_99 = tpu.memref_slice %arg8[%run_scoped3A_82, %dma_wait3A_98] : memref<40x128xi32, #tpu.memory_space<vmem>> -> memref<1x128xi32, #tpu.memory_space<vmem>>
        %dma_wait3A_100 = tpu.memref_squeeze %dma_wait3A_99 : memref<1x128xi32, #tpu.memory_space<vmem>> -> memref<128xi32, #tpu.memory_space<vmem>>
        %dma_wait3A_101 = arith.constant 0 : i32
        %dma_wait3A_102 = arith.constant 0 : i32
        %dma_wait3A_103 = tpu.memref_slice %arg11[%dma_wait3A_101, %dma_wait3A_102] : memref<10240x128xf32, #tpu.memory_space<vmem_shared>> -> memref<10240x128xf32, #tpu.memory_space<vmem_shared>>
        tpu.wait_indirect_dma semaphore(%run_scoped3A_91 : memref<!tpu.dma_semaphore, #tpu.memory_space<semaphore_mem>>) src(%arg9 : memref<128x128xf32, #tpu.memory_space<vmem>>) dst(%dma_wait3A_103 : memref<10240x128xf32, #tpu.memory_space<vmem_shared>>)
        tpu.yield
      }) : () -> ()
      %dma_wait3A_83 = arith.constant 39 : i32
      %dma_wait3A_84 = arith.constant 0 : i32
      %dma_wait3A_85 = tpu.memref_slice %arg7[%dma_wait3A_83, %dma_wait3A_84] : memref<40x128xi32, #tpu.memory_space<vmem>> -> memref<1x128xi32, #tpu.memory_space<vmem>>
      %dma_wait3A_86 = tpu.memref_squeeze %dma_wait3A_85 : memref<1x128xi32, #tpu.memory_space<vmem>> -> memref<128xi32, #tpu.memory_space<vmem>>
      %dma_wait3A_87 = arith.constant 0 : i32
      %dma_wait3A_88 = arith.constant 0 : i32
      %dma_wait3A_89 = tpu.memref_slice %arg2[%dma_wait3A_87, %dma_wait3A_88] : memref<10240x128xf32, #tpu.memory_space<hbm>> -> memref<10240x128xf32, #tpu.memory_space<hbm>>
      tpu.wait_indirect_dma semaphore(%arg13 : memref<!tpu.dma_semaphore, #tpu.memory_space<semaphore_mem>>) src(%dma_wait3A_89 : memref<10240x128xf32, #tpu.memory_space<hbm>>) dst(%arg10 : memref<128x128xf32, #tpu.memory_space<vmem>>)
      %run_scoped3A_90 = arith.constant 39 : i32
      "tpu.region"() ({
        %run_scoped3A_91 = tpu.sem_alloc : memref<!tpu.dma_semaphore, #tpu.memory_space<semaphore_mem>>
        %dma_start3A_92 = arith.constant 0 : i32
        %dma_start3A_93 = tpu.memref_slice %arg8[%run_scoped3A_90, %dma_start3A_92] : memref<40x128xi32, #tpu.memory_space<vmem>> -> memref<1x128xi32, #tpu.memory_space<vmem>>
        %dma_start3A_94 = tpu.memref_squeeze %dma_start3A_93 : memref<1x128xi32, #tpu.memory_space<vmem>> -> memref<128xi32, #tpu.memory_space<vmem>>
        %dma_start3A_95 = arith.constant 0 : i32
        %dma_start3A_96 = arith.constant 0 : i32
        %dma_start3A_97 = tpu.memref_slice %arg11[%dma_start3A_95, %dma_start3A_96] : memref<10240x128xf32, #tpu.memory_space<vmem_shared>> -> memref<10240x128xf32, #tpu.memory_space<vmem_shared>>
        tpu.enqueue_indirect_dma source(%arg10 : memref<128x128xf32, #tpu.memory_space<vmem>>) target(%dma_start3A_97 : memref<10240x128xf32, #tpu.memory_space<vmem_shared>>) offsets(%dma_start3A_94 : memref<128xi32, #tpu.memory_space<vmem>>) semaphore(%run_scoped3A_91 : memref<!tpu.dma_semaphore, #tpu.memory_space<semaphore_mem>>) {add = true}
        %dma_wait3A_98 = arith.constant 0 : i32
        %dma_wait3A_99 = tpu.memref_slice %arg8[%run_scoped3A_90, %dma_wait3A_98] : memref<40x128xi32, #tpu.memory_space<vmem>> -> memref<1x128xi32, #tpu.memory_space<vmem>>
        %dma_wait3A_100 = tpu.memref_squeeze %dma_wait3A_99 : memref<1x128xi32, #tpu.memory_space<vmem>> -> memref<128xi32, #tpu.memory_space<vmem>>
        %dma_wait3A_101 = arith.constant 0 : i32
        %dma_wait3A_102 = arith.constant 0 : i32
        %dma_wait3A_103 = tpu.memref_slice %arg11[%dma_wait3A_101, %dma_wait3A_102] : memref<10240x128xf32, #tpu.memory_space<vmem_shared>> -> memref<10240x128xf32, #tpu.memory_space<vmem_shared>>
        tpu.wait_indirect_dma semaphore(%run_scoped3A_91 : memref<!tpu.dma_semaphore, #tpu.memory_space<semaphore_mem>>) src(%arg10 : memref<128x128xf32, #tpu.memory_space<vmem>>) dst(%dma_wait3A_103 : memref<10240x128xf32, #tpu.memory_space<vmem_shared>>)
        tpu.yield
      }) : () -> ()
    } else {
    }
    %eq3A_5 = arith.constant 1 : i32
    %eq3A_6 = arith.cmpi eq, %arg0, %eq3A_5 : i32
    %convert_element_type3A_7 = arith.extui %eq3A_6 : i1 to i32
    %cond3A_8 = arith.constant 0 : i32
    %cond3A_9 = arith.cmpi ne, %convert_element_type3A_7, %cond3A_8 : i32
    scf.if %cond3A_9 {
      %mul3A_17 = arith.constant 80 : i32
      %mul3A_18 = arith.muli %arg1, %mul3A_17 : i32
      %add3A_19 = arith.constant 1280 : i32
      %add3A_20 = arith.addi %add3A_19, %mul3A_18 : i32
      %add3A_21 = arith.constant 0 : i32
      %add3A_22 = arith.addi %add3A_20, %add3A_21 : i32
      "tpu.region"() ({
        %run_scoped3A_95 = tpu.sem_alloc : memref<!tpu.dma_semaphore, #tpu.memory_space<semaphore_mem>>
        %dma_start3A_96 = arith.constant 0 : i32
        %dma_start3A_97 = tpu.memref_slice %arg3[%add3A_22, %dma_start3A_96] : memref<2560x128xi32, #tpu.memory_space<hbm>> -> memref<40x128xi32, #tpu.memory_space<hbm>>
        %dma_start3A_98 = arith.constant 0 : i32
        %dma_start3A_99 = tpu.memref_slice %arg3[%add3A_22, %dma_start3A_98] : memref<2560x128xi32, #tpu.memory_space<hbm>> -> memref<40x128xi32, #tpu.memory_space<hbm>>
        tpu.enqueue_dma source(%dma_start3A_99 : memref<40x128xi32, #tpu.memory_space<hbm>>) target(%arg7 : memref<40x128xi32, #tpu.memory_space<vmem>>) target_semaphore(%run_scoped3A_95 : memref<!tpu.dma_semaphore, #tpu.memory_space<semaphore_mem>>)
        %dma_wait3A_100 = arith.constant 0 : i32
        %dma_wait3A_101 = tpu.memref_slice %arg3[%add3A_22, %dma_wait3A_100] : memref<2560x128xi32, #tpu.memory_space<hbm>> -> memref<40x128xi32, #tpu.memory_space<hbm>>
        %dma_wait3A_102 = arith.constant 0 : i32
        %dma_wait3A_103 = tpu.memref_slice %arg3[%add3A_22, %dma_wait3A_102] : memref<2560x128xi32, #tpu.memory_space<hbm>> -> memref<40x128xi32, #tpu.memory_space<hbm>>
        tpu.wait_dma2 semaphore(%run_scoped3A_95 : memref<!tpu.dma_semaphore, #tpu.memory_space<semaphore_mem>>) src(%dma_wait3A_103 : memref<40x128xi32, #tpu.memory_space<hbm>>) dst(%arg7 : memref<40x128xi32, #tpu.memory_space<vmem>>)
        tpu.yield
      }) : () -> ()
      "tpu.region"() ({
        %run_scoped3A_95 = tpu.sem_alloc : memref<!tpu.dma_semaphore, #tpu.memory_space<semaphore_mem>>
        %dma_start3A_96 = arith.constant 0 : i32
        %dma_start3A_97 = tpu.memref_slice %arg4[%add3A_22, %dma_start3A_96] : memref<2560x128xi32, #tpu.memory_space<hbm>> -> memref<40x128xi32, #tpu.memory_space<hbm>>
        %dma_start3A_98 = arith.constant 0 : i32
        %dma_start3A_99 = tpu.memref_slice %arg4[%add3A_22, %dma_start3A_98] : memref<2560x128xi32, #tpu.memory_space<hbm>> -> memref<40x128xi32, #tpu.memory_space<hbm>>
        tpu.enqueue_dma source(%dma_start3A_99 : memref<40x128xi32, #tpu.memory_space<hbm>>) target(%arg8 : memref<40x128xi32, #tpu.memory_space<vmem>>) target_semaphore(%run_scoped3A_95 : memref<!tpu.dma_semaphore, #tpu.memory_space<semaphore_mem>>)
        %dma_wait3A_100 = arith.constant 0 : i32
        %dma_wait3A_101 = tpu.memref_slice %arg4[%add3A_22, %dma_wait3A_100] : memref<2560x128xi32, #tpu.memory_space<hbm>> -> memref<40x128xi32, #tpu.memory_space<hbm>>
        %dma_wait3A_102 = arith.constant 0 : i32
        %dma_wait3A_103 = tpu.memref_slice %arg4[%add3A_22, %dma_wait3A_102] : memref<2560x128xi32, #tpu.memory_space<hbm>> -> memref<40x128xi32, #tpu.memory_space<hbm>>
        tpu.wait_dma2 semaphore(%run_scoped3A_95 : memref<!tpu.dma_semaphore, #tpu.memory_space<semaphore_mem>>) src(%dma_wait3A_103 : memref<40x128xi32, #tpu.memory_space<hbm>>) dst(%arg8 : memref<40x128xi32, #tpu.memory_space<vmem>>)
        tpu.yield
      }) : () -> ()
      %dma_start3A = arith.constant 0 : i32
      %dma_start3A_23 = arith.constant 0 : i32
      %dma_start3A_24 = tpu.memref_slice %arg7[%dma_start3A, %dma_start3A_23] : memref<40x128xi32, #tpu.memory_space<vmem>> -> memref<1x128xi32, #tpu.memory_space<vmem>>
      %dma_start3A_25 = tpu.memref_squeeze %dma_start3A_24 : memref<1x128xi32, #tpu.memory_space<vmem>> -> memref<128xi32, #tpu.memory_space<vmem>>
      %dma_start3A_26 = arith.constant 0 : i32
      %dma_start3A_27 = arith.constant 0 : i32
      %dma_start3A_28 = tpu.memref_slice %arg2[%dma_start3A_26, %dma_start3A_27] : memref<10240x128xf32, #tpu.memory_space<hbm>> -> memref<10240x128xf32, #tpu.memory_space<hbm>>
      tpu.enqueue_indirect_dma source(%dma_start3A_28 : memref<10240x128xf32, #tpu.memory_space<hbm>>) target(%arg9 : memref<128x128xf32, #tpu.memory_space<vmem>>) offsets(%dma_start3A_25 : memref<128xi32, #tpu.memory_space<vmem>>) semaphore(%arg12 : memref<!tpu.dma_semaphore, #tpu.memory_space<semaphore_mem>>)
      %dma_start3A_29 = arith.constant 1 : i32
      %dma_start3A_30 = arith.constant 0 : i32
      %dma_start3A_31 = tpu.memref_slice %arg7[%dma_start3A_29, %dma_start3A_30] : memref<40x128xi32, #tpu.memory_space<vmem>> -> memref<1x128xi32, #tpu.memory_space<vmem>>
      %dma_start3A_32 = tpu.memref_squeeze %dma_start3A_31 : memref<1x128xi32, #tpu.memory_space<vmem>> -> memref<128xi32, #tpu.memory_space<vmem>>
      %dma_start3A_33 = arith.constant 0 : i32
      %dma_start3A_34 = arith.constant 0 : i32
      %dma_start3A_35 = tpu.memref_slice %arg2[%dma_start3A_33, %dma_start3A_34] : memref<10240x128xf32, #tpu.memory_space<hbm>> -> memref<10240x128xf32, #tpu.memory_space<hbm>>
      tpu.enqueue_indirect_dma source(%dma_start3A_35 : memref<10240x128xf32, #tpu.memory_space<hbm>>) target(%arg10 : memref<128x128xf32, #tpu.memory_space<vmem>>) offsets(%dma_start3A_32 : memref<128xi32, #tpu.memory_space<vmem>>) semaphore(%arg13 : memref<!tpu.dma_semaphore, #tpu.memory_space<semaphore_mem>>)
      %scan3A = arith.constant 0 : i32
      %scan3A_36 = arith.constant 19 : i32
      %scan3A_37 = arith.addi %scan3A, %scan3A_36 : i32
      %scan3A_38 = arith.constant 1 : i32
      scf.for %scan3A_95 = %scan3A to %scan3A_37 step %scan3A_38  : i32 {
        %mul3A_96 = arith.constant 2 : i32
        %mul3A_97 = arith.muli %scan3A_95, %mul3A_96 : i32
        %add3A_98 = arith.constant 0 : i32
        %add3A_99 = arith.addi %add3A_98, %mul3A_97 : i32
        %add3A_100 = arith.constant 0 : i32
        %add3A_101 = arith.addi %add3A_99, %add3A_100 : i32
        %dma_wait3A_102 = arith.constant 0 : i32
        %dma_wait3A_103 = tpu.memref_slice %arg7[%add3A_101, %dma_wait3A_102] : memref<40x128xi32, #tpu.memory_space<vmem>> -> memref<1x128xi32, #tpu.memory_space<vmem>>
        %dma_wait3A_104 = tpu.memref_squeeze %dma_wait3A_103 : memref<1x128xi32, #tpu.memory_space<vmem>> -> memref<128xi32, #tpu.memory_space<vmem>>
        %dma_wait3A_105 = arith.constant 0 : i32
        %dma_wait3A_106 = arith.constant 0 : i32
        %dma_wait3A_107 = tpu.memref_slice %arg2[%dma_wait3A_105, %dma_wait3A_106] : memref<10240x128xf32, #tpu.memory_space<hbm>> -> memref<10240x128xf32, #tpu.memory_space<hbm>>
        tpu.wait_indirect_dma semaphore(%arg12 : memref<!tpu.dma_semaphore, #tpu.memory_space<semaphore_mem>>) src(%dma_wait3A_107 : memref<10240x128xf32, #tpu.memory_space<hbm>>) dst(%arg9 : memref<128x128xf32, #tpu.memory_space<vmem>>)
        "tpu.region"() ({
          %run_scoped3A_132 = tpu.sem_alloc : memref<!tpu.dma_semaphore, #tpu.memory_space<semaphore_mem>>
          %dma_start3A_133 = arith.constant 0 : i32
          %dma_start3A_134 = tpu.memref_slice %arg8[%add3A_101, %dma_start3A_133] : memref<40x128xi32, #tpu.memory_space<vmem>> -> memref<1x128xi32, #tpu.memory_space<vmem>>
          %dma_start3A_135 = tpu.memref_squeeze %dma_start3A_134 : memref<1x128xi32, #tpu.memory_space<vmem>> -> memref<128xi32, #tpu.memory_space<vmem>>
          %dma_start3A_136 = arith.constant 0 : i32
          %dma_start3A_137 = arith.constant 0 : i32
          %dma_start3A_138 = tpu.memref_slice %arg11[%dma_start3A_136, %dma_start3A_137] : memref<10240x128xf32, #tpu.memory_space<vmem_shared>> -> memref<10240x128xf32, #tpu.memory_space<vmem_shared>>
          tpu.enqueue_indirect_dma source(%arg9 : memref<128x128xf32, #tpu.memory_space<vmem>>) target(%dma_start3A_138 : memref<10240x128xf32, #tpu.memory_space<vmem_shared>>) offsets(%dma_start3A_135 : memref<128xi32, #tpu.memory_space<vmem>>) semaphore(%run_scoped3A_132 : memref<!tpu.dma_semaphore, #tpu.memory_space<semaphore_mem>>) {add = true}
          %dma_wait3A_139 = arith.constant 0 : i32
          %dma_wait3A_140 = tpu.memref_slice %arg8[%add3A_101, %dma_wait3A_139] : memref<40x128xi32, #tpu.memory_space<vmem>> -> memref<1x128xi32, #tpu.memory_space<vmem>>
          %dma_wait3A_141 = tpu.memref_squeeze %dma_wait3A_140 : memref<1x128xi32, #tpu.memory_space<vmem>> -> memref<128xi32, #tpu.memory_space<vmem>>
          %dma_wait3A_142 = arith.constant 0 : i32
          %dma_wait3A_143 = arith.constant 0 : i32
          %dma_wait3A_144 = tpu.memref_slice %arg11[%dma_wait3A_142, %dma_wait3A_143] : memref<10240x128xf32, #tpu.memory_space<vmem_shared>> -> memref<10240x128xf32, #tpu.memory_space<vmem_shared>>
          tpu.wait_indirect_dma semaphore(%run_scoped3A_132 : memref<!tpu.dma_semaphore, #tpu.memory_space<semaphore_mem>>) src(%arg9 : memref<128x128xf32, #tpu.memory_space<vmem>>) dst(%dma_wait3A_144 : memref<10240x128xf32, #tpu.memory_space<vmem_shared>>)
          tpu.yield
        }) : () -> ()
        %add3A_108 = arith.constant 2 : i32
        %add3A_109 = arith.addi %add3A_101, %add3A_108 : i32
        %dma_start3A_110 = arith.constant 0 : i32
        %dma_start3A_111 = tpu.memref_slice %arg7[%add3A_109, %dma_start3A_110] : memref<40x128xi32, #tpu.memory_space<vmem>> -> memref<1x128xi32, #tpu.memory_space<vmem>>
        %dma_start3A_112 = tpu.memref_squeeze %dma_start3A_111 : memref<1x128xi32, #tpu.memory_space<vmem>> -> memref<128xi32, #tpu.memory_space<vmem>>
        %dma_start3A_113 = arith.constant 0 : i32
        %dma_start3A_114 = arith.constant 0 : i32
        %dma_start3A_115 = tpu.memref_slice %arg2[%dma_start3A_113, %dma_start3A_114] : memref<10240x128xf32, #tpu.memory_space<hbm>> -> memref<10240x128xf32, #tpu.memory_space<hbm>>
        tpu.enqueue_indirect_dma source(%dma_start3A_115 : memref<10240x128xf32, #tpu.memory_space<hbm>>) target(%arg9 : memref<128x128xf32, #tpu.memory_space<vmem>>) offsets(%dma_start3A_112 : memref<128xi32, #tpu.memory_space<vmem>>) semaphore(%arg12 : memref<!tpu.dma_semaphore, #tpu.memory_space<semaphore_mem>>)
        %add3A_116 = arith.constant 1 : i32
        %add3A_117 = arith.addi %add3A_99, %add3A_116 : i32
        %dma_wait3A_118 = arith.constant 0 : i32
        %dma_wait3A_119 = tpu.memref_slice %arg7[%add3A_117, %dma_wait3A_118] : memref<40x128xi32, #tpu.memory_space<vmem>> -> memref<1x128xi32, #tpu.memory_space<vmem>>
        %dma_wait3A_120 = tpu.memref_squeeze %dma_wait3A_119 : memref<1x128xi32, #tpu.memory_space<vmem>> -> memref<128xi32, #tpu.memory_space<vmem>>
        %dma_wait3A_121 = arith.constant 0 : i32
        %dma_wait3A_122 = arith.constant 0 : i32
        %dma_wait3A_123 = tpu.memref_slice %arg2[%dma_wait3A_121, %dma_wait3A_122] : memref<10240x128xf32, #tpu.memory_space<hbm>> -> memref<10240x128xf32, #tpu.memory_space<hbm>>
        tpu.wait_indirect_dma semaphore(%arg13 : memref<!tpu.dma_semaphore, #tpu.memory_space<semaphore_mem>>) src(%dma_wait3A_123 : memref<10240x128xf32, #tpu.memory_space<hbm>>) dst(%arg10 : memref<128x128xf32, #tpu.memory_space<vmem>>)
        "tpu.region"() ({
          %run_scoped3A_132 = tpu.sem_alloc : memref<!tpu.dma_semaphore, #tpu.memory_space<semaphore_mem>>
          %dma_start3A_133 = arith.constant 0 : i32
          %dma_start3A_134 = tpu.memref_slice %arg8[%add3A_117, %dma_start3A_133] : memref<40x128xi32, #tpu.memory_space<vmem>> -> memref<1x128xi32, #tpu.memory_space<vmem>>
          %dma_start3A_135 = tpu.memref_squeeze %dma_start3A_134 : memref<1x128xi32, #tpu.memory_space<vmem>> -> memref<128xi32, #tpu.memory_space<vmem>>
          %dma_start3A_136 = arith.constant 0 : i32
          %dma_start3A_137 = arith.constant 0 : i32
          %dma_start3A_138 = tpu.memref_slice %arg11[%dma_start3A_136, %dma_start3A_137] : memref<10240x128xf32, #tpu.memory_space<vmem_shared>> -> memref<10240x128xf32, #tpu.memory_space<vmem_shared>>
          tpu.enqueue_indirect_dma source(%arg10 : memref<128x128xf32, #tpu.memory_space<vmem>>) target(%dma_start3A_138 : memref<10240x128xf32, #tpu.memory_space<vmem_shared>>) offsets(%dma_start3A_135 : memref<128xi32, #tpu.memory_space<vmem>>) semaphore(%run_scoped3A_132 : memref<!tpu.dma_semaphore, #tpu.memory_space<semaphore_mem>>) {add = true}
          %dma_wait3A_139 = arith.constant 0 : i32
          %dma_wait3A_140 = tpu.memref_slice %arg8[%add3A_117, %dma_wait3A_139] : memref<40x128xi32, #tpu.memory_space<vmem>> -> memref<1x128xi32, #tpu.memory_space<vmem>>
          %dma_wait3A_141 = tpu.memref_squeeze %dma_wait3A_140 : memref<1x128xi32, #tpu.memory_space<vmem>> -> memref<128xi32, #tpu.memory_space<vmem>>
          %dma_wait3A_142 = arith.constant 0 : i32
          %dma_wait3A_143 = arith.constant 0 : i32
          %dma_wait3A_144 = tpu.memref_slice %arg11[%dma_wait3A_142, %dma_wait3A_143] : memref<10240x128xf32, #tpu.memory_space<vmem_shared>> -> memref<10240x128xf32, #tpu.memory_space<vmem_shared>>
          tpu.wait_indirect_dma semaphore(%run_scoped3A_132 : memref<!tpu.dma_semaphore, #tpu.memory_space<semaphore_mem>>) src(%arg10 : memref<128x128xf32, #tpu.memory_space<vmem>>) dst(%dma_wait3A_144 : memref<10240x128xf32, #tpu.memory_space<vmem_shared>>)
          tpu.yield
        }) : () -> ()
        %add3A_124 = arith.constant 2 : i32
        %add3A_125 = arith.addi %add3A_117, %add3A_124 : i32
        %dma_start3A_126 = arith.constant 0 : i32
        %dma_start3A_127 = tpu.memref_slice %arg7[%add3A_125, %dma_start3A_126] : memref<40x128xi32, #tpu.memory_space<vmem>> -> memref<1x128xi32, #tpu.memory_space<vmem>>
        %dma_start3A_128 = tpu.memref_squeeze %dma_start3A_127 : memref<1x128xi32, #tpu.memory_space<vmem>> -> memref<128xi32, #tpu.memory_space<vmem>>
        %dma_start3A_129 = arith.constant 0 : i32
        %dma_start3A_130 = arith.constant 0 : i32
        %dma_start3A_131 = tpu.memref_slice %arg2[%dma_start3A_129, %dma_start3A_130] : memref<10240x128xf32, #tpu.memory_space<hbm>> -> memref<10240x128xf32, #tpu.memory_space<hbm>>
        tpu.enqueue_indirect_dma source(%dma_start3A_131 : memref<10240x128xf32, #tpu.memory_space<hbm>>) target(%arg10 : memref<128x128xf32, #tpu.memory_space<vmem>>) offsets(%dma_start3A_128 : memref<128xi32, #tpu.memory_space<vmem>>) semaphore(%arg13 : memref<!tpu.dma_semaphore, #tpu.memory_space<semaphore_mem>>)
      }
      %scan3A_39 = arith.constant 19 : i32
      %dma_wait3A = arith.constant 38 : i32
      %dma_wait3A_40 = arith.constant 0 : i32
      %dma_wait3A_41 = tpu.memref_slice %arg7[%dma_wait3A, %dma_wait3A_40] : memref<40x128xi32, #tpu.memory_space<vmem>> -> memref<1x128xi32, #tpu.memory_space<vmem>>
      %dma_wait3A_42 = tpu.memref_squeeze %dma_wait3A_41 : memref<1x128xi32, #tpu.memory_space<vmem>> -> memref<128xi32, #tpu.memory_space<vmem>>
      %dma_wait3A_43 = arith.constant 0 : i32
      %dma_wait3A_44 = arith.constant 0 : i32
      %dma_wait3A_45 = tpu.memref_slice %arg2[%dma_wait3A_43, %dma_wait3A_44] : memref<10240x128xf32, #tpu.memory_space<hbm>> -> memref<10240x128xf32, #tpu.memory_space<hbm>>
      tpu.wait_indirect_dma semaphore(%arg12 : memref<!tpu.dma_semaphore, #tpu.memory_space<semaphore_mem>>) src(%dma_wait3A_45 : memref<10240x128xf32, #tpu.memory_space<hbm>>) dst(%arg9 : memref<128x128xf32, #tpu.memory_space<vmem>>)
      %run_scoped3A = arith.constant 38 : i32
      "tpu.region"() ({
        %run_scoped3A_95 = tpu.sem_alloc : memref<!tpu.dma_semaphore, #tpu.memory_space<semaphore_mem>>
        %dma_start3A_96 = arith.constant 0 : i32
        %dma_start3A_97 = tpu.memref_slice %arg8[%run_scoped3A, %dma_start3A_96] : memref<40x128xi32, #tpu.memory_space<vmem>> -> memref<1x128xi32, #tpu.memory_space<vmem>>
        %dma_start3A_98 = tpu.memref_squeeze %dma_start3A_97 : memref<1x128xi32, #tpu.memory_space<vmem>> -> memref<128xi32, #tpu.memory_space<vmem>>
        %dma_start3A_99 = arith.constant 0 : i32
        %dma_start3A_100 = arith.constant 0 : i32
        %dma_start3A_101 = tpu.memref_slice %arg11[%dma_start3A_99, %dma_start3A_100] : memref<10240x128xf32, #tpu.memory_space<vmem_shared>> -> memref<10240x128xf32, #tpu.memory_space<vmem_shared>>
        tpu.enqueue_indirect_dma source(%arg9 : memref<128x128xf32, #tpu.memory_space<vmem>>) target(%dma_start3A_101 : memref<10240x128xf32, #tpu.memory_space<vmem_shared>>) offsets(%dma_start3A_98 : memref<128xi32, #tpu.memory_space<vmem>>) semaphore(%run_scoped3A_95 : memref<!tpu.dma_semaphore, #tpu.memory_space<semaphore_mem>>) {add = true}
        %dma_wait3A_102 = arith.constant 0 : i32
        %dma_wait3A_103 = tpu.memref_slice %arg8[%run_scoped3A, %dma_wait3A_102] : memref<40x128xi32, #tpu.memory_space<vmem>> -> memref<1x128xi32, #tpu.memory_space<vmem>>
        %dma_wait3A_104 = tpu.memref_squeeze %dma_wait3A_103 : memref<1x128xi32, #tpu.memory_space<vmem>> -> memref<128xi32, #tpu.memory_space<vmem>>
        %dma_wait3A_105 = arith.constant 0 : i32
        %dma_wait3A_106 = arith.constant 0 : i32
        %dma_wait3A_107 = tpu.memref_slice %arg11[%dma_wait3A_105, %dma_wait3A_106] : memref<10240x128xf32, #tpu.memory_space<vmem_shared>> -> memref<10240x128xf32, #tpu.memory_space<vmem_shared>>
        tpu.wait_indirect_dma semaphore(%run_scoped3A_95 : memref<!tpu.dma_semaphore, #tpu.memory_space<semaphore_mem>>) src(%arg9 : memref<128x128xf32, #tpu.memory_space<vmem>>) dst(%dma_wait3A_107 : memref<10240x128xf32, #tpu.memory_space<vmem_shared>>)
        tpu.yield
      }) : () -> ()
      %dma_wait3A_46 = arith.constant 39 : i32
      %dma_wait3A_47 = arith.constant 0 : i32
      %dma_wait3A_48 = tpu.memref_slice %arg7[%dma_wait3A_46, %dma_wait3A_47] : memref<40x128xi32, #tpu.memory_space<vmem>> -> memref<1x128xi32, #tpu.memory_space<vmem>>
      %dma_wait3A_49 = tpu.memref_squeeze %dma_wait3A_48 : memref<1x128xi32, #tpu.memory_space<vmem>> -> memref<128xi32, #tpu.memory_space<vmem>>
      %dma_wait3A_50 = arith.constant 0 : i32
      %dma_wait3A_51 = arith.constant 0 : i32
      %dma_wait3A_52 = tpu.memref_slice %arg2[%dma_wait3A_50, %dma_wait3A_51] : memref<10240x128xf32, #tpu.memory_space<hbm>> -> memref<10240x128xf32, #tpu.memory_space<hbm>>
      tpu.wait_indirect_dma semaphore(%arg13 : memref<!tpu.dma_semaphore, #tpu.memory_space<semaphore_mem>>) src(%dma_wait3A_52 : memref<10240x128xf32, #tpu.memory_space<hbm>>) dst(%arg10 : memref<128x128xf32, #tpu.memory_space<vmem>>)
      %run_scoped3A_53 = arith.constant 39 : i32
      "tpu.region"() ({
        %run_scoped3A_95 = tpu.sem_alloc : memref<!tpu.dma_semaphore, #tpu.memory_space<semaphore_mem>>
        %dma_start3A_96 = arith.constant 0 : i32
        %dma_start3A_97 = tpu.memref_slice %arg8[%run_scoped3A_53, %dma_start3A_96] : memref<40x128xi32, #tpu.memory_space<vmem>> -> memref<1x128xi32, #tpu.memory_space<vmem>>
        %dma_start3A_98 = tpu.memref_squeeze %dma_start3A_97 : memref<1x128xi32, #tpu.memory_space<vmem>> -> memref<128xi32, #tpu.memory_space<vmem>>
        %dma_start3A_99 = arith.constant 0 : i32
        %dma_start3A_100 = arith.constant 0 : i32
        %dma_start3A_101 = tpu.memref_slice %arg11[%dma_start3A_99, %dma_start3A_100] : memref<10240x128xf32, #tpu.memory_space<vmem_shared>> -> memref<10240x128xf32, #tpu.memory_space<vmem_shared>>
        tpu.enqueue_indirect_dma source(%arg10 : memref<128x128xf32, #tpu.memory_space<vmem>>) target(%dma_start3A_101 : memref<10240x128xf32, #tpu.memory_space<vmem_shared>>) offsets(%dma_start3A_98 : memref<128xi32, #tpu.memory_space<vmem>>) semaphore(%run_scoped3A_95 : memref<!tpu.dma_semaphore, #tpu.memory_space<semaphore_mem>>) {add = true}
        %dma_wait3A_102 = arith.constant 0 : i32
        %dma_wait3A_103 = tpu.memref_slice %arg8[%run_scoped3A_53, %dma_wait3A_102] : memref<40x128xi32, #tpu.memory_space<vmem>> -> memref<1x128xi32, #tpu.memory_space<vmem>>
        %dma_wait3A_104 = tpu.memref_squeeze %dma_wait3A_103 : memref<1x128xi32, #tpu.memory_space<vmem>> -> memref<128xi32, #tpu.memory_space<vmem>>
        %dma_wait3A_105 = arith.constant 0 : i32
        %dma_wait3A_106 = arith.constant 0 : i32
        %dma_wait3A_107 = tpu.memref_slice %arg11[%dma_wait3A_105, %dma_wait3A_106] : memref<10240x128xf32, #tpu.memory_space<vmem_shared>> -> memref<10240x128xf32, #tpu.memory_space<vmem_shared>>
        tpu.wait_indirect_dma semaphore(%run_scoped3A_95 : memref<!tpu.dma_semaphore, #tpu.memory_space<semaphore_mem>>) src(%arg10 : memref<128x128xf32, #tpu.memory_space<vmem>>) dst(%dma_wait3A_107 : memref<10240x128xf32, #tpu.memory_space<vmem_shared>>)
        tpu.yield
      }) : () -> ()
      %mul3A_54 = arith.constant 80 : i32
      %mul3A_55 = arith.muli %arg1, %mul3A_54 : i32
      %add3A_56 = arith.constant 1280 : i32
      %add3A_57 = arith.addi %add3A_56, %mul3A_55 : i32
      %add3A_58 = arith.constant 40 : i32
      %add3A_59 = arith.addi %add3A_57, %add3A_58 : i32
      "tpu.region"() ({
        %run_scoped3A_95 = tpu.sem_alloc : memref<!tpu.dma_semaphore, #tpu.memory_space<semaphore_mem>>
        %dma_start3A_96 = arith.constant 0 : i32
        %dma_start3A_97 = tpu.memref_slice %arg3[%add3A_59, %dma_start3A_96] : memref<2560x128xi32, #tpu.memory_space<hbm>> -> memref<40x128xi32, #tpu.memory_space<hbm>>
        %dma_start3A_98 = arith.constant 0 : i32
        %dma_start3A_99 = tpu.memref_slice %arg3[%add3A_59, %dma_start3A_98] : memref<2560x128xi32, #tpu.memory_space<hbm>> -> memref<40x128xi32, #tpu.memory_space<hbm>>
        tpu.enqueue_dma source(%dma_start3A_99 : memref<40x128xi32, #tpu.memory_space<hbm>>) target(%arg7 : memref<40x128xi32, #tpu.memory_space<vmem>>) target_semaphore(%run_scoped3A_95 : memref<!tpu.dma_semaphore, #tpu.memory_space<semaphore_mem>>)
        %dma_wait3A_100 = arith.constant 0 : i32
        %dma_wait3A_101 = tpu.memref_slice %arg3[%add3A_59, %dma_wait3A_100] : memref<2560x128xi32, #tpu.memory_space<hbm>> -> memref<40x128xi32, #tpu.memory_space<hbm>>
        %dma_wait3A_102 = arith.constant 0 : i32
        %dma_wait3A_103 = tpu.memref_slice %arg3[%add3A_59, %dma_wait3A_102] : memref<2560x128xi32, #tpu.memory_space<hbm>> -> memref<40x128xi32, #tpu.memory_space<hbm>>
        tpu.wait_dma2 semaphore(%run_scoped3A_95 : memref<!tpu.dma_semaphore, #tpu.memory_space<semaphore_mem>>) src(%dma_wait3A_103 : memref<40x128xi32, #tpu.memory_space<hbm>>) dst(%arg7 : memref<40x128xi32, #tpu.memory_space<vmem>>)
        tpu.yield
      }) : () -> ()
      "tpu.region"() ({
        %run_scoped3A_95 = tpu.sem_alloc : memref<!tpu.dma_semaphore, #tpu.memory_space<semaphore_mem>>
        %dma_start3A_96 = arith.constant 0 : i32
        %dma_start3A_97 = tpu.memref_slice %arg4[%add3A_59, %dma_start3A_96] : memref<2560x128xi32, #tpu.memory_space<hbm>> -> memref<40x128xi32, #tpu.memory_space<hbm>>
        %dma_start3A_98 = arith.constant 0 : i32
        %dma_start3A_99 = tpu.memref_slice %arg4[%add3A_59, %dma_start3A_98] : memref<2560x128xi32, #tpu.memory_space<hbm>> -> memref<40x128xi32, #tpu.memory_space<hbm>>
        tpu.enqueue_dma source(%dma_start3A_99 : memref<40x128xi32, #tpu.memory_space<hbm>>) target(%arg8 : memref<40x128xi32, #tpu.memory_space<vmem>>) target_semaphore(%run_scoped3A_95 : memref<!tpu.dma_semaphore, #tpu.memory_space<semaphore_mem>>)
        %dma_wait3A_100 = arith.constant 0 : i32
        %dma_wait3A_101 = tpu.memref_slice %arg4[%add3A_59, %dma_wait3A_100] : memref<2560x128xi32, #tpu.memory_space<hbm>> -> memref<40x128xi32, #tpu.memory_space<hbm>>
        %dma_wait3A_102 = arith.constant 0 : i32
        %dma_wait3A_103 = tpu.memref_slice %arg4[%add3A_59, %dma_wait3A_102] : memref<2560x128xi32, #tpu.memory_space<hbm>> -> memref<40x128xi32, #tpu.memory_space<hbm>>
        tpu.wait_dma2 semaphore(%run_scoped3A_95 : memref<!tpu.dma_semaphore, #tpu.memory_space<semaphore_mem>>) src(%dma_wait3A_103 : memref<40x128xi32, #tpu.memory_space<hbm>>) dst(%arg8 : memref<40x128xi32, #tpu.memory_space<vmem>>)
        tpu.yield
      }) : () -> ()
      %dma_start3A_60 = arith.constant 0 : i32
      %dma_start3A_61 = arith.constant 0 : i32
      %dma_start3A_62 = tpu.memref_slice %arg7[%dma_start3A_60, %dma_start3A_61] : memref<40x128xi32, #tpu.memory_space<vmem>> -> memref<1x128xi32, #tpu.memory_space<vmem>>
      %dma_start3A_63 = tpu.memref_squeeze %dma_start3A_62 : memref<1x128xi32, #tpu.memory_space<vmem>> -> memref<128xi32, #tpu.memory_space<vmem>>
      %dma_start3A_64 = arith.constant 0 : i32
      %dma_start3A_65 = arith.constant 0 : i32
      %dma_start3A_66 = tpu.memref_slice %arg2[%dma_start3A_64, %dma_start3A_65] : memref<10240x128xf32, #tpu.memory_space<hbm>> -> memref<10240x128xf32, #tpu.memory_space<hbm>>
      tpu.enqueue_indirect_dma source(%dma_start3A_66 : memref<10240x128xf32, #tpu.memory_space<hbm>>) target(%arg9 : memref<128x128xf32, #tpu.memory_space<vmem>>) offsets(%dma_start3A_63 : memref<128xi32, #tpu.memory_space<vmem>>) semaphore(%arg12 : memref<!tpu.dma_semaphore, #tpu.memory_space<semaphore_mem>>)
      %dma_start3A_67 = arith.constant 1 : i32
      %dma_start3A_68 = arith.constant 0 : i32
      %dma_start3A_69 = tpu.memref_slice %arg7[%dma_start3A_67, %dma_start3A_68] : memref<40x128xi32, #tpu.memory_space<vmem>> -> memref<1x128xi32, #tpu.memory_space<vmem>>
      %dma_start3A_70 = tpu.memref_squeeze %dma_start3A_69 : memref<1x128xi32, #tpu.memory_space<vmem>> -> memref<128xi32, #tpu.memory_space<vmem>>
      %dma_start3A_71 = arith.constant 0 : i32
      %dma_start3A_72 = arith.constant 0 : i32
      %dma_start3A_73 = tpu.memref_slice %arg2[%dma_start3A_71, %dma_start3A_72] : memref<10240x128xf32, #tpu.memory_space<hbm>> -> memref<10240x128xf32, #tpu.memory_space<hbm>>
      tpu.enqueue_indirect_dma source(%dma_start3A_73 : memref<10240x128xf32, #tpu.memory_space<hbm>>) target(%arg10 : memref<128x128xf32, #tpu.memory_space<vmem>>) offsets(%dma_start3A_70 : memref<128xi32, #tpu.memory_space<vmem>>) semaphore(%arg13 : memref<!tpu.dma_semaphore, #tpu.memory_space<semaphore_mem>>)
      %scan3A_74 = arith.constant 0 : i32
      %scan3A_75 = arith.constant 19 : i32
      %scan3A_76 = arith.addi %scan3A_74, %scan3A_75 : i32
      %scan3A_77 = arith.constant 1 : i32
      scf.for %scan3A_95 = %scan3A_74 to %scan3A_76 step %scan3A_77  : i32 {
        %mul3A_96 = arith.constant 2 : i32
        %mul3A_97 = arith.muli %scan3A_95, %mul3A_96 : i32
        %add3A_98 = arith.constant 0 : i32
        %add3A_99 = arith.addi %add3A_98, %mul3A_97 : i32
        %add3A_100 = arith.constant 0 : i32
        %add3A_101 = arith.addi %add3A_99, %add3A_100 : i32
        %dma_wait3A_102 = arith.constant 0 : i32
        %dma_wait3A_103 = tpu.memref_slice %arg7[%add3A_101, %dma_wait3A_102] : memref<40x128xi32, #tpu.memory_space<vmem>> -> memref<1x128xi32, #tpu.memory_space<vmem>>
        %dma_wait3A_104 = tpu.memref_squeeze %dma_wait3A_103 : memref<1x128xi32, #tpu.memory_space<vmem>> -> memref<128xi32, #tpu.memory_space<vmem>>
        %dma_wait3A_105 = arith.constant 0 : i32
        %dma_wait3A_106 = arith.constant 0 : i32
        %dma_wait3A_107 = tpu.memref_slice %arg2[%dma_wait3A_105, %dma_wait3A_106] : memref<10240x128xf32, #tpu.memory_space<hbm>> -> memref<10240x128xf32, #tpu.memory_space<hbm>>
        tpu.wait_indirect_dma semaphore(%arg12 : memref<!tpu.dma_semaphore, #tpu.memory_space<semaphore_mem>>) src(%dma_wait3A_107 : memref<10240x128xf32, #tpu.memory_space<hbm>>) dst(%arg9 : memref<128x128xf32, #tpu.memory_space<vmem>>)
        "tpu.region"() ({
          %run_scoped3A_132 = tpu.sem_alloc : memref<!tpu.dma_semaphore, #tpu.memory_space<semaphore_mem>>
          %dma_start3A_133 = arith.constant 0 : i32
          %dma_start3A_134 = tpu.memref_slice %arg8[%add3A_101, %dma_start3A_133] : memref<40x128xi32, #tpu.memory_space<vmem>> -> memref<1x128xi32, #tpu.memory_space<vmem>>
          %dma_start3A_135 = tpu.memref_squeeze %dma_start3A_134 : memref<1x128xi32, #tpu.memory_space<vmem>> -> memref<128xi32, #tpu.memory_space<vmem>>
          %dma_start3A_136 = arith.constant 0 : i32
          %dma_start3A_137 = arith.constant 0 : i32
          %dma_start3A_138 = tpu.memref_slice %arg11[%dma_start3A_136, %dma_start3A_137] : memref<10240x128xf32, #tpu.memory_space<vmem_shared>> -> memref<10240x128xf32, #tpu.memory_space<vmem_shared>>
          tpu.enqueue_indirect_dma source(%arg9 : memref<128x128xf32, #tpu.memory_space<vmem>>) target(%dma_start3A_138 : memref<10240x128xf32, #tpu.memory_space<vmem_shared>>) offsets(%dma_start3A_135 : memref<128xi32, #tpu.memory_space<vmem>>) semaphore(%run_scoped3A_132 : memref<!tpu.dma_semaphore, #tpu.memory_space<semaphore_mem>>) {add = true}
          %dma_wait3A_139 = arith.constant 0 : i32
          %dma_wait3A_140 = tpu.memref_slice %arg8[%add3A_101, %dma_wait3A_139] : memref<40x128xi32, #tpu.memory_space<vmem>> -> memref<1x128xi32, #tpu.memory_space<vmem>>
          %dma_wait3A_141 = tpu.memref_squeeze %dma_wait3A_140 : memref<1x128xi32, #tpu.memory_space<vmem>> -> memref<128xi32, #tpu.memory_space<vmem>>
          %dma_wait3A_142 = arith.constant 0 : i32
          %dma_wait3A_143 = arith.constant 0 : i32
          %dma_wait3A_144 = tpu.memref_slice %arg11[%dma_wait3A_142, %dma_wait3A_143] : memref<10240x128xf32, #tpu.memory_space<vmem_shared>> -> memref<10240x128xf32, #tpu.memory_space<vmem_shared>>
          tpu.wait_indirect_dma semaphore(%run_scoped3A_132 : memref<!tpu.dma_semaphore, #tpu.memory_space<semaphore_mem>>) src(%arg9 : memref<128x128xf32, #tpu.memory_space<vmem>>) dst(%dma_wait3A_144 : memref<10240x128xf32, #tpu.memory_space<vmem_shared>>)
          tpu.yield
        }) : () -> ()
        %add3A_108 = arith.constant 2 : i32
        %add3A_109 = arith.addi %add3A_101, %add3A_108 : i32
        %dma_start3A_110 = arith.constant 0 : i32
        %dma_start3A_111 = tpu.memref_slice %arg7[%add3A_109, %dma_start3A_110] : memref<40x128xi32, #tpu.memory_space<vmem>> -> memref<1x128xi32, #tpu.memory_space<vmem>>
        %dma_start3A_112 = tpu.memref_squeeze %dma_start3A_111 : memref<1x128xi32, #tpu.memory_space<vmem>> -> memref<128xi32, #tpu.memory_space<vmem>>
        %dma_start3A_113 = arith.constant 0 : i32
        %dma_start3A_114 = arith.constant 0 : i32
        %dma_start3A_115 = tpu.memref_slice %arg2[%dma_start3A_113, %dma_start3A_114] : memref<10240x128xf32, #tpu.memory_space<hbm>> -> memref<10240x128xf32, #tpu.memory_space<hbm>>
        tpu.enqueue_indirect_dma source(%dma_start3A_115 : memref<10240x128xf32, #tpu.memory_space<hbm>>) target(%arg9 : memref<128x128xf32, #tpu.memory_space<vmem>>) offsets(%dma_start3A_112 : memref<128xi32, #tpu.memory_space<vmem>>) semaphore(%arg12 : memref<!tpu.dma_semaphore, #tpu.memory_space<semaphore_mem>>)
        %add3A_116 = arith.constant 1 : i32
        %add3A_117 = arith.addi %add3A_99, %add3A_116 : i32
        %dma_wait3A_118 = arith.constant 0 : i32
        %dma_wait3A_119 = tpu.memref_slice %arg7[%add3A_117, %dma_wait3A_118] : memref<40x128xi32, #tpu.memory_space<vmem>> -> memref<1x128xi32, #tpu.memory_space<vmem>>
        %dma_wait3A_120 = tpu.memref_squeeze %dma_wait3A_119 : memref<1x128xi32, #tpu.memory_space<vmem>> -> memref<128xi32, #tpu.memory_space<vmem>>
        %dma_wait3A_121 = arith.constant 0 : i32
        %dma_wait3A_122 = arith.constant 0 : i32
        %dma_wait3A_123 = tpu.memref_slice %arg2[%dma_wait3A_121, %dma_wait3A_122] : memref<10240x128xf32, #tpu.memory_space<hbm>> -> memref<10240x128xf32, #tpu.memory_space<hbm>>
        tpu.wait_indirect_dma semaphore(%arg13 : memref<!tpu.dma_semaphore, #tpu.memory_space<semaphore_mem>>) src(%dma_wait3A_123 : memref<10240x128xf32, #tpu.memory_space<hbm>>) dst(%arg10 : memref<128x128xf32, #tpu.memory_space<vmem>>)
        "tpu.region"() ({
          %run_scoped3A_132 = tpu.sem_alloc : memref<!tpu.dma_semaphore, #tpu.memory_space<semaphore_mem>>
          %dma_start3A_133 = arith.constant 0 : i32
          %dma_start3A_134 = tpu.memref_slice %arg8[%add3A_117, %dma_start3A_133] : memref<40x128xi32, #tpu.memory_space<vmem>> -> memref<1x128xi32, #tpu.memory_space<vmem>>
          %dma_start3A_135 = tpu.memref_squeeze %dma_start3A_134 : memref<1x128xi32, #tpu.memory_space<vmem>> -> memref<128xi32, #tpu.memory_space<vmem>>
          %dma_start3A_136 = arith.constant 0 : i32
          %dma_start3A_137 = arith.constant 0 : i32
          %dma_start3A_138 = tpu.memref_slice %arg11[%dma_start3A_136, %dma_start3A_137] : memref<10240x128xf32, #tpu.memory_space<vmem_shared>> -> memref<10240x128xf32, #tpu.memory_space<vmem_shared>>
          tpu.enqueue_indirect_dma source(%arg10 : memref<128x128xf32, #tpu.memory_space<vmem>>) target(%dma_start3A_138 : memref<10240x128xf32, #tpu.memory_space<vmem_shared>>) offsets(%dma_start3A_135 : memref<128xi32, #tpu.memory_space<vmem>>) semaphore(%run_scoped3A_132 : memref<!tpu.dma_semaphore, #tpu.memory_space<semaphore_mem>>) {add = true}
          %dma_wait3A_139 = arith.constant 0 : i32
          %dma_wait3A_140 = tpu.memref_slice %arg8[%add3A_117, %dma_wait3A_139] : memref<40x128xi32, #tpu.memory_space<vmem>> -> memref<1x128xi32, #tpu.memory_space<vmem>>
          %dma_wait3A_141 = tpu.memref_squeeze %dma_wait3A_140 : memref<1x128xi32, #tpu.memory_space<vmem>> -> memref<128xi32, #tpu.memory_space<vmem>>
          %dma_wait3A_142 = arith.constant 0 : i32
          %dma_wait3A_143 = arith.constant 0 : i32
          %dma_wait3A_144 = tpu.memref_slice %arg11[%dma_wait3A_142, %dma_wait3A_143] : memref<10240x128xf32, #tpu.memory_space<vmem_shared>> -> memref<10240x128xf32, #tpu.memory_space<vmem_shared>>
          tpu.wait_indirect_dma semaphore(%run_scoped3A_132 : memref<!tpu.dma_semaphore, #tpu.memory_space<semaphore_mem>>) src(%arg10 : memref<128x128xf32, #tpu.memory_space<vmem>>) dst(%dma_wait3A_144 : memref<10240x128xf32, #tpu.memory_space<vmem_shared>>)
          tpu.yield
        }) : () -> ()
        %add3A_124 = arith.constant 2 : i32
        %add3A_125 = arith.addi %add3A_117, %add3A_124 : i32
        %dma_start3A_126 = arith.constant 0 : i32
        %dma_start3A_127 = tpu.memref_slice %arg7[%add3A_125, %dma_start3A_126] : memref<40x128xi32, #tpu.memory_space<vmem>> -> memref<1x128xi32, #tpu.memory_space<vmem>>
        %dma_start3A_128 = tpu.memref_squeeze %dma_start3A_127 : memref<1x128xi32, #tpu.memory_space<vmem>> -> memref<128xi32, #tpu.memory_space<vmem>>
        %dma_start3A_129 = arith.constant 0 : i32
        %dma_start3A_130 = arith.constant 0 : i32
        %dma_start3A_131 = tpu.memref_slice %arg2[%dma_start3A_129, %dma_start3A_130] : memref<10240x128xf32, #tpu.memory_space<hbm>> -> memref<10240x128xf32, #tpu.memory_space<hbm>>
        tpu.enqueue_indirect_dma source(%dma_start3A_131 : memref<10240x128xf32, #tpu.memory_space<hbm>>) target(%arg10 : memref<128x128xf32, #tpu.memory_space<vmem>>) offsets(%dma_start3A_128 : memref<128xi32, #tpu.memory_space<vmem>>) semaphore(%arg13 : memref<!tpu.dma_semaphore, #tpu.memory_space<semaphore_mem>>)
      }
      %scan3A_78 = arith.constant 19 : i32
      %dma_wait3A_79 = arith.constant 38 : i32
      %dma_wait3A_80 = arith.constant 0 : i32
      %dma_wait3A_81 = tpu.memref_slice %arg7[%dma_wait3A_79, %dma_wait3A_80] : memref<40x128xi32, #tpu.memory_space<vmem>> -> memref<1x128xi32, #tpu.memory_space<vmem>>
      %dma_wait3A_82 = tpu.memref_squeeze %dma_wait3A_81 : memref<1x128xi32, #tpu.memory_space<vmem>> -> memref<128xi32, #tpu.memory_space<vmem>>
      %dma_wait3A_83 = arith.constant 0 : i32
      %dma_wait3A_84 = arith.constant 0 : i32
      %dma_wait3A_85 = tpu.memref_slice %arg2[%dma_wait3A_83, %dma_wait3A_84] : memref<10240x128xf32, #tpu.memory_space<hbm>> -> memref<10240x128xf32, #tpu.memory_space<hbm>>
      tpu.wait_indirect_dma semaphore(%arg12 : memref<!tpu.dma_semaphore, #tpu.memory_space<semaphore_mem>>) src(%dma_wait3A_85 : memref<10240x128xf32, #tpu.memory_space<hbm>>) dst(%arg9 : memref<128x128xf32, #tpu.memory_space<vmem>>)
      %run_scoped3A_86 = arith.constant 38 : i32
      "tpu.region"() ({
        %run_scoped3A_95 = tpu.sem_alloc : memref<!tpu.dma_semaphore, #tpu.memory_space<semaphore_mem>>
        %dma_start3A_96 = arith.constant 0 : i32
        %dma_start3A_97 = tpu.memref_slice %arg8[%run_scoped3A_86, %dma_start3A_96] : memref<40x128xi32, #tpu.memory_space<vmem>> -> memref<1x128xi32, #tpu.memory_space<vmem>>
        %dma_start3A_98 = tpu.memref_squeeze %dma_start3A_97 : memref<1x128xi32, #tpu.memory_space<vmem>> -> memref<128xi32, #tpu.memory_space<vmem>>
        %dma_start3A_99 = arith.constant 0 : i32
        %dma_start3A_100 = arith.constant 0 : i32
        %dma_start3A_101 = tpu.memref_slice %arg11[%dma_start3A_99, %dma_start3A_100] : memref<10240x128xf32, #tpu.memory_space<vmem_shared>> -> memref<10240x128xf32, #tpu.memory_space<vmem_shared>>
        tpu.enqueue_indirect_dma source(%arg9 : memref<128x128xf32, #tpu.memory_space<vmem>>) target(%dma_start3A_101 : memref<10240x128xf32, #tpu.memory_space<vmem_shared>>) offsets(%dma_start3A_98 : memref<128xi32, #tpu.memory_space<vmem>>) semaphore(%run_scoped3A_95 : memref<!tpu.dma_semaphore, #tpu.memory_space<semaphore_mem>>) {add = true}
        %dma_wait3A_102 = arith.constant 0 : i32
        %dma_wait3A_103 = tpu.memref_slice %arg8[%run_scoped3A_86, %dma_wait3A_102] : memref<40x128xi32, #tpu.memory_space<vmem>> -> memref<1x128xi32, #tpu.memory_space<vmem>>
        %dma_wait3A_104 = tpu.memref_squeeze %dma_wait3A_103 : memref<1x128xi32, #tpu.memory_space<vmem>> -> memref<128xi32, #tpu.memory_space<vmem>>
        %dma_wait3A_105 = arith.constant 0 : i32
        %dma_wait3A_106 = arith.constant 0 : i32
        %dma_wait3A_107 = tpu.memref_slice %arg11[%dma_wait3A_105, %dma_wait3A_106] : memref<10240x128xf32, #tpu.memory_space<vmem_shared>> -> memref<10240x128xf32, #tpu.memory_space<vmem_shared>>
        tpu.wait_indirect_dma semaphore(%run_scoped3A_95 : memref<!tpu.dma_semaphore, #tpu.memory_space<semaphore_mem>>) src(%arg9 : memref<128x128xf32, #tpu.memory_space<vmem>>) dst(%dma_wait3A_107 : memref<10240x128xf32, #tpu.memory_space<vmem_shared>>)
        tpu.yield
      }) : () -> ()
      %dma_wait3A_87 = arith.constant 39 : i32
      %dma_wait3A_88 = arith.constant 0 : i32
      %dma_wait3A_89 = tpu.memref_slice %arg7[%dma_wait3A_87, %dma_wait3A_88] : memref<40x128xi32, #tpu.memory_space<vmem>> -> memref<1x128xi32, #tpu.memory_space<vmem>>
      %dma_wait3A_90 = tpu.memref_squeeze %dma_wait3A_89 : memref<1x128xi32, #tpu.memory_space<vmem>> -> memref<128xi32, #tpu.memory_space<vmem>>
      %dma_wait3A_91 = arith.constant 0 : i32
      %dma_wait3A_92 = arith.constant 0 : i32
      %dma_wait3A_93 = tpu.memref_slice %arg2[%dma_wait3A_91, %dma_wait3A_92] : memref<10240x128xf32, #tpu.memory_space<hbm>> -> memref<10240x128xf32, #tpu.memory_space<hbm>>
      tpu.wait_indirect_dma semaphore(%arg13 : memref<!tpu.dma_semaphore, #tpu.memory_space<semaphore_mem>>) src(%dma_wait3A_93 : memref<10240x128xf32, #tpu.memory_space<hbm>>) dst(%arg10 : memref<128x128xf32, #tpu.memory_space<vmem>>)
      %run_scoped3A_94 = arith.constant 39 : i32
      "tpu.region"() ({
        %run_scoped3A_95 = tpu.sem_alloc : memref<!tpu.dma_semaphore, #tpu.memory_space<semaphore_mem>>
        %dma_start3A_96 = arith.constant 0 : i32
        %dma_start3A_97 = tpu.memref_slice %arg8[%run_scoped3A_94, %dma_start3A_96] : memref<40x128xi32, #tpu.memory_space<vmem>> -> memref<1x128xi32, #tpu.memory_space<vmem>>
        %dma_start3A_98 = tpu.memref_squeeze %dma_start3A_97 : memref<1x128xi32, #tpu.memory_space<vmem>> -> memref<128xi32, #tpu.memory_space<vmem>>
        %dma_start3A_99 = arith.constant 0 : i32
        %dma_start3A_100 = arith.constant 0 : i32
        %dma_start3A_101 = tpu.memref_slice %arg11[%dma_start3A_99, %dma_start3A_100] : memref<10240x128xf32, #tpu.memory_space<vmem_shared>> -> memref<10240x128xf32, #tpu.memory_space<vmem_shared>>
        tpu.enqueue_indirect_dma source(%arg10 : memref<128x128xf32, #tpu.memory_space<vmem>>) target(%dma_start3A_101 : memref<10240x128xf32, #tpu.memory_space<vmem_shared>>) offsets(%dma_start3A_98 : memref<128xi32, #tpu.memory_space<vmem>>) semaphore(%run_scoped3A_95 : memref<!tpu.dma_semaphore, #tpu.memory_space<semaphore_mem>>) {add = true}
        %dma_wait3A_102 = arith.constant 0 : i32
        %dma_wait3A_103 = tpu.memref_slice %arg8[%run_scoped3A_94, %dma_wait3A_102] : memref<40x128xi32, #tpu.memory_space<vmem>> -> memref<1x128xi32, #tpu.memory_space<vmem>>
        %dma_wait3A_104 = tpu.memref_squeeze %dma_wait3A_103 : memref<1x128xi32, #tpu.memory_space<vmem>> -> memref<128xi32, #tpu.memory_space<vmem>>
        %dma_wait3A_105 = arith.constant 0 : i32
        %dma_wait3A_106 = arith.constant 0 : i32
        %dma_wait3A_107 = tpu.memref_slice %arg11[%dma_wait3A_105, %dma_wait3A_106] : memref<10240x128xf32, #tpu.memory_space<vmem_shared>> -> memref<10240x128xf32, #tpu.memory_space<vmem_shared>>
        tpu.wait_indirect_dma semaphore(%run_scoped3A_95 : memref<!tpu.dma_semaphore, #tpu.memory_space<semaphore_mem>>) src(%arg10 : memref<128x128xf32, #tpu.memory_space<vmem>>) dst(%dma_wait3A_107 : memref<10240x128xf32, #tpu.memory_space<vmem_shared>>)
        tpu.yield
      }) : () -> ()
    } else {
    }
    %barrier3A_10 = arith.constant 0 : index
    tpu.barrier barrier_id(%barrier3A_10)
    %mul3A_11 = arith.constant 640 : i32
    %mul3A_12 = arith.muli %arg1, %mul3A_11 : i32
    %mul3A_13 = arith.constant 10240 : i32
    %mul3A_14 = arith.muli %arg0, %mul3A_13 : i32
    %mul3A_15 = arith.constant 640 : i32
    %mul3A_16 = arith.muli %arg1, %mul3A_15 : i32
    %add3A = arith.addi %mul3A_14, %mul3A_16 : i32
    "tpu.region"() ({
      %run_scoped3A = tpu.sem_alloc : memref<!tpu.dma_semaphore, #tpu.memory_space<semaphore_mem>>
      %dma_start3A = arith.constant 0 : i32
      %dma_start3A_17 = tpu.memref_slice %arg6[%add3A, %dma_start3A] : memref<20480x128xf32, #tpu.memory_space<hbm>> -> memref<640x128xf32, #tpu.memory_space<hbm>>
      %dma_start3A_18 = arith.constant 0 : i32
      %dma_start3A_19 = tpu.memref_slice %arg11[%mul3A_12, %dma_start3A_18] : memref<10240x128xf32, #tpu.memory_space<vmem_shared>> -> memref<640x128xf32, #tpu.memory_space<vmem_shared>>
      tpu.enqueue_dma source(%dma_start3A_19 : memref<640x128xf32, #tpu.memory_space<vmem_shared>>) target(%dma_start3A_17 : memref<640x128xf32, #tpu.memory_space<hbm>>) target_semaphore(%run_scoped3A : memref<!tpu.dma_semaphore, #tpu.memory_space<semaphore_mem>>)
      %dma_wait3A = arith.constant 0 : i32
      %dma_wait3A_20 = tpu.memref_slice %arg6[%add3A, %dma_wait3A] : memref<20480x128xf32, #tpu.memory_space<hbm>> -> memref<640x128xf32, #tpu.memory_space<hbm>>
      %dma_wait3A_21 = arith.constant 0 : i32
      %dma_wait3A_22 = tpu.memref_slice %arg11[%mul3A_12, %dma_wait3A_21] : memref<10240x128xf32, #tpu.memory_space<vmem_shared>> -> memref<640x128xf32, #tpu.memory_space<vmem_shared>>
      tpu.wait_dma2 semaphore(%run_scoped3A : memref<!tpu.dma_semaphore, #tpu.memory_space<semaphore_mem>>) src(%dma_wait3A_22 : memref<640x128xf32, #tpu.memory_space<vmem_shared>>) dst(%dma_wait3A_20 : memref<640x128xf32, #tpu.memory_space<hbm>>)
      tpu.yield
    }) : () -> ()
    return
  }
}

module attributes {stable_mosaic.version = 14 : i64} {
  func.func @_tc_prep_body(%arg0: i32, %arg1: memref<2048x1xf32, #tpu.memory_space<vmem>>, %arg2: memref<2048x1xf32, #tpu.memory_space<vmem>>, %arg3: memref<2048x128xf32, #tpu.memory_space<vmem>>, %arg4: memref<2048x128xf32, #tpu.memory_space<vmem>>, %arg5: memref<2048x1xf32, #tpu.memory_space<vmem>>) attributes {dimension_semantics = [#tpu.dimension_semantics<arbitrary>], iteration_bounds = array<i64: 5>, scalar_prefetch = 0 : i64, scratch_operands = 0 : i64, tpu.core_type = #tpu.core_type<tc>, window_params = [{transform_indices = @transform_0, window_bounds = array<i64: 2048, 1>}, {transform_indices = @transform_1, window_bounds = array<i64: 2048, 1>}, {transform_indices = @transform_2, window_bounds = array<i64: 2048, 128>}, {transform_indices = @transform_3, window_bounds = array<i64: 2048, 128>}, {transform_indices = @transform_4, window_bounds = array<i64: 2048, 1>}]} {
    %get3A = arith.constant 0 : index
    %get3A_0 = arith.constant 0 : index
    %get3A_1 = vector.load %arg1[%get3A, %get3A_0] : memref<2048x1xf32, #tpu.memory_space<vmem>>, vector<2048x1xf32>
    %get3A_2 = arith.constant 0 : index
    %get3A_3 = arith.constant 0 : index
    %get3A_4 = vector.load %arg2[%get3A_2, %get3A_3] : memref<2048x1xf32, #tpu.memory_space<vmem>>, vector<2048x1xf32>
    %add3A = arith.addf %get3A_1, %get3A_4 : vector<2048x1xf32>
    %add3A_5 = arith.constant 1.000000e+00 : f32
    %add3A_6 = vector.broadcast %add3A_5 : f32 to vector<2048x1xf32>
    %add3A_7 = arith.addf %add3A, %add3A_6 : vector<2048x1xf32>
    %max3A = arith.constant 9.99999996E-13 : f32
    %max3A_8 = vector.broadcast %max3A : f32 to vector<2048x1xf32>
    %max3A_9 = arith.maximumf %add3A_7, %max3A_8 : vector<2048x1xf32>
    %rsqrt3A = math.rsqrt %max3A_9 : vector<2048x1xf32>
    %swap3A = arith.constant 0 : index
    %swap3A_10 = arith.constant 0 : index
    %swap3A_11 = vector.load %arg5[%swap3A, %swap3A_10] : memref<2048x1xf32, #tpu.memory_space<vmem>>, vector<2048x1xf32>
    tpu.vector_store %arg5[%swap3A, %swap3A_10], %rsqrt3A {strides = array<i32>} : memref<2048x1xf32, #tpu.memory_space<vmem>>, vector<2048x1xf32>,
    %get3A_12 = arith.constant 0 : index
    %get3A_13 = arith.constant 0 : index
    %get3A_14 = vector.load %arg3[%get3A_12, %get3A_13] : memref<2048x128xf32, #tpu.memory_space<vmem>>, vector<2048x128xf32>
    %mul3A = vector.broadcast %rsqrt3A : vector<2048x1xf32> to vector<2048x128xf32>
    %mul3A_15 = arith.mulf %mul3A, %get3A_14 : vector<2048x128xf32>
    %swap3A_16 = arith.constant 0 : index
    %swap3A_17 = arith.constant 0 : index
    %swap3A_18 = vector.load %arg4[%swap3A_16, %swap3A_17] : memref<2048x128xf32, #tpu.memory_space<vmem>>, vector<2048x128xf32>
    tpu.vector_store %arg4[%swap3A_16, %swap3A_17], %mul3A_15 {strides = array<i32>} : memref<2048x128xf32, #tpu.memory_space<vmem>>, vector<2048x128xf32>,
    return
  }
  func.func @transform_0(%arg0: i32) -> (i32, i32) {
    %c0_i32 = arith.constant 0 : i32
    %c0_i32_0 = arith.constant 0 : i32
    return %arg0, %c0_i32 : i32, i32
  }
  func.func @transform_1(%arg0: i32) -> (i32, i32) {
    %c0_i32 = arith.constant 0 : i32
    %c0_i32_0 = arith.constant 0 : i32
    return %arg0, %c0_i32 : i32, i32
  }
  func.func @transform_2(%arg0: i32) -> (i32, i32) {
    %c0_i32 = arith.constant 0 : i32
    %c0_i32_0 = arith.constant 0 : i32
    return %arg0, %c0_i32 : i32, i32
  }
  func.func @transform_3(%arg0: i32) -> (i32, i32) {
    %c0_i32 = arith.constant 0 : i32
    %c0_i32_0 = arith.constant 0 : i32
    return %arg0, %c0_i32 : i32, i32
  }
  func.func @transform_4(%arg0: i32) -> (i32, i32) {
    %c0_i32 = arith.constant 0 : i32
    %c0_i32_0 = arith.constant 0 : i32
    return %arg0, %c0_i32 : i32, i32
  }
}

module attributes {stable_mosaic.version = 14 : i64} {
  func.func @_tc_mid_body(%arg0: i32, %arg1: memref<2048x128xf32, #tpu.memory_space<vmem>>, %arg2: memref<2048x128xf32, #tpu.memory_space<vmem>>, %arg3: memref<2048x128xf32, #tpu.memory_space<vmem>>, %arg4: memref<2048x1xf32, #tpu.memory_space<vmem>>, %arg5: memref<128x256xf32, #tpu.memory_space<vmem>>, %arg6: memref<1x256xf32, #tpu.memory_space<vmem>>, %arg7: memref<256x128xf32, #tpu.memory_space<vmem>>, %arg8: memref<2048x128xf32, #tpu.memory_space<vmem>>, %arg9: memref<2048x128xf32, #tpu.memory_space<vmem>>) attributes {dimension_semantics = [#tpu.dimension_semantics<arbitrary>], iteration_bounds = array<i64: 5>, scalar_prefetch = 0 : i64, scratch_operands = 0 : i64, tpu.core_type = #tpu.core_type<tc>, window_params = [{transform_indices = @transform_0, window_bounds = array<i64: 2048, 128>}, {transform_indices = @transform_1, window_bounds = array<i64: 2048, 128>}, {transform_indices = @transform_2, window_bounds = array<i64: 2048, 128>}, {transform_indices = @transform_3, window_bounds = array<i64: 2048, 1>}, {pipeline_mode = #tpu.pipeline_mode<synchronous>, transform_indices = @transform_4, window_bounds = array<i64: 128, 256>}, {pipeline_mode = #tpu.pipeline_mode<synchronous>, transform_indices = @transform_5, window_bounds = array<i64: 1, 256>}, {pipeline_mode = #tpu.pipeline_mode<synchronous>, transform_indices = @transform_6, window_bounds = array<i64: 256, 128>}, {transform_indices = @transform_7, window_bounds = array<i64: 2048, 128>}, {transform_indices = @transform_8, window_bounds = array<i64: 2048, 128>}]} {
    %get3A = arith.constant 0 : index
    %get3A_0 = arith.constant 0 : index
    %get3A_1 = vector.load %arg4[%get3A, %get3A_0] : memref<2048x1xf32, #tpu.memory_space<vmem>>, vector<2048x1xf32>
    %get3A_2 = arith.constant 0 : index
    %get3A_3 = arith.constant 0 : index
    %get3A_4 = vector.load %arg1[%get3A_2, %get3A_3] : memref<2048x128xf32, #tpu.memory_space<vmem>>, vector<2048x128xf32>
    %get3A_5 = arith.constant 0 : index
    %get3A_6 = arith.constant 0 : index
    %get3A_7 = vector.load %arg2[%get3A_5, %get3A_6] : memref<2048x128xf32, #tpu.memory_space<vmem>>, vector<2048x128xf32>
    %add3A = arith.addf %get3A_4, %get3A_7 : vector<2048x128xf32>
    %mul3A = vector.broadcast %get3A_1 : vector<2048x1xf32> to vector<2048x128xf32>
    %mul3A_8 = arith.mulf %mul3A, %add3A : vector<2048x128xf32>
    %mul3A_9 = arith.mulf %get3A_1, %get3A_1 : vector<2048x1xf32>
    %get3A_10 = arith.constant 0 : index
    %get3A_11 = arith.constant 0 : index
    %get3A_12 = vector.load %arg3[%get3A_10, %get3A_11] : memref<2048x128xf32, #tpu.memory_space<vmem>>, vector<2048x128xf32>
    %mul3A_13 = vector.broadcast %mul3A_9 : vector<2048x1xf32> to vector<2048x128xf32>
    %mul3A_14 = arith.mulf %mul3A_13, %get3A_12 : vector<2048x128xf32>
    %add3A_15 = arith.addf %mul3A_8, %mul3A_14 : vector<2048x128xf32>
    %get3A_16 = arith.constant 0 : index
    %get3A_17 = arith.constant 0 : index
    %get3A_18 = vector.load %arg5[%get3A_16, %get3A_17] : memref<128x256xf32, #tpu.memory_space<vmem>>, vector<128x256xf32>
    %dot_general3A = arith.constant dense<0.000000e+00> : vector<2048x256xf32>
    %dot_general3A_19 = tpu.matmul %add3A_15, %get3A_18, %dot_general3A {dimension_numbers = #tpu.dot_dimension_numbers<[1], [0], [0], [1], [0, 0, 1, 1], [], []>, transpose_lhs_hint = false} : vector<2048x128xf32>, vector<128x256xf32>, vector<2048x256xf32> -> vector<2048x256xf32>
    %get3A_20 = arith.constant 0 : index
    %get3A_21 = arith.constant 0 : index
    %get3A_22 = vector.load %arg6[%get3A_20, %get3A_21] : memref<1x256xf32, #tpu.memory_space<vmem>>, vector<1x256xf32>
    %add3A_23 = vector.broadcast %get3A_22 : vector<1x256xf32> to vector<2048x256xf32>
    %add3A_24 = arith.addf %dot_general3A_19, %add3A_23 : vector<2048x256xf32>
    %max3A = arith.constant 0.000000e+00 : f32
    %max3A_25 = vector.broadcast %max3A : f32 to vector<2048x256xf32>
    %max3A_26 = arith.maximumf %add3A_24, %max3A_25 : vector<2048x256xf32>
    %get3A_27 = arith.constant 0 : index
    %get3A_28 = arith.constant 0 : index
    %get3A_29 = vector.load %arg7[%get3A_27, %get3A_28] : memref<256x128xf32, #tpu.memory_space<vmem>>, vector<256x128xf32>
    %dot_general3A_30 = arith.constant dense<0.000000e+00> : vector<2048x128xf32>
    %dot_general3A_31 = tpu.matmul %max3A_26, %get3A_29, %dot_general3A_30 {dimension_numbers = #tpu.dot_dimension_numbers<[1], [0], [0], [1], [0, 0, 1, 1], [], []>, transpose_lhs_hint = false} : vector<2048x256xf32>, vector<256x128xf32>, vector<2048x128xf32> -> vector<2048x128xf32>
    %swap3A = arith.constant 0 : index
    %swap3A_32 = arith.constant 0 : index
    %swap3A_33 = vector.load %arg8[%swap3A, %swap3A_32] : memref<2048x128xf32, #tpu.memory_space<vmem>>, vector<2048x128xf32>
    tpu.vector_store %arg8[%swap3A, %swap3A_32], %dot_general3A_31 {strides = array<i32>} : memref<2048x128xf32, #tpu.memory_space<vmem>>, vector<2048x128xf32>,
    %mul3A_34 = vector.broadcast %get3A_1 : vector<2048x1xf32> to vector<2048x128xf32>
    %mul3A_35 = arith.mulf %mul3A_34, %dot_general3A_31 : vector<2048x128xf32>
    %swap3A_36 = arith.constant 0 : index
    %swap3A_37 = arith.constant 0 : index
    %swap3A_38 = vector.load %arg9[%swap3A_36, %swap3A_37] : memref<2048x128xf32, #tpu.memory_space<vmem>>, vector<2048x128xf32>
    tpu.vector_store %arg9[%swap3A_36, %swap3A_37], %mul3A_35 {strides = array<i32>} : memref<2048x128xf32, #tpu.memory_space<vmem>>, vector<2048x128xf32>,
    return
  }
  func.func @transform_0(%arg0: i32) -> (i32, i32) {
    %c0_i32 = arith.constant 0 : i32
    %c0_i32_0 = arith.constant 0 : i32
    return %arg0, %c0_i32 : i32, i32
  }
  func.func @transform_1(%arg0: i32) -> (i32, i32) {
    %add3A = arith.constant 5 : i32
    %add3A_0 = arith.addi %arg0, %add3A : i32
    %c0_i32 = arith.constant 0 : i32
    %c0_i32_1 = arith.constant 0 : i32
    return %add3A_0, %c0_i32 : i32, i32
  }
  func.func @transform_2(%arg0: i32) -> (i32, i32) {
    %c0_i32 = arith.constant 0 : i32
    %c0_i32_0 = arith.constant 0 : i32
    return %arg0, %c0_i32 : i32, i32
  }
  func.func @transform_3(%arg0: i32) -> (i32, i32) {
    %c0_i32 = arith.constant 0 : i32
    %c0_i32_0 = arith.constant 0 : i32
    return %arg0, %c0_i32 : i32, i32
  }
  func.func @transform_4(%arg0: i32) -> (i32, i32) {
    %c0_i32 = arith.constant 0 : i32
    %c0_i32_0 = arith.constant 0 : i32
    %c0_i32_1 = arith.constant 0 : i32
    return %c0_i32, %c0_i32_0 : i32, i32
  }
  func.func @transform_5(%arg0: i32) -> (i32, i32) {
    %c0_i32 = arith.constant 0 : i32
    %c0_i32_0 = arith.constant 0 : i32
    %c0_i32_1 = arith.constant 0 : i32
    return %c0_i32, %c0_i32_0 : i32, i32
  }
  func.func @transform_6(%arg0: i32) -> (i32, i32) {
    %c0_i32 = arith.constant 0 : i32
    %c0_i32_0 = arith.constant 0 : i32
    %c0_i32_1 = arith.constant 0 : i32
    return %c0_i32, %c0_i32_0 : i32, i32
  }
  func.func @transform_7(%arg0: i32) -> (i32, i32) {
    %c0_i32 = arith.constant 0 : i32
    %c0_i32_0 = arith.constant 0 : i32
    return %arg0, %c0_i32 : i32, i32
  }
  func.func @transform_8(%arg0: i32) -> (i32, i32) {
    %c0_i32 = arith.constant 0 : i32
    %c0_i32_0 = arith.constant 0 : i32
    return %arg0, %c0_i32 : i32, i32
  }
}

module attributes {stable_mosaic.version = 14 : i64} {
  func.func @_tc_final_body(%arg0: i32, %arg1: memref<2048x128xf32, #tpu.memory_space<vmem>>, %arg2: memref<2048x128xf32, #tpu.memory_space<vmem>>, %arg3: memref<2048x128xf32, #tpu.memory_space<vmem>>, %arg4: memref<2048x1xf32, #tpu.memory_space<vmem>>, %arg5: memref<1x128xf32, #tpu.memory_space<vmem>>, %arg6: memref<2048x128xf32, #tpu.memory_space<vmem>>) attributes {dimension_semantics = [#tpu.dimension_semantics<arbitrary>], iteration_bounds = array<i64: 5>, scalar_prefetch = 0 : i64, scratch_operands = 0 : i64, tpu.core_type = #tpu.core_type<tc>, window_params = [{transform_indices = @transform_0, window_bounds = array<i64: 2048, 128>}, {transform_indices = @transform_1, window_bounds = array<i64: 2048, 128>}, {transform_indices = @transform_2, window_bounds = array<i64: 2048, 128>}, {transform_indices = @transform_3, window_bounds = array<i64: 2048, 1>}, {pipeline_mode = #tpu.pipeline_mode<synchronous>, transform_indices = @transform_4, window_bounds = array<i64: 1, 128>}, {transform_indices = @transform_5, window_bounds = array<i64: 2048, 128>}]} {
    %get3A = arith.constant 0 : index
    %get3A_0 = arith.constant 0 : index
    %get3A_1 = vector.load %arg4[%get3A, %get3A_0] : memref<2048x1xf32, #tpu.memory_space<vmem>>, vector<2048x1xf32>
    %get3A_2 = arith.constant 0 : index
    %get3A_3 = arith.constant 0 : index
    %get3A_4 = vector.load %arg1[%get3A_2, %get3A_3] : memref<2048x128xf32, #tpu.memory_space<vmem>>, vector<2048x128xf32>
    %get3A_5 = arith.constant 0 : index
    %get3A_6 = arith.constant 0 : index
    %get3A_7 = vector.load %arg2[%get3A_5, %get3A_6] : memref<2048x128xf32, #tpu.memory_space<vmem>>, vector<2048x128xf32>
    %add3A = arith.addf %get3A_4, %get3A_7 : vector<2048x128xf32>
    %mul3A = vector.broadcast %get3A_1 : vector<2048x1xf32> to vector<2048x128xf32>
    %mul3A_8 = arith.mulf %mul3A, %add3A : vector<2048x128xf32>
    %mul3A_9 = arith.mulf %get3A_1, %get3A_1 : vector<2048x1xf32>
    %get3A_10 = arith.constant 0 : index
    %get3A_11 = arith.constant 0 : index
    %get3A_12 = vector.load %arg3[%get3A_10, %get3A_11] : memref<2048x128xf32, #tpu.memory_space<vmem>>, vector<2048x128xf32>
    %mul3A_13 = vector.broadcast %mul3A_9 : vector<2048x1xf32> to vector<2048x128xf32>
    %mul3A_14 = arith.mulf %mul3A_13, %get3A_12 : vector<2048x128xf32>
    %add3A_15 = arith.addf %mul3A_8, %mul3A_14 : vector<2048x128xf32>
    %get3A_16 = arith.constant 0 : index
    %get3A_17 = arith.constant 0 : index
    %get3A_18 = vector.load %arg5[%get3A_16, %get3A_17] : memref<1x128xf32, #tpu.memory_space<vmem>>, vector<1x128xf32>
    %add3A_19 = vector.broadcast %get3A_18 : vector<1x128xf32> to vector<2048x128xf32>
    %add3A_20 = arith.addf %add3A_15, %add3A_19 : vector<2048x128xf32>
    %swap3A = arith.constant 0 : index
    %swap3A_21 = arith.constant 0 : index
    %swap3A_22 = vector.load %arg6[%swap3A, %swap3A_21] : memref<2048x128xf32, #tpu.memory_space<vmem>>, vector<2048x128xf32>
    tpu.vector_store %arg6[%swap3A, %swap3A_21], %add3A_20 {strides = array<i32>} : memref<2048x128xf32, #tpu.memory_space<vmem>>, vector<2048x128xf32>,
    return
  }
  func.func @transform_0(%arg0: i32) -> (i32, i32) {
    %c0_i32 = arith.constant 0 : i32
    %c0_i32_0 = arith.constant 0 : i32
    return %arg0, %c0_i32 : i32, i32
  }
  func.func @transform_1(%arg0: i32) -> (i32, i32) {
    %add3A = arith.constant 5 : i32
    %add3A_0 = arith.addi %arg0, %add3A : i32
    %c0_i32 = arith.constant 0 : i32
    %c0_i32_1 = arith.constant 0 : i32
    return %add3A_0, %c0_i32 : i32, i32
  }
  func.func @transform_2(%arg0: i32) -> (i32, i32) {
    %c0_i32 = arith.constant 0 : i32
    %c0_i32_0 = arith.constant 0 : i32
    return %arg0, %c0_i32 : i32, i32
  }
  func.func @transform_3(%arg0: i32) -> (i32, i32) {
    %c0_i32 = arith.constant 0 : i32
    %c0_i32_0 = arith.constant 0 : i32
    return %arg0, %c0_i32 : i32, i32
  }
  func.func @transform_4(%arg0: i32) -> (i32, i32) {
    %c0_i32 = arith.constant 0 : i32
    %c0_i32_0 = arith.constant 0 : i32
    %c0_i32_1 = arith.constant 0 : i32
    return %c0_i32, %c0_i32_0 : i32, i32
  }
  func.func @transform_5(%arg0: i32) -> (i32, i32) {
    %c0_i32 = arith.constant 0 : i32
    %c0_i32_0 = arith.constant 0 : i32
    return %arg0, %c0_i32 : i32, i32
  }
}

</mosaic_0001>

<sc_bundles>
// kernel: kernel.11.cloned.1.call-start
scs
__scs_entry_jumppad:
0x0: {  	(pc) =	sbr.rel $0x88, $3  }
0x1: {  	(tag) =	ssettag $0x0;
	lr =	simm.s32 $0x1  }
0x2: {  	[smem:$0x3F9B] =	sst lr;
	_ =	strace $0xD0000000  }
0x3: {  	_ = 	snop  }
0x4: {  	_ = 	snop  }
0x5: {  	_ = 	snop  }
0x6: {  	_ = 	snop  }
0x7: {  	_ = 	snop  }
__scs_overlays_trampoline_lowered:
0x8: {  	[smem:$0x3FAA] =	sst s0  }
0x9: {  	[smem:$0x3FAB] =	sst s1  }
0xa: {  	[smem:$0x3FAC] =	sst s2  }
0xb: {  	[smem:$0x3FAD] =	sst s3  }
0xc: {  	[smem:$0x3FAE] =	sst s4  }
0xd: {  	[smem:$0x3FAF] =	sst s5  }
0xe: {  	[smem:$0x3FB0] =	sst s6  }
0xf: {  	[smem:$0x3FB1] =	sst s7  }
0x10: {  	[smem:$0x3FB2] =	sst s8  }
0x11: {  	[smem:$0x3FB3] =	sst s9;
	s0 =	simm.s32 @!p0 $0x0  }
0x12: {  	s1 =	sld [smem:$0x3F99];
	s0 =	simm.s32 @p0 $0x1  }
0x13: {  	[smem:$0x3FB4] =	sst s0;
	s0 =	simm.s32 @!p1 $0x0  }
0x14: {  	s2 =	sld [smem:$0x3F98];
	s0 =	simm.s32 @p1 $0x1  }
0x15: {  	[smem:$0x3FB5] =	sst s0;
	s0 =	simm.s32 @!p2 $0x0  }
0x16: {  	s3 =	sld [smem:$0x3FDB];
	s0 =	simm.s32 @p2 $0x1  }
0x17: {  	s4 =	simm.s32 $0x1BF5;
	[smem:$0x3FB7] =	sst s0  }
0x18: {  	s0 =	sld [smem:$0x3F9A];
	_ =	swait.ge [sflag:s4], $0x0  }
0x19: {  	s7 =	sld [smem:$0x3F9B]  }
0x1a: {  	s8 =	sadd.s32 $0xFFFFE003, lr  }
0x1b: {  	s9 =	sadd.s32 $0xFFFFFEF7, lr;
	s5 =	simm.s32 $0xFFFFFFFF;
	p2 =	slt.u32 s8, $0xFFFFF086  }
0x1c: {  	p1 =	slt.u32 s9, $0xF7A;
	s5 =	simm.s32 @!p2 $0x0  }
0x1d: {  	s5 =	simm.s32 @p1 $0x1;
	p0 =	seq.s32 s7, s2  }
0x1e: {  	s7 =	smul.u32 @!p0 $0xF7A, s2;
	p2 =	seq.s32 @!p0 s5, $0x0  }
0x1f: {  	s9 =	smul.u32 $0xF7A, s1;
	s8 =	simm.s32 @!p0 $0x1BF5;
	p2 =	por !p2, p0  }
0x20: {  	[sflag:s8] =	ssyncset.s32 @!p0 $0xFFFFF086;
	s6 =	sadd.s32 @!p0 s3, s7;
	s7 =	simm.s32 @!p0 $0x108  }
0x21: {  	s3 =	sadd.s32 s3, s9;
	s6 =	sadd.s32 @!p0 $0x88, s6;
	s7 =	simm.s32 @p2 $0x1082  }
0x22: {  	[simem:s7], [sflag:s8] =	dma.local @!p0 [hbm:s6], $0xF7A  }
0x23: {  	s9 =	sor.u32 $0xD0000000, s2;
	s6 =	simm.s32 $0x108;
	_ =	swait.ge @!p0 [sflag:s8], $0x0  }
0x24: {  	s3 =	sadd.s32 $0x88, s3;
	s6 =	simm.s32 @!p1 $0x1082;
	[sflag:s4] =	ssyncset.s32 $0xFFFFF086  }
0x25: {  	[simem:s6], [sflag:s4] =	dma.local [hbm:s3], $0xF7A  }
0x26: {  	[smem:$0x3F9B] =	sst s1;
	(tag) =	ssettag s2;
	_ =	strace s9  }
0x27: {  	s1 =	sld [smem:$0x3FAB]  }
0x28: {  	s2 =	sld [smem:$0x3FAC]  }
0x29: {  	s4 =	sld [smem:$0x3FAE]  }
0x2a: {  	p0 =	seq.s32 s5, $0x0;
	s5 =	sld [smem:$0x3FAF]  }
0x2b: {  	s6 =	sld [smem:$0x3FB0]  }
0x2c: {  	s7 =	sld [smem:$0x3FB1]  }
0x2d: {  	s3 =	simm.s32 $0x108;
	s8 =	sld [smem:$0x3FB2]  }
0x2e: {  	s3 =	simm.s32 @!p0 $0x1082;
	s9 =	sld [smem:$0x3FB3]  }
0x2f: {  	lr =	sadd.s32 s0, s3;
	s0 =	sld [smem:$0x3FAA]  }
0x30: {  	s3 =	sld [smem:$0x3FAD]  }
0x31: {  	[smem:$0x3FB6] =	sst s10  }
0x32: {  	s10 =	sld [smem:$0x3FB4];
	_ =	sdelay $0x3  }
0x33: {  	p0 =	seq.s32 s10, $0x1;
	s10 =	sld [smem:$0x3FB6];
	_ =	sdelay $0x3  }
0x34: {  	[smem:$0x3FB6] =	sst s10  }
0x35: {  	s10 =	sld [smem:$0x3FB5];
	_ =	sdelay $0x3  }
0x36: {  	p1 =	seq.s32 s10, $0x1;
	s10 =	sld [smem:$0x3FB6];
	_ =	sdelay $0x3  }
0x37: {  	[smem:$0x3FB6] =	sst s10  }
0x38: {  	s10 =	sld [smem:$0x3FB7]  }
0x39: {  	_ = 	snop;
	(pc) =	sbr.ind lr, $3  }
0x3a: {  	_ = 	snop  }
0x3b: {  	_ = 	snop  }
0x3c: {  	p2 =	seq.s32 s10, $0x1;
	s10 =	sld [smem:$0x3FB6]  }
0x3d: {  	_ =	shalt  }
0x3e: {  	_ =	shalt  }
0x3f: {  	_ =	shalt  }
0x40: {  	_ =	shalt  }
0x41: {  	_ =	shalt  }
0x42: {  	_ =	shalt  }
0x43: {  	_ =	shalt  }
0x44: {  	_ =	shalt  }
0x45: {  	_ =	shalt  }
0x46: {  	_ =	shalt  }
0x47: {  	_ =	shalt  }
0x48: {  	_ =	shalt  }
0x49: {  	_ =	shalt  }
0x4a: {  	_ =	shalt  }
0x4b: {  	_ =	shalt  }
0x4c: {  	_ =	shalt  }
0x4d: {  	_ =	shalt  }
0x4e: {  	_ =	shalt  }
0x4f: {  	_ =	shalt  }
0x50: {  	_ =	shalt  }
0x51: {  	_ =	shalt  }
0x52: {  	_ =	shalt  }
0x53: {  	_ =	shalt  }
0x54: {  	_ =	shalt  }
0x55: {  	_ =	shalt  }
0x56: {  	_ =	shalt  }
0x57: {  	_ =	shalt  }
0x58: {  	_ =	shalt  }
0x59: {  	_ =	shalt  }
0x5a: {  	_ =	shalt  }
0x5b: {  	_ =	shalt  }
0x5c: {  	_ =	shalt  }
0x5d: {  	_ =	shalt  }
0x5e: {  	_ =	shalt  }
0x5f: {  	_ =	shalt  }
0x60: {  	_ =	shalt  }
0x61: {  	_ =	shalt  }
0x62: {  	_ =	shalt  }
0x63: {  	_ =	shalt  }
0x64: {  	_ =	shalt  }
0x65: {  	_ =	shalt  }
0x66: {  	_ =	shalt  }
0x67: {  	_ =	shalt  }
0x68: {  	_ =	shalt  }
0x69: {  	_ =	shalt  }
0x6a: {  	_ =	shalt  }
0x6b: {  	_ =	shalt  }
0x6c: {  	_ =	shalt  }
0x6d: {  	_ =	shalt  }
0x6e: {  	_ =	shalt  }
0x6f: {  	_ =	shalt  }
0x70: {  	_ =	shalt  }
0x71: {  	_ =	shalt  }
0x72: {  	_ =	shalt  }
0x73: {  	_ =	shalt  }
0x74: {  	_ =	shalt  }
0x75: {  	_ =	shalt  }
0x76: {  	_ =	shalt  }
0x77: {  	_ =	shalt  }
0x78: {  	_ =	shalt  }
0x79: {  	_ =	shalt  }
0x7a: {  	_ =	shalt  }
0x7b: {  	_ =	shalt  }
0x7c: {  	_ =	shalt  }
0x7d: {  	_ =	shalt  }
0x7e: {  	_ =	shalt  }
0x7f: {  	_ =	shalt  }
0x80: {  	_ =	shalt  }
0x81: {  	_ =	shalt  }
0x82: {  	_ =	shalt  }
0x83: {  	_ =	shalt  }
0x84: {  	_ =	shalt  }
0x85: {  	_ =	shalt  }
0x86: {  	_ =	shalt  }
0x87: {  	_ =	shalt  }
.Lfunc_end0:
.L_simem_size_0:
called_computation.1_lowered:
.L_overlay_start_0:
0x88: {  	s2 =	sld [smem:$0x3FD9]  }
0x89: {  	s3 =	sld [smem:$0x3FFE];
	_ =	sdelay $0x1  }
0x8a: {  	s1 =	srdreg.scid  }
0x8b: {  	s0 =	sand.u32 $0x1, s1  }
0x8c: {  	s17 =	sshll.u32 s0, $0xA;
	s2 =	sadd.s32 s3, s2  }
0x8d: {  	s2 =	sadd.s32 s2, s17  }
0x8e: {  	[smem:$0x3FC2] =	sst s2  }
0x8f: {  	_ = 	snop  }
0x90: {  	s2 =	sld [smem:$0x3FD0];
	(tm) =	ssettm $0x1  }
0x91: {  	s18 =	sld [smem:$0x3FFB];
	_ =	sdelay $0x3  }
0x92: {  	_ =	strace s18  }
0x93: {  	s3 =	sld [smem:$0x3FFC];
	_ =	sdelay $0x3  }
0x94: {  	_ =	strace s3  }
0x95: {  	s3 =	sld [smem:$0x3FFD];
	_ =	sdelay $0x3  }
0x96: {  	_ =	strace s3  }
0x97: {  	_ =	strace $0x8FFFFFFF  }
0x98: {  	s19 =	sld [smem:$0x3FDB];
	_ =	sdelay $0x1  }
0x99: {  	s4 =	simm.s32 $_scs_section_size  }
0x9a: {  	s5 =	simm.s32 $_size__tile_overlayer_lowered;
	s6 =	simm.s32 $_tile_overlayer_lowered  }
0x9b: {  	s22 =	simm.s32 $0x1BFF;
	s21 =	sshll.u32 s6, $0x1;
	s3 =	sadd.s32 s4, s19  }
0x9c: {  	s7 =	simm.s32 $0x0;
	s20 =	sshll.u32 s5, $0x1;
	s5 =	sadd.s32 s21, s3  }
0x9d: {  	[timem:s7], [sflag:s22] =	dma.local [hbm:s5], s20  }
0x9e: {  	_ =	swait.ge [sflag:s22], s20  }
0x9f: {  	s4 =	ssub.s32 $0x0, s20;
	[sflag:s22] =	ssyncset.done $0x0  }
0xa0: {  	[sflag:s22] =	ssyncadd.s32 s4;
	_ =	sdelay $0x1  }
0xa1: {  	s23 =	simm.s32 $0x1B8B  }
0xa2: {  	_ =	swait.ge [sflag:s23], $0x1  }
0xa3: {  	[sflag:s23] =	ssyncset.done $0x0  }
0xa4: {  	s25 =	simm.s32 $0x1B8E;
	s24 =	sld [smem:$0x3FFE];
	[sflag:s23] =	ssyncadd.s32 $0xFFFFFFFF  }
0xa5: {  	s26 =	simm.s32 $execute0_lowered;
	[smem:$0x3FD2] =	sst s25  }
0xa6: {  	s5 =	sshll.u32 s26, $0x1;
	_ =	strace $0x80000049;
	[dreg:$0x1] =	wrdreg $0xFFFFFFFF  }
0xa7: {  	s28 =	simm.s32 $_size_execute0_lowered;
	s3 =	sadd.s32 s3, s5;
	[dreg:$0x0] =	wrdreg $0x0  }
0xa8: {  	s5 =	sshll.u32 s28, $0x1;
	[dreg:$0x2] =	wrdreg s3  }
0xa9: {  	[dreg:$0x3] =	wrdreg s5  }
0xaa: {  	[dreg:$0x4] =	wrdreg $0xC0  }
0xab: {  	_ =	task [dreg:s7], $0x5FFFF  }
0xac: {  	[dreg:$0x1] =	wrdreg $0xFFFFFFFF  }
0xad: {  	[dreg:$0x0] =	wrdreg $0x60  }
0xae: {  	[dreg:$0x2] =	wrdreg s24  }
0xaf: {  	[dreg:$0x3] =	wrdreg s2  }
0xb0: {  	[dreg:$0x4] =	wrdreg $0xA8000  }
0xb1: {  	[dreg:$0x5] =	wrdreg $0x9  }
0xb2: {  	_ =	task.clear_ibuf [dreg:s7], $0x6FFFF;
	_ =	strace $0x90000049  }
0xb3: {  	s29 =	simm.s32 $0x9;
	_ =	strace $0x8000004B  }
0xb4: {  	_ =	swait.ge [sflag:s29], $0x1  }
0xb5: {  	[sflag:s29] =	ssyncadd.s32 $0xFFFFFFFF  }
0xb6: {  	_ =	strace $0x9000004B  }
0xb7: {  	_ =	sfence  }
0xb8: {  	s30 =	sld [smem:$0x0];
	_ =	sdelay $0x2  }
0xb9: {  	s31 =	sshll.u32 s1, $0xD;
	s1 =	sshrl.u32 s1, $0x2  }
0xba: {  	s3 =	sand.u32 $0x4000, s31;
	s1 =	sadd.s32 s1, s30  }
0xbb: {  	s0 =	sor.u32 s3, s0;
	s1 =	sshll.u32 s1, $0x11  }
0xbc: {  	s0 =	sor.u32 s1, s0  }
0xbd: {  	s0 =	sadd.s32 $0x8F2B, s0  }
0xbe: {  	[sflag:s0] =	ssyncadd.remote.s32 $0x1  }
0xbf: {  	_ =	sfence.sel $0xFFFF  }
0xc0: {  	[dreg:$0x0] =	wrdreg $0xFFFFFFFF;
	(pc) =	sbr.abs _section_cstart, $3  }
0xc1: {  	[dreg:$0x1] =	wrdreg $0xFFFFFFFF  }
0xc2: {  	_ =	task.clear_ibuf [dreg:s7], $0x2FFFF;
	_ =	strace $0x9FFFFFFF  }
0xc3: {  	(tm) =	ssettm $0x7FFFFFFF  }
tec
execute0_lowered:
.L_overlay_start_1:
0x0: {  	(tag) =	ssettag $0x1  }
0x1: {  	s5 =	rddreg [dreg:$0x0]  }
0x2: {  	s13 =	rddreg [dreg:$0x1]  }
0x3: {  	s2 =	rddreg [dreg:$0x2]  }
0x4: {  	s0 =	rddreg [dreg:$0x3];
	s3 =	simm.s32 $0x0  }
0x5: {  	s1 =	stileid.u32;
	s4 =	srdreg.scid;
	s20 =	simm.s32 $0x80  }
0x6: {  	s21 =	simm.s32 $0x2800;
	s22 =	simm.s32 $0x6800;
	s23 =	simm.s32 $0x1  }
0x7: {  	s24 =	simm.s32 $0x2;
	s25 =	simm.s32 $0x2700;
	s7 =	smul.u32 $0x2800, s1  }
0x8: {  	[smem:$0x7FF] =	sst s3;
	s8 =	sand.u32 $0x1, s4;
	s10 =	smul.u32 $0x50000, s1  }
0x9: {  	s4 =	sadd.s32 $0x35200, s5;
	s14 =	sadd.s32 $0x2800, s5;
	s29 =	smul.u32 $0x500, s1  }
0xa: {  	s28 =	sshll.u32 s1, $0x6;
	_ =	strace $0x8000004A;
	s6 =	smul.u32 $0x28000, s8  }
0xb: {  	s9 =	ssub.s32 $0x2, s8;
	p0 =	seq.s32 s8, $0x1;
	s11 =	sadd.s32 s7, s5  }
0xc: {  	s12 =	sshrl.u32 s9, $0x1;
	s26 =	sshrl.u32 s10, $0x2;
	s30 =	sshrl.u32 s7, $0x3  }
0xd: {  	s8 =	sadd.s32 s14, s29;
	s6 =	sadd.s32 s7, s6;
	s16 =	ssub.s32 s9, s12  }
0xe: {  	s17 =	sadd.s32 s26, s2;
	s7 =	sadd.s32 s13, s29;
	s31 =	sadd.s32 $0x280, s30  }
0xf: {  	s18 =	sadd.s32 $0x5000, s30;
	s19 =	sadd.s32 $0x5280, s30;
	s26 =	simm.s32 $0x2780  }
.Ltmp0:
0x10: {  	s15 =	sadd.s32 s6, s5;
	s5 =	sadd.s32 $0x5D200, s11;
	(pc) =	sbr.rel .LBB2_1-.Ltmp0, $4  }
0x11: {  	s6 =	sor.u32 $0x1C03, s28;
	s9 =	sadd.s32 s13, s31;
	s10 =	sadd.s32 s14, s31  }
0x12: {  	s11 =	sadd.s32 s13, s18;
	s12 =	sadd.s32 s14, s18;
	s13 =	sadd.s32 s13, s19  }
0x13: {  	s14 =	sadd.s32 s14, s19;
	s16 =	smax.u32 s16, $0x1;
	s17 =	sshrl.u32 s17, $0x3  }
0x14: {  	s18 =	simm.s32 $0x3;
	s19 =	simm.s32 $0x1400;
	s15 =	sadd.s32 $0x85200, s15  }
.LBB2_11:
0x15: {  	[tilespmem:s22], [sflag:$0x2] =	stream.indirect.gather [hbm4b:s4+s20], $0x80, s29, s20, $0xb8;
	[tilespmem:$0x1E800] =	vst v63  }
.LBB2_12:
0x16: {  	_ =	swait.ge [sflag:s23], $0x4000  }
0x17: {  	[sflag:s23] =	ssyncset.done $0x0  }
0x18: {  	[sflag:s23] =	ssyncadd.s32 $0xFFFFC000  }
0x19: {  	[spmem:s2] =	stream.indirect.scatter.add.f32 [tilespmem:s21], [sflag:$0x3], $0x80, s25, s20, $0xb8;
	[tilespmem:$0x1E800] =	vst v63  }
0x1a: {  	_ =	swait.ge [sflag:s18], $0x4000  }
0x1b: {  	[sflag:s18] =	ssyncset.done $0x0  }
0x1c: {  	[sflag:s18] =	ssyncadd.s32 $0xFFFFC000  }
0x1d: {  	_ =	swait.ge [sflag:s24], $0x4000  }
0x1e: {  	[sflag:s24] =	ssyncset.done $0x0  }
0x1f: {  	[sflag:s24] =	ssyncadd.s32 $0xFFFFC000  }
0x20: {  	[spmem:s2] =	stream.indirect.scatter.add.f32 [tilespmem:s22], [sflag:$0x3], $0x80, s26, s20, $0xb8;
	[tilespmem:$0x1E800] =	vst v63  }
0x21: {  	_ =	swait.ge [sflag:s18], $0x4000  }
0x22: {  	s3 =	sadd.s32 $0x1, s3;
	[sflag:s18] =	ssyncset.done $0x0  }
0x23: {  	p1 =	sne.s32 s3, s16;
	[sflag:s18] =	ssyncadd.s32 $0xFFFFC000  }
.Ltmp1:
0x24: {  	[bflag:$0x0] =	sbarrier.arrive $0xFFFF;
	(pc) =	sbr.rel @!p1 .LBB2_13-.Ltmp1, $4  }
0x25: {  	[hbm:s15], [sflag:s6] =	dma.local [spmem:s17], $0x2800  }
0x26: {  	_ =	swait.ge [sflag:s18], $0x2800  }
0x27: {  	[sflag:s18] =	ssyncset.done $0x0  }
0x28: {  	[sflag:s18] =	ssyncadd.s32 $0xFFFFD800  }
.LBB2_1:
0x29: {  	[spmem:s17], [sflag:s6] =	dma.local [hbm:s5], $0x2800  }
.Ltmp2:
0x2a: {  	_ =	swait.ge [sflag:s18], $0x2800;
	(pc) =	sbr.rel @!p0 .LBB2_2-.Ltmp2, $4  }
0x2b: {  	[sflag:s18] =	ssyncset.done $0x0  }
0x2c: {  	[sflag:s18] =	ssyncadd.s32 $0xFFFFD800  }
0x2d: {  	[bflag:$0x0] =	sbarrier.arrive $0xFFFF  }
0x2e: {  	s28 =	simm.s32 $0x0  }
0x2f: {  	[tilespmem:s28], [sflag:$0x3] =	stream.linear.gather [hbm4b:s11+s28], $0x1400, $0x38;
	[tilespmem:$0x1E800] =	vst v63  }
0x30: {  	_ =	swait.ge [sflag:s18], $0x1400  }
0x31: {  	[sflag:s18] =	ssyncset.done $0x0  }
0x32: {  	[sflag:s18] =	ssyncadd.s32 $0xFFFFEC00  }
0x33: {  	[tilespmem:s19], [sflag:$0x3] =	stream.linear.gather [hbm4b:s12+s28], $0x1400, $0x38;
	[tilespmem:$0x1E800] =	vst v63  }
0x34: {  	_ =	swait.ge [sflag:s18], $0x1400  }
0x35: {  	[sflag:s18] =	ssyncset.done $0x0  }
0x36: {  	[sflag:s18] =	ssyncadd.s32 $0xFFFFEC00  }
0x37: {  	[tilespmem:s21], [sflag:$0x1] =	stream.indirect.gather [hbm4b:s4+s20], $0x80, s28, s20, $0xb8;
	[tilespmem:$0x1E800] =	vst v63  }
0x38: {  	_ = 	snop  }
0x39: {  	[tilespmem:s22], [sflag:$0x2] =	stream.indirect.gather [hbm4b:s4+s20], $0x80, s20, s20, $0xb8;
	[tilespmem:$0x1E800] =	vst v63  }
0x3a: {  	_ =	swait.ge [sflag:s23], $0x4000  }
0x3b: {  	[sflag:s23] =	ssyncset.done $0x0  }
0x3c: {  	s28 =	simm.s32 $0x1400;
	[sflag:s23] =	ssyncadd.s32 $0xFFFFC000  }
0x3d: {  	[spmem:s2] =	stream.indirect.scatter.add.f32 [tilespmem:s21], [sflag:$0x3], $0x80, s28, s20, $0xb8;
	[tilespmem:$0x1E800] =	vst v63  }
0x3e: {  	_ =	swait.ge [sflag:s18], $0x4000  }
0x3f: {  	[sflag:s18] =	ssyncset.done $0x0  }
0x40: {  	s28 =	simm.s32 $0x100;
	[sflag:s18] =	ssyncadd.s32 $0xFFFFC000  }
0x41: {  	[tilespmem:s21], [sflag:$0x1] =	stream.indirect.gather [hbm4b:s4+s20], $0x80, s28, s20, $0xb8;
	[tilespmem:$0x1E800] =	vst v63  }
0x42: {  	_ =	swait.ge [sflag:s24], $0x4000  }
0x43: {  	[sflag:s24] =	ssyncset.done $0x0  }
0x44: {  	s28 =	simm.s32 $0x1480;
	[sflag:s24] =	ssyncadd.s32 $0xFFFFC000  }
0x45: {  	[spmem:s2] =	stream.indirect.scatter.add.f32 [tilespmem:s22], [sflag:$0x3], $0x80, s28, s20, $0xb8;
	[tilespmem:$0x1E800] =	vst v63  }
0x46: {  	_ =	swait.ge [sflag:s18], $0x4000  }
0x47: {  	[sflag:s18] =	ssyncset.done $0x0  }
0x48: {  	s29 =	simm.s32 $0x180;
	s28 =	simm.s32 $0x400;
	[sflag:s18] =	ssyncadd.s32 $0xFFFFC000  }
.LBB2_8:
0x49: {  	[tilespmem:s22], [sflag:$0x2] =	stream.indirect.gather [hbm4b:s4+s20], $0x80, s29, s20, $0xb8;
	[tilespmem:$0x1E800] =	vst v63  }
0x4a: {  	s29 =	smov.u32 s28  }
0x4b: {  	p1 =	sne.s32 s28, $0x4800;
	s28 =	sadd.s32 $0x400, s28;
	_ =	swait.ge [sflag:s23], $0x4000  }
0x4c: {  	s29 =	sshra.s32 s29, $0x2;
	[sflag:s23] =	ssyncset.done $0x0  }
0x4d: {  	s30 =	sadd.s32 $0x1400, s29;
	[sflag:s23] =	ssyncadd.s32 $0xFFFFC000  }
0x4e: {  	[spmem:s2] =	stream.indirect.scatter.add.f32 [tilespmem:s21], [sflag:$0x3], $0x80, s30, s20, $0xb8;
	[tilespmem:$0x1E800] =	vst v63  }
0x4f: {  	_ =	swait.ge [sflag:s18], $0x4000  }
0x50: {  	[sflag:s18] =	ssyncset.done $0x0  }
0x51: {  	s30 =	sadd.s32 $0x100, s29;
	[sflag:s18] =	ssyncadd.s32 $0xFFFFC000  }
0x52: {  	[tilespmem:s21], [sflag:$0x1] =	stream.indirect.gather [hbm4b:s4+s20], $0x80, s30, s20, $0xb8;
	[tilespmem:$0x1E800] =	vst v63  }
0x53: {  	_ =	swait.ge [sflag:s24], $0x4000  }
0x54: {  	[sflag:s24] =	ssyncset.done $0x0  }
.Ltmp3:
0x55: {  	s30 =	sadd.s32 $0x1480, s29;
	[sflag:s24] =	ssyncadd.s32 $0xFFFFC000;
	(pc) =	sbr.rel @p1 .LBB2_8-.Ltmp3, $4  }
0x56: {  	[spmem:s2] =	stream.indirect.scatter.add.f32 [tilespmem:s22], [sflag:$0x3], $0x80, s30, s20, $0xb8;
	[tilespmem:$0x1E800] =	vst v63  }
0x57: {  	_ =	swait.ge [sflag:s18], $0x4000  }
0x58: {  	[sflag:s18] =	ssyncset.done $0x0  }
0x59: {  	s29 =	sadd.s32 $0x180, s29;
	[sflag:s18] =	ssyncadd.s32 $0xFFFFC000  }
0x5a: {  	[tilespmem:s22], [sflag:$0x2] =	stream.indirect.gather [hbm4b:s4+s20], $0x80, s29, s20, $0xb8;
	[tilespmem:$0x1E800] =	vst v63  }
0x5b: {  	_ =	swait.ge [sflag:s23], $0x4000  }
0x5c: {  	[sflag:s23] =	ssyncset.done $0x0  }
0x5d: {  	[sflag:s23] =	ssyncadd.s32 $0xFFFFC000  }
0x5e: {  	[spmem:s2] =	stream.indirect.scatter.add.f32 [tilespmem:s21], [sflag:$0x3], $0x80, s25, s20, $0xb8;
	[tilespmem:$0x1E800] =	vst v63  }
0x5f: {  	_ =	swait.ge [sflag:s18], $0x4000  }
0x60: {  	[sflag:s18] =	ssyncset.done $0x0  }
0x61: {  	[sflag:s18] =	ssyncadd.s32 $0xFFFFC000  }
0x62: {  	_ =	swait.ge [sflag:s24], $0x4000  }
0x63: {  	[sflag:s24] =	ssyncset.done $0x0  }
0x64: {  	[sflag:s24] =	ssyncadd.s32 $0xFFFFC000  }
0x65: {  	[spmem:s2] =	stream.indirect.scatter.add.f32 [tilespmem:s22], [sflag:$0x3], $0x80, s26, s20, $0xb8;
	[tilespmem:$0x1E800] =	vst v63  }
0x66: {  	_ =	swait.ge [sflag:s18], $0x4000  }
0x67: {  	[sflag:s18] =	ssyncset.done $0x0  }
0x68: {  	s28 =	simm.s32 $0x0;
	[sflag:s18] =	ssyncadd.s32 $0xFFFFC000  }
0x69: {  	[tilespmem:s28], [sflag:$0x3] =	stream.linear.gather [hbm4b:s13+s28], $0x1400, $0x38;
	[tilespmem:$0x1E800] =	vst v63  }
0x6a: {  	_ =	swait.ge [sflag:s18], $0x1400  }
0x6b: {  	[sflag:s18] =	ssyncset.done $0x0  }
0x6c: {  	[sflag:s18] =	ssyncadd.s32 $0xFFFFEC00  }
0x6d: {  	[tilespmem:s19], [sflag:$0x3] =	stream.linear.gather [hbm4b:s14+s28], $0x1400, $0x38;
	[tilespmem:$0x1E800] =	vst v63  }
0x6e: {  	_ =	swait.ge [sflag:s18], $0x1400  }
0x6f: {  	[sflag:s18] =	ssyncset.done $0x0  }
0x70: {  	[sflag:s18] =	ssyncadd.s32 $0xFFFFEC00  }
0x71: {  	[tilespmem:s21], [sflag:$0x1] =	stream.indirect.gather [hbm4b:s4+s20], $0x80, s28, s20, $0xb8;
	[tilespmem:$0x1E800] =	vst v63  }
0x72: {  	_ = 	snop  }
0x73: {  	[tilespmem:s22], [sflag:$0x2] =	stream.indirect.gather [hbm4b:s4+s20], $0x80, s20, s20, $0xb8;
	[tilespmem:$0x1E800] =	vst v63  }
0x74: {  	_ =	swait.ge [sflag:s23], $0x4000  }
0x75: {  	[sflag:s23] =	ssyncset.done $0x0  }
0x76: {  	s28 =	simm.s32 $0x1400;
	[sflag:s23] =	ssyncadd.s32 $0xFFFFC000  }
0x77: {  	[spmem:s2] =	stream.indirect.scatter.add.f32 [tilespmem:s21], [sflag:$0x3], $0x80, s28, s20, $0xb8;
	[tilespmem:$0x1E800] =	vst v63  }
0x78: {  	_ =	swait.ge [sflag:s18], $0x4000  }
0x79: {  	[sflag:s18] =	ssyncset.done $0x0  }
0x7a: {  	s28 =	simm.s32 $0x100;
	[sflag:s18] =	ssyncadd.s32 $0xFFFFC000  }
0x7b: {  	[tilespmem:s21], [sflag:$0x1] =	stream.indirect.gather [hbm4b:s4+s20], $0x80, s28, s20, $0xb8;
	[tilespmem:$0x1E800] =	vst v63  }
0x7c: {  	_ =	swait.ge [sflag:s24], $0x4000  }
0x7d: {  	[sflag:s24] =	ssyncset.done $0x0  }
0x7e: {  	s28 =	simm.s32 $0x1480;
	[sflag:s24] =	ssyncadd.s32 $0xFFFFC000  }
0x7f: {  	[spmem:s2] =	stream.indirect.scatter.add.f32 [tilespmem:s22], [sflag:$0x3], $0x80, s28, s20, $0xb8;
	[tilespmem:$0x1E800] =	vst v63  }
0x80: {  	_ =	swait.ge [sflag:s18], $0x4000  }
0x81: {  	[sflag:s18] =	ssyncset.done $0x0  }
0x82: {  	s29 =	simm.s32 $0x180;
	s28 =	simm.s32 $0x400;
	[sflag:s18] =	ssyncadd.s32 $0xFFFFC000  }
.LBB2_10:
0x83: {  	[tilespmem:s22], [sflag:$0x2] =	stream.indirect.gather [hbm4b:s4+s20], $0x80, s29, s20, $0xb8;
	[tilespmem:$0x1E800] =	vst v63  }
0x84: {  	s29 =	smov.u32 s28  }
0x85: {  	p1 =	sne.s32 s28, $0x4800;
	s28 =	sadd.s32 $0x400, s28;
	_ =	swait.ge [sflag:s23], $0x4000  }
0x86: {  	s29 =	sshra.s32 s29, $0x2;
	[sflag:s23] =	ssyncset.done $0x0  }
0x87: {  	s30 =	sadd.s32 $0x1400, s29;
	[sflag:s23] =	ssyncadd.s32 $0xFFFFC000  }
0x88: {  	[spmem:s2] =	stream.indirect.scatter.add.f32 [tilespmem:s21], [sflag:$0x3], $0x80, s30, s20, $0xb8;
	[tilespmem:$0x1E800] =	vst v63  }
0x89: {  	_ =	swait.ge [sflag:s18], $0x4000  }
0x8a: {  	[sflag:s18] =	ssyncset.done $0x0  }
0x8b: {  	s30 =	sadd.s32 $0x100, s29;
	[sflag:s18] =	ssyncadd.s32 $0xFFFFC000  }
0x8c: {  	[tilespmem:s21], [sflag:$0x1] =	stream.indirect.gather [hbm4b:s4+s20], $0x80, s30, s20, $0xb8;
	[tilespmem:$0x1E800] =	vst v63  }
0x8d: {  	_ =	swait.ge [sflag:s24], $0x4000  }
0x8e: {  	[sflag:s24] =	ssyncset.done $0x0  }
.Ltmp4:
0x8f: {  	s30 =	sadd.s32 $0x1480, s29;
	[sflag:s24] =	ssyncadd.s32 $0xFFFFC000;
	(pc) =	sbr.rel @p1 .LBB2_10-.Ltmp4, $4  }
0x90: {  	[spmem:s2] =	stream.indirect.scatter.add.f32 [tilespmem:s22], [sflag:$0x3], $0x80, s30, s20, $0xb8;
	[tilespmem:$0x1E800] =	vst v63  }
0x91: {  	_ =	swait.ge [sflag:s18], $0x4000  }
0x92: {  	[sflag:s18] =	ssyncset.done $0x0  }
0x93: {  	s29 =	sadd.s32 $0x180, s29;
	[sflag:s18] =	ssyncadd.s32 $0xFFFFC000  }
.Ltmp5:
0x94: {  	_ = 	snop;
	(pc) =	sbr.rel .LBB2_11-.Ltmp5, $1  }
0x95: {  	_ =	sdelay $0x3  }
.LBB2_2:
0x96: {  	[tilespmem:s28], [sflag:$0x3] =	stream.linear.gather [hbm4b:s7+s28], $0x1400, $0x38;
	[tilespmem:$0x1E800] =	vst v63  }
0x97: {  	_ =	swait.ge [sflag:s18], $0x1400  }
0x98: {  	[sflag:s18] =	ssyncset.done $0x0  }
0x99: {  	[sflag:s18] =	ssyncadd.s32 $0xFFFFEC00  }
0x9a: {  	[tilespmem:s19], [sflag:$0x3] =	stream.linear.gather [hbm4b:s8+s28], $0x1400, $0x38;
	[tilespmem:$0x1E800] =	vst v63  }
0x9b: {  	_ =	swait.ge [sflag:s18], $0x1400  }
0x9c: {  	[sflag:s18] =	ssyncset.done $0x0  }
0x9d: {  	[sflag:s18] =	ssyncadd.s32 $0xFFFFEC00  }
0x9e: {  	[tilespmem:s21], [sflag:$0x1] =	stream.indirect.gather [hbm4b:s4+s20], $0x80, s28, s20, $0xb8;
	[tilespmem:$0x1E800] =	vst v63  }
0x9f: {  	_ = 	snop  }
0xa0: {  	[tilespmem:s22], [sflag:$0x2] =	stream.indirect.gather [hbm4b:s4+s20], $0x80, s20, s20, $0xb8;
	[tilespmem:$0x1E800] =	vst v63  }
0xa1: {  	_ =	swait.ge [sflag:s23], $0x4000  }
0xa2: {  	[sflag:s23] =	ssyncset.done $0x0  }
0xa3: {  	s28 =	simm.s32 $0x1400;
	[sflag:s23] =	ssyncadd.s32 $0xFFFFC000  }
0xa4: {  	[spmem:s2] =	stream.indirect.scatter.add.f32 [tilespmem:s21], [sflag:$0x3], $0x80, s28, s20, $0xb8;
	[tilespmem:$0x1E800] =	vst v63  }
0xa5: {  	_ =	swait.ge [sflag:s18], $0x4000  }
0xa6: {  	[sflag:s18] =	ssyncset.done $0x0  }
0xa7: {  	s28 =	simm.s32 $0x100;
	[sflag:s18] =	ssyncadd.s32 $0xFFFFC000  }
0xa8: {  	[tilespmem:s21], [sflag:$0x1] =	stream.indirect.gather [hbm4b:s4+s20], $0x80, s28, s20, $0xb8;
	[tilespmem:$0x1E800] =	vst v63  }
0xa9: {  	_ =	swait.ge [sflag:s24], $0x4000  }
0xaa: {  	[sflag:s24] =	ssyncset.done $0x0  }
0xab: {  	s28 =	simm.s32 $0x1480;
	[sflag:s24] =	ssyncadd.s32 $0xFFFFC000  }
0xac: {  	[spmem:s2] =	stream.indirect.scatter.add.f32 [tilespmem:s22], [sflag:$0x3], $0x80, s28, s20, $0xb8;
	[tilespmem:$0x1E800] =	vst v63  }
0xad: {  	_ =	swait.ge [sflag:s18], $0x4000  }
0xae: {  	[sflag:s18] =	ssyncset.done $0x0  }
0xaf: {  	s29 =	simm.s32 $0x180;
	s28 =	simm.s32 $0x400;
	[sflag:s18] =	ssyncadd.s32 $0xFFFFC000  }
.LBB2_3:
0xb0: {  	[tilespmem:s22], [sflag:$0x2] =	stream.indirect.gather [hbm4b:s4+s20], $0x80, s29, s20, $0xb8;
	[tilespmem:$0x1E800] =	vst v63  }
0xb1: {  	s29 =	smov.u32 s28  }
0xb2: {  	p1 =	sne.s32 s28, $0x4800;
	s28 =	sadd.s32 $0x400, s28;
	_ =	swait.ge [sflag:s23], $0x4000  }
0xb3: {  	s29 =	sshra.s32 s29, $0x2;
	[sflag:s23] =	ssyncset.done $0x0  }
0xb4: {  	s30 =	sadd.s32 $0x1400, s29;
	[sflag:s23] =	ssyncadd.s32 $0xFFFFC000  }
0xb5: {  	[spmem:s2] =	stream.indirect.scatter.add.f32 [tilespmem:s21], [sflag:$0x3], $0x80, s30, s20, $0xb8;
	[tilespmem:$0x1E800] =	vst v63  }
0xb6: {  	_ =	swait.ge [sflag:s18], $0x4000  }
0xb7: {  	[sflag:s18] =	ssyncset.done $0x0  }
0xb8: {  	s30 =	sadd.s32 $0x100, s29;
	[sflag:s18] =	ssyncadd.s32 $0xFFFFC000  }
0xb9: {  	[tilespmem:s21], [sflag:$0x1] =	stream.indirect.gather [hbm4b:s4+s20], $0x80, s30, s20, $0xb8;
	[tilespmem:$0x1E800] =	vst v63  }
0xba: {  	_ =	swait.ge [sflag:s24], $0x4000  }
0xbb: {  	[sflag:s24] =	ssyncset.done $0x0  }
.Ltmp6:
0xbc: {  	s30 =	sadd.s32 $0x1480, s29;
	[sflag:s24] =	ssyncadd.s32 $0xFFFFC000;
	(pc) =	sbr.rel @p1 .LBB2_3-.Ltmp6, $4  }
0xbd: {  	[spmem:s2] =	stream.indirect.scatter.add.f32 [tilespmem:s22], [sflag:$0x3], $0x80, s30, s20, $0xb8;
	[tilespmem:$0x1E800] =	vst v63  }
0xbe: {  	_ =	swait.ge [sflag:s18], $0x4000  }
0xbf: {  	[sflag:s18] =	ssyncset.done $0x0  }
0xc0: {  	s29 =	sadd.s32 $0x180, s29;
	[sflag:s18] =	ssyncadd.s32 $0xFFFFC000  }
0xc1: {  	[tilespmem:s22], [sflag:$0x2] =	stream.indirect.gather [hbm4b:s4+s20], $0x80, s29, s20, $0xb8;
	[tilespmem:$0x1E800] =	vst v63  }
0xc2: {  	_ =	swait.ge [sflag:s23], $0x4000  }
0xc3: {  	[sflag:s23] =	ssyncset.done $0x0  }
0xc4: {  	[sflag:s23] =	ssyncadd.s32 $0xFFFFC000  }
0xc5: {  	[spmem:s2] =	stream.indirect.scatter.add.f32 [tilespmem:s21], [sflag:$0x3], $0x80, s25, s20, $0xb8;
	[tilespmem:$0x1E800] =	vst v63  }
0xc6: {  	_ =	swait.ge [sflag:s18], $0x4000  }
0xc7: {  	[sflag:s18] =	ssyncset.done $0x0  }
0xc8: {  	[sflag:s18] =	ssyncadd.s32 $0xFFFFC000  }
0xc9: {  	_ =	swait.ge [sflag:s24], $0x4000  }
0xca: {  	[sflag:s24] =	ssyncset.done $0x0  }
0xcb: {  	[sflag:s24] =	ssyncadd.s32 $0xFFFFC000  }
0xcc: {  	[spmem:s2] =	stream.indirect.scatter.add.f32 [tilespmem:s22], [sflag:$0x3], $0x80, s26, s20, $0xb8;
	[tilespmem:$0x1E800] =	vst v63  }
0xcd: {  	_ =	swait.ge [sflag:s18], $0x4000  }
0xce: {  	[sflag:s18] =	ssyncset.done $0x0  }
0xcf: {  	s28 =	simm.s32 $0x0;
	[sflag:s18] =	ssyncadd.s32 $0xFFFFC000  }
0xd0: {  	[tilespmem:s28], [sflag:$0x3] =	stream.linear.gather [hbm4b:s9+s28], $0x1400, $0x38;
	[tilespmem:$0x1E800] =	vst v63  }
0xd1: {  	_ =	swait.ge [sflag:s18], $0x1400  }
0xd2: {  	[sflag:s18] =	ssyncset.done $0x0  }
0xd3: {  	[sflag:s18] =	ssyncadd.s32 $0xFFFFEC00  }
0xd4: {  	[tilespmem:s19], [sflag:$0x3] =	stream.linear.gather [hbm4b:s10+s28], $0x1400, $0x38;
	[tilespmem:$0x1E800] =	vst v63  }
0xd5: {  	_ =	swait.ge [sflag:s18], $0x1400  }
0xd6: {  	[sflag:s18] =	ssyncset.done $0x0  }
0xd7: {  	[sflag:s18] =	ssyncadd.s32 $0xFFFFEC00  }
0xd8: {  	[tilespmem:s21], [sflag:$0x1] =	stream.indirect.gather [hbm4b:s4+s20], $0x80, s28, s20, $0xb8;
	[tilespmem:$0x1E800] =	vst v63  }
0xd9: {  	_ = 	snop  }
0xda: {  	[tilespmem:s22], [sflag:$0x2] =	stream.indirect.gather [hbm4b:s4+s20], $0x80, s20, s20, $0xb8;
	[tilespmem:$0x1E800] =	vst v63  }
0xdb: {  	_ =	swait.ge [sflag:s23], $0x4000  }
0xdc: {  	[sflag:s23] =	ssyncset.done $0x0  }
0xdd: {  	s28 =	simm.s32 $0x1400;
	[sflag:s23] =	ssyncadd.s32 $0xFFFFC000  }
0xde: {  	[spmem:s2] =	stream.indirect.scatter.add.f32 [tilespmem:s21], [sflag:$0x3], $0x80, s28, s20, $0xb8;
	[tilespmem:$0x1E800] =	vst v63  }
0xdf: {  	_ =	swait.ge [sflag:s18], $0x4000  }
0xe0: {  	[sflag:s18] =	ssyncset.done $0x0  }
0xe1: {  	s28 =	simm.s32 $0x100;
	[sflag:s18] =	ssyncadd.s32 $0xFFFFC000  }
0xe2: {  	[tilespmem:s21], [sflag:$0x1] =	stream.indirect.gather [hbm4b:s4+s20], $0x80, s28, s20, $0xb8;
	[tilespmem:$0x1E800] =	vst v63  }
0xe3: {  	_ =	swait.ge [sflag:s24], $0x4000  }
0xe4: {  	[sflag:s24] =	ssyncset.done $0x0  }
0xe5: {  	s28 =	simm.s32 $0x1480;
	[sflag:s24] =	ssyncadd.s32 $0xFFFFC000  }
0xe6: {  	[spmem:s2] =	stream.indirect.scatter.add.f32 [tilespmem:s22], [sflag:$0x3], $0x80, s28, s20, $0xb8;
	[tilespmem:$0x1E800] =	vst v63  }
0xe7: {  	_ =	swait.ge [sflag:s18], $0x4000  }
0xe8: {  	[sflag:s18] =	ssyncset.done $0x0  }
0xe9: {  	s29 =	simm.s32 $0x180;
	s28 =	simm.s32 $0x400;
	[sflag:s18] =	ssyncadd.s32 $0xFFFFC000  }
.LBB2_5:
0xea: {  	[tilespmem:s22], [sflag:$0x2] =	stream.indirect.gather [hbm4b:s4+s20], $0x80, s29, s20, $0xb8;
	[tilespmem:$0x1E800] =	vst v63  }
0xeb: {  	s29 =	smov.u32 s28  }
0xec: {  	p1 =	seq.s32 s28, $0x4800;
	s28 =	sadd.s32 $0x400, s28;
	_ =	swait.ge [sflag:s23], $0x4000  }
0xed: {  	s29 =	sshra.s32 s29, $0x2;
	[sflag:s23] =	ssyncset.done $0x0  }
0xee: {  	s30 =	sadd.s32 $0x1400, s29;
	[sflag:s23] =	ssyncadd.s32 $0xFFFFC000  }
0xef: {  	[spmem:s2] =	stream.indirect.scatter.add.f32 [tilespmem:s21], [sflag:$0x3], $0x80, s30, s20, $0xb8;
	[tilespmem:$0x1E800] =	vst v63  }
0xf0: {  	_ =	swait.ge [sflag:s18], $0x4000  }
0xf1: {  	[sflag:s18] =	ssyncset.done $0x0  }
0xf2: {  	s30 =	sadd.s32 $0x100, s29;
	[sflag:s18] =	ssyncadd.s32 $0xFFFFC000  }
0xf3: {  	[tilespmem:s21], [sflag:$0x1] =	stream.indirect.gather [hbm4b:s4+s20], $0x80, s30, s20, $0xb8;
	[tilespmem:$0x1E800] =	vst v63  }
0xf4: {  	_ =	swait.ge [sflag:s24], $0x4000  }
0xf5: {  	[sflag:s24] =	ssyncset.done $0x0  }
.Ltmp7:
0xf6: {  	s30 =	sadd.s32 $0x1480, s29;
	[sflag:s24] =	ssyncadd.s32 $0xFFFFC000;
	(pc) =	sbr.rel @!p1 .LBB2_5-.Ltmp7, $4  }
0xf7: {  	[spmem:s2] =	stream.indirect.scatter.add.f32 [tilespmem:s22], [sflag:$0x3], $0x80, s30, s20, $0xb8;
	[tilespmem:$0x1E800] =	vst v63  }
0xf8: {  	_ =	swait.ge [sflag:s18], $0x4000  }
0xf9: {  	[sflag:s18] =	ssyncset.done $0x0  }
0xfa: {  	s29 =	sadd.s32 $0x180, s29;
	[sflag:s18] =	ssyncadd.s32 $0xFFFFC000  }
.Ltmp8:
0xfb: {  	(pc) =	sbr.rel .LBB2_12-.Ltmp8, $2  }
0xfc: {  	_ =	sdelay $0x2  }
0xfd: {  	[tilespmem:s22], [sflag:$0x2] =	stream.indirect.gather [hbm4b:s4+s20], $0x80, s29, s20, $0xb8;
	[tilespmem:$0x1E800] =	vst v63  }
.LBB2_13:
0xfe: {  	_ =	sfence.sel $0x180000  }
0xff: {  	[bflag:$0x0] =	sbarrier.arrive $0xFFFF  }
0x100: {  	p0 =	sne.s32 s1, $0x0;
	_ =	strace $0x9000004A  }
0x101: {  	s0 =	sadd.s32 @!p0 $0x100000, s0;
	[bflag:$0x2] =	sbarrier.arrive $0xFFFF  }
0x102: {  	[sflag:s0] =	ssyncadd.tile.s32 @!p0 $0x1;
	_ =	shalt  }
.Lfunc_end2:
_tile_overlayer_lowered:
.L_overlay_start_2:
0x103: {  	(tag) =	ssettag $0x2  }
0x104: {  	s0 =	rddreg [dreg:$0x0];
	s2 =	stileid.u32  }
0x105: {  	s1 =	rddreg [dreg:$0x1];
	p0 =	sne.s32 s2, $0x0  }
0x106: {  	s3 =	rddreg [dreg:$0x2];
	[bflag:$0x3] =	sbarrier.arrive $0xFFFF;
	s2 =	simm.s32 @!p0 $0x1C03  }
0x107: {  	[timem:s3], [sflag:s2] =	dma.local @!p0 [hbm:s0], s1  }
0x108: {  	s0 =	simm.s32 @!p0 $0x3  }
0x109: {  	_ =	swait.ge @!p0 [sflag:s0], s1  }
0x10a: {  	s1 =	ssub.s32 @!p0 $0x0, s1;
	[sflag:s0] =	ssyncset.done @!p0 $0x0  }
0x10b: {  	[sflag:s0] =	ssyncadd.s32 @!p0 s1  }
0x10c: {  	[bflag:$0x3] =	sbarrier.arrive $0xFFFF  }
0x10d: {  	_ =	shalt  }

// kernel: kernel.14.cloned.1.call-start
scs
__scs_entry_jumppad:
0x0: {  	(pc) =	sbr.rel $0x88, $3  }
0x1: {  	(tag) =	ssettag $0x0;
	lr =	simm.s32 $0x1  }
0x2: {  	[smem:$0x3F9B] =	sst lr;
	_ =	strace $0xD0000000  }
0x3: {  	_ = 	snop  }
0x4: {  	_ = 	snop  }
0x5: {  	_ = 	snop  }
0x6: {  	_ = 	snop  }
0x7: {  	_ = 	snop  }
__scs_overlays_trampoline_lowered:
0x8: {  	[smem:$0x3FAA] =	sst s0  }
0x9: {  	[smem:$0x3FAB] =	sst s1  }
0xa: {  	[smem:$0x3FAC] =	sst s2  }
0xb: {  	[smem:$0x3FAD] =	sst s3  }
0xc: {  	[smem:$0x3FAE] =	sst s4  }
0xd: {  	[smem:$0x3FAF] =	sst s5  }
0xe: {  	[smem:$0x3FB0] =	sst s6  }
0xf: {  	[smem:$0x3FB1] =	sst s7  }
0x10: {  	[smem:$0x3FB2] =	sst s8  }
0x11: {  	[smem:$0x3FB3] =	sst s9;
	s0 =	simm.s32 @!p0 $0x0  }
0x12: {  	s1 =	sld [smem:$0x3F99];
	s0 =	simm.s32 @p0 $0x1  }
0x13: {  	[smem:$0x3FB4] =	sst s0;
	s0 =	simm.s32 @!p1 $0x0  }
0x14: {  	s2 =	sld [smem:$0x3F98];
	s0 =	simm.s32 @p1 $0x1  }
0x15: {  	[smem:$0x3FB5] =	sst s0;
	s0 =	simm.s32 @!p2 $0x0  }
0x16: {  	s3 =	sld [smem:$0x3FDB];
	s0 =	simm.s32 @p2 $0x1  }
0x17: {  	s4 =	simm.s32 $0x1BF5;
	[smem:$0x3FB7] =	sst s0  }
0x18: {  	s0 =	sld [smem:$0x3F9A];
	_ =	swait.ge [sflag:s4], $0x0  }
0x19: {  	s7 =	sld [smem:$0x3F9B]  }
0x1a: {  	s8 =	sadd.s32 $0xFFFFE003, lr  }
0x1b: {  	s9 =	sadd.s32 $0xFFFFFEF7, lr;
	s5 =	simm.s32 $0xFFFFFFFF;
	p2 =	slt.u32 s8, $0xFFFFF086  }
0x1c: {  	p1 =	slt.u32 s9, $0xF7A;
	s5 =	simm.s32 @!p2 $0x0  }
0x1d: {  	s5 =	simm.s32 @p1 $0x1;
	p0 =	seq.s32 s7, s2  }
0x1e: {  	s7 =	smul.u32 @!p0 $0xF7A, s2;
	p2 =	seq.s32 @!p0 s5, $0x0  }
0x1f: {  	s9 =	smul.u32 $0xF7A, s1;
	s8 =	simm.s32 @!p0 $0x1BF5;
	p2 =	por !p2, p0  }
0x20: {  	[sflag:s8] =	ssyncset.s32 @!p0 $0xFFFFF086;
	s6 =	sadd.s32 @!p0 s3, s7;
	s7 =	simm.s32 @!p0 $0x108  }
0x21: {  	s3 =	sadd.s32 s3, s9;
	s6 =	sadd.s32 @!p0 $0x88, s6;
	s7 =	simm.s32 @p2 $0x1082  }
0x22: {  	[simem:s7], [sflag:s8] =	dma.local @!p0 [hbm:s6], $0xF7A  }
0x23: {  	s9 =	sor.u32 $0xD0000000, s2;
	s6 =	simm.s32 $0x108;
	_ =	swait.ge @!p0 [sflag:s8], $0x0  }
0x24: {  	s3 =	sadd.s32 $0x88, s3;
	s6 =	simm.s32 @!p1 $0x1082;
	[sflag:s4] =	ssyncset.s32 $0xFFFFF086  }
0x25: {  	[simem:s6], [sflag:s4] =	dma.local [hbm:s3], $0xF7A  }
0x26: {  	[smem:$0x3F9B] =	sst s1;
	(tag) =	ssettag s2;
	_ =	strace s9  }
0x27: {  	s1 =	sld [smem:$0x3FAB]  }
0x28: {  	s2 =	sld [smem:$0x3FAC]  }
0x29: {  	s4 =	sld [smem:$0x3FAE]  }
0x2a: {  	p0 =	seq.s32 s5, $0x0;
	s5 =	sld [smem:$0x3FAF]  }
0x2b: {  	s6 =	sld [smem:$0x3FB0]  }
0x2c: {  	s7 =	sld [smem:$0x3FB1]  }
0x2d: {  	s3 =	simm.s32 $0x108;
	s8 =	sld [smem:$0x3FB2]  }
0x2e: {  	s3 =	simm.s32 @!p0 $0x1082;
	s9 =	sld [smem:$0x3FB3]  }
0x2f: {  	lr =	sadd.s32 s0, s3;
	s0 =	sld [smem:$0x3FAA]  }
0x30: {  	s3 =	sld [smem:$0x3FAD]  }
0x31: {  	[smem:$0x3FB6] =	sst s10  }
0x32: {  	s10 =	sld [smem:$0x3FB4];
	_ =	sdelay $0x3  }
0x33: {  	p0 =	seq.s32 s10, $0x1;
	s10 =	sld [smem:$0x3FB6];
	_ =	sdelay $0x3  }
0x34: {  	[smem:$0x3FB6] =	sst s10  }
0x35: {  	s10 =	sld [smem:$0x3FB5];
	_ =	sdelay $0x3  }
0x36: {  	p1 =	seq.s32 s10, $0x1;
	s10 =	sld [smem:$0x3FB6];
	_ =	sdelay $0x3  }
0x37: {  	[smem:$0x3FB6] =	sst s10  }
0x38: {  	s10 =	sld [smem:$0x3FB7]  }
0x39: {  	_ = 	snop;
	(pc) =	sbr.ind lr, $3  }
0x3a: {  	_ = 	snop  }
0x3b: {  	_ = 	snop  }
0x3c: {  	p2 =	seq.s32 s10, $0x1;
	s10 =	sld [smem:$0x3FB6]  }
0x3d: {  	_ =	shalt  }
0x3e: {  	_ =	shalt  }
0x3f: {  	_ =	shalt  }
0x40: {  	_ =	shalt  }
0x41: {  	_ =	shalt  }
0x42: {  	_ =	shalt  }
0x43: {  	_ =	shalt  }
0x44: {  	_ =	shalt  }
0x45: {  	_ =	shalt  }
0x46: {  	_ =	shalt  }
0x47: {  	_ =	shalt  }
0x48: {  	_ =	shalt  }
0x49: {  	_ =	shalt  }
0x4a: {  	_ =	shalt  }
0x4b: {  	_ =	shalt  }
0x4c: {  	_ =	shalt  }
0x4d: {  	_ =	shalt  }
0x4e: {  	_ =	shalt  }
0x4f: {  	_ =	shalt  }
0x50: {  	_ =	shalt  }
0x51: {  	_ =	shalt  }
0x52: {  	_ =	shalt  }
0x53: {  	_ =	shalt  }
0x54: {  	_ =	shalt  }
0x55: {  	_ =	shalt  }
0x56: {  	_ =	shalt  }
0x57: {  	_ =	shalt  }
0x58: {  	_ =	shalt  }
0x59: {  	_ =	shalt  }
0x5a: {  	_ =	shalt  }
0x5b: {  	_ =	shalt  }
0x5c: {  	_ =	shalt  }
0x5d: {  	_ =	shalt  }
0x5e: {  	_ =	shalt  }
0x5f: {  	_ =	shalt  }
0x60: {  	_ =	shalt  }
0x61: {  	_ =	shalt  }
0x62: {  	_ =	shalt  }
0x63: {  	_ =	shalt  }
0x64: {  	_ =	shalt  }
0x65: {  	_ =	shalt  }
0x66: {  	_ =	shalt  }
0x67: {  	_ =	shalt  }
0x68: {  	_ =	shalt  }
0x69: {  	_ =	shalt  }
0x6a: {  	_ =	shalt  }
0x6b: {  	_ =	shalt  }
0x6c: {  	_ =	shalt  }
0x6d: {  	_ =	shalt  }
0x6e: {  	_ =	shalt  }
0x6f: {  	_ =	shalt  }
0x70: {  	_ =	shalt  }
0x71: {  	_ =	shalt  }
0x72: {  	_ =	shalt  }
0x73: {  	_ =	shalt  }
0x74: {  	_ =	shalt  }
0x75: {  	_ =	shalt  }
0x76: {  	_ =	shalt  }
0x77: {  	_ =	shalt  }
0x78: {  	_ =	shalt  }
0x79: {  	_ =	shalt  }
0x7a: {  	_ =	shalt  }
0x7b: {  	_ =	shalt  }
0x7c: {  	_ =	shalt  }
0x7d: {  	_ =	shalt  }
0x7e: {  	_ =	shalt  }
0x7f: {  	_ =	shalt  }
0x80: {  	_ =	shalt  }
0x81: {  	_ =	shalt  }
0x82: {  	_ =	shalt  }
0x83: {  	_ =	shalt  }
0x84: {  	_ =	shalt  }
0x85: {  	_ =	shalt  }
0x86: {  	_ =	shalt  }
0x87: {  	_ =	shalt  }
.Lfunc_end0:
.L_simem_size_0:
called_computation.2_lowered:
.L_overlay_start_0:
0x88: {  	s2 =	sld [smem:$0x3FD9]  }
0x89: {  	s3 =	sld [smem:$0x3FFE];
	_ =	sdelay $0x1  }
0x8a: {  	s1 =	srdreg.scid  }
0x8b: {  	s0 =	sand.u32 $0x1, s1  }
0x8c: {  	s17 =	sshll.u32 s0, $0xA;
	s2 =	sadd.s32 s3, s2  }
0x8d: {  	s2 =	sadd.s32 s2, s17  }
0x8e: {  	[smem:$0x3FC2] =	sst s2  }
0x8f: {  	_ = 	snop  }
0x90: {  	s2 =	sld [smem:$0x3FD0];
	(tm) =	ssettm $0x1  }
0x91: {  	s18 =	sld [smem:$0x3FFB];
	_ =	sdelay $0x3  }
0x92: {  	_ =	strace s18  }
0x93: {  	s3 =	sld [smem:$0x3FFC];
	_ =	sdelay $0x3  }
0x94: {  	_ =	strace s3  }
0x95: {  	s3 =	sld [smem:$0x3FFD];
	_ =	sdelay $0x3  }
0x96: {  	_ =	strace s3  }
0x97: {  	_ =	strace $0x8FFFFFFF  }
0x98: {  	s19 =	sld [smem:$0x3FDB];
	_ =	sdelay $0x1  }
0x99: {  	s4 =	simm.s32 $_scs_section_size  }
0x9a: {  	s5 =	simm.s32 $_size__tile_overlayer_lowered;
	s6 =	simm.s32 $_tile_overlayer_lowered  }
0x9b: {  	s22 =	simm.s32 $0x1BFF;
	s21 =	sshll.u32 s6, $0x1;
	s3 =	sadd.s32 s4, s19  }
0x9c: {  	s7 =	simm.s32 $0x0;
	s20 =	sshll.u32 s5, $0x1;
	s5 =	sadd.s32 s21, s3  }
0x9d: {  	[timem:s7], [sflag:s22] =	dma.local [hbm:s5], s20  }
0x9e: {  	_ =	swait.ge [sflag:s22], s20  }
0x9f: {  	s4 =	ssub.s32 $0x0, s20;
	[sflag:s22] =	ssyncset.done $0x0  }
0xa0: {  	[sflag:s22] =	ssyncadd.s32 s4;
	_ =	sdelay $0x1  }
0xa1: {  	s23 =	simm.s32 $0x1B8B  }
0xa2: {  	_ =	swait.ge [sflag:s23], $0x1  }
0xa3: {  	[sflag:s23] =	ssyncset.done $0x0  }
0xa4: {  	s25 =	simm.s32 $0x1B8E;
	s24 =	sld [smem:$0x3FFE];
	[sflag:s23] =	ssyncadd.s32 $0xFFFFFFFF  }
0xa5: {  	s26 =	simm.s32 $execute0_lowered;
	[smem:$0x3FD2] =	sst s25  }
0xa6: {  	s5 =	sshll.u32 s26, $0x1;
	_ =	strace $0x8000004C;
	[dreg:$0x1] =	wrdreg $0xFFFFFFFF  }
0xa7: {  	s28 =	simm.s32 $_size_execute0_lowered;
	s3 =	sadd.s32 s3, s5;
	[dreg:$0x0] =	wrdreg $0x0  }
0xa8: {  	s5 =	sshll.u32 s28, $0x1;
	[dreg:$0x2] =	wrdreg s3  }
0xa9: {  	[dreg:$0x3] =	wrdreg s5  }
0xaa: {  	[dreg:$0x4] =	wrdreg $0xC0  }
0xab: {  	_ =	task [dreg:s7], $0x5FFFF  }
0xac: {  	[dreg:$0x1] =	wrdreg $0xFFFFFFFF  }
0xad: {  	[dreg:$0x0] =	wrdreg $0x60  }
0xae: {  	[dreg:$0x2] =	wrdreg s24  }
0xaf: {  	[dreg:$0x3] =	wrdreg s2  }
0xb0: {  	[dreg:$0x4] =	wrdreg $0xA8000  }
0xb1: {  	[dreg:$0x5] =	wrdreg $0x9  }
0xb2: {  	_ =	task.clear_ibuf [dreg:s7], $0x6FFFF;
	_ =	strace $0x9000004C  }
0xb3: {  	s29 =	simm.s32 $0x9;
	_ =	strace $0x8000004E  }
0xb4: {  	_ =	swait.ge [sflag:s29], $0x1  }
0xb5: {  	[sflag:s29] =	ssyncadd.s32 $0xFFFFFFFF  }
0xb6: {  	_ =	strace $0x9000004E  }
0xb7: {  	_ =	sfence  }
0xb8: {  	s30 =	sld [smem:$0x0];
	_ =	sdelay $0x2  }
0xb9: {  	s31 =	sshll.u32 s1, $0xD;
	s1 =	sshrl.u32 s1, $0x2  }
0xba: {  	s3 =	sand.u32 $0x4000, s31;
	s1 =	sadd.s32 s1, s30  }
0xbb: {  	s0 =	sor.u32 s3, s0;
	s1 =	sshll.u32 s1, $0x11  }
0xbc: {  	s0 =	sor.u32 s1, s0  }
0xbd: {  	s0 =	sadd.s32 $0x8F2B, s0  }
0xbe: {  	[sflag:s0] =	ssyncadd.remote.s32 $0x1  }
0xbf: {  	_ =	sfence.sel $0xFFFF  }
0xc0: {  	[dreg:$0x0] =	wrdreg $0xFFFFFFFF;
	(pc) =	sbr.abs _section_cstart, $3  }
0xc1: {  	[dreg:$0x1] =	wrdreg $0xFFFFFFFF  }
0xc2: {  	_ =	task.clear_ibuf [dreg:s7], $0x2FFFF;
	_ =	strace $0x9FFFFFFF  }
0xc3: {  	(tm) =	ssettm $0x7FFFFFFF  }
tec
execute0_lowered:
.L_overlay_start_1:
0x0: {  	(tag) =	ssettag $0x1  }
0x1: {  	s5 =	rddreg [dreg:$0x0]  }
0x2: {  	s13 =	rddreg [dreg:$0x1]  }
0x3: {  	s2 =	rddreg [dreg:$0x2]  }
0x4: {  	s0 =	rddreg [dreg:$0x3];
	s3 =	simm.s32 $0x0  }
0x5: {  	s1 =	stileid.u32;
	s4 =	srdreg.scid;
	s20 =	simm.s32 $0x80  }
0x6: {  	s21 =	simm.s32 $0x2800;
	s22 =	simm.s32 $0x6800;
	s23 =	simm.s32 $0x1  }
0x7: {  	s24 =	simm.s32 $0x2;
	s25 =	simm.s32 $0x2700;
	s7 =	smul.u32 $0x2800, s1  }
0x8: {  	[smem:$0x7FF] =	sst s3;
	s8 =	sand.u32 $0x1, s4;
	s10 =	smul.u32 $0x50000, s1  }
0x9: {  	s4 =	sadd.s32 $0xC800, s5;
	s14 =	sadd.s32 $0x2800, s5;
	s29 =	smul.u32 $0x500, s1  }
0xa: {  	s28 =	sshll.u32 s1, $0x6;
	_ =	strace $0x8000004D;
	s6 =	smul.u32 $0x28000, s8  }
0xb: {  	s9 =	ssub.s32 $0x2, s8;
	p0 =	seq.s32 s8, $0x1;
	s11 =	sadd.s32 s7, s5  }
0xc: {  	s12 =	sshrl.u32 s9, $0x1;
	s26 =	sshrl.u32 s10, $0x2;
	s30 =	sshrl.u32 s7, $0x3  }
0xd: {  	s8 =	sadd.s32 s14, s29;
	s6 =	sadd.s32 s7, s6;
	s16 =	ssub.s32 s9, s12  }
0xe: {  	s17 =	sadd.s32 s26, s2;
	s7 =	sadd.s32 s13, s29;
	s31 =	sadd.s32 $0x280, s30  }
0xf: {  	s18 =	sadd.s32 $0x5000, s30;
	s19 =	sadd.s32 $0x5280, s30;
	s26 =	simm.s32 $0x2780  }
.Ltmp0:
0x10: {  	s15 =	sadd.s32 s6, s5;
	s5 =	sadd.s32 $0x5D200, s11;
	(pc) =	sbr.rel .LBB2_1-.Ltmp0, $4  }
0x11: {  	s6 =	sor.u32 $0x1C03, s28;
	s9 =	sadd.s32 s13, s31;
	s10 =	sadd.s32 s14, s31  }
0x12: {  	s11 =	sadd.s32 s13, s18;
	s12 =	sadd.s32 s14, s18;
	s13 =	sadd.s32 s13, s19  }
0x13: {  	s14 =	sadd.s32 s14, s19;
	s16 =	smax.u32 s16, $0x1;
	s17 =	sshrl.u32 s17, $0x3  }
0x14: {  	s18 =	simm.s32 $0x3;
	s19 =	simm.s32 $0x1400;
	s15 =	sadd.s32 $0x85200, s15  }
.LBB2_11:
0x15: {  	[tilespmem:s22], [sflag:$0x2] =	stream.indirect.gather [hbm4b:s4+s20], $0x80, s29, s20, $0xb8;
	[tilespmem:$0x1E800] =	vst v63  }
.LBB2_12:
0x16: {  	_ =	swait.ge [sflag:s23], $0x4000  }
0x17: {  	[sflag:s23] =	ssyncset.done $0x0  }
0x18: {  	[sflag:s23] =	ssyncadd.s32 $0xFFFFC000  }
0x19: {  	[spmem:s2] =	stream.indirect.scatter.add.f32 [tilespmem:s21], [sflag:$0x3], $0x80, s25, s20, $0xb8;
	[tilespmem:$0x1E800] =	vst v63  }
0x1a: {  	_ =	swait.ge [sflag:s18], $0x4000  }
0x1b: {  	[sflag:s18] =	ssyncset.done $0x0  }
0x1c: {  	[sflag:s18] =	ssyncadd.s32 $0xFFFFC000  }
0x1d: {  	_ =	swait.ge [sflag:s24], $0x4000  }
0x1e: {  	[sflag:s24] =	ssyncset.done $0x0  }
0x1f: {  	[sflag:s24] =	ssyncadd.s32 $0xFFFFC000  }
0x20: {  	[spmem:s2] =	stream.indirect.scatter.add.f32 [tilespmem:s22], [sflag:$0x3], $0x80, s26, s20, $0xb8;
	[tilespmem:$0x1E800] =	vst v63  }
0x21: {  	_ =	swait.ge [sflag:s18], $0x4000  }
0x22: {  	s3 =	sadd.s32 $0x1, s3;
	[sflag:s18] =	ssyncset.done $0x0  }
0x23: {  	p1 =	sne.s32 s3, s16;
	[sflag:s18] =	ssyncadd.s32 $0xFFFFC000  }
.Ltmp1:
0x24: {  	[bflag:$0x0] =	sbarrier.arrive $0xFFFF;
	(pc) =	sbr.rel @!p1 .LBB2_13-.Ltmp1, $4  }
0x25: {  	[hbm:s15], [sflag:s6] =	dma.local [spmem:s17], $0x2800  }
0x26: {  	_ =	swait.ge [sflag:s18], $0x2800  }
0x27: {  	[sflag:s18] =	ssyncset.done $0x0  }
0x28: {  	[sflag:s18] =	ssyncadd.s32 $0xFFFFD800  }
.LBB2_1:
0x29: {  	[spmem:s17], [sflag:s6] =	dma.local [hbm:s5], $0x2800  }
.Ltmp2:
0x2a: {  	_ =	swait.ge [sflag:s18], $0x2800;
	(pc) =	sbr.rel @!p0 .LBB2_2-.Ltmp2, $4  }
0x2b: {  	[sflag:s18] =	ssyncset.done $0x0  }
0x2c: {  	[sflag:s18] =	ssyncadd.s32 $0xFFFFD800  }
0x2d: {  	[bflag:$0x0] =	sbarrier.arrive $0xFFFF  }
0x2e: {  	s28 =	simm.s32 $0x0  }
0x2f: {  	[tilespmem:s28], [sflag:$0x3] =	stream.linear.gather [hbm4b:s11+s28], $0x1400, $0x38;
	[tilespmem:$0x1E800] =	vst v63  }
0x30: {  	_ =	swait.ge [sflag:s18], $0x1400  }
0x31: {  	[sflag:s18] =	ssyncset.done $0x0  }
0x32: {  	[sflag:s18] =	ssyncadd.s32 $0xFFFFEC00  }
0x33: {  	[tilespmem:s19], [sflag:$0x3] =	stream.linear.gather [hbm4b:s12+s28], $0x1400, $0x38;
	[tilespmem:$0x1E800] =	vst v63  }
0x34: {  	_ =	swait.ge [sflag:s18], $0x1400  }
0x35: {  	[sflag:s18] =	ssyncset.done $0x0  }
0x36: {  	[sflag:s18] =	ssyncadd.s32 $0xFFFFEC00  }
0x37: {  	[tilespmem:s21], [sflag:$0x1] =	stream.indirect.gather [hbm4b:s4+s20], $0x80, s28, s20, $0xb8;
	[tilespmem:$0x1E800] =	vst v63  }
0x38: {  	_ = 	snop  }
0x39: {  	[tilespmem:s22], [sflag:$0x2] =	stream.indirect.gather [hbm4b:s4+s20], $0x80, s20, s20, $0xb8;
	[tilespmem:$0x1E800] =	vst v63  }
0x3a: {  	_ =	swait.ge [sflag:s23], $0x4000  }
0x3b: {  	[sflag:s23] =	ssyncset.done $0x0  }
0x3c: {  	s28 =	simm.s32 $0x1400;
	[sflag:s23] =	ssyncadd.s32 $0xFFFFC000  }
0x3d: {  	[spmem:s2] =	stream.indirect.scatter.add.f32 [tilespmem:s21], [sflag:$0x3], $0x80, s28, s20, $0xb8;
	[tilespmem:$0x1E800] =	vst v63  }
0x3e: {  	_ =	swait.ge [sflag:s18], $0x4000  }
0x3f: {  	[sflag:s18] =	ssyncset.done $0x0  }
0x40: {  	s28 =	simm.s32 $0x100;
	[sflag:s18] =	ssyncadd.s32 $0xFFFFC000  }
0x41: {  	[tilespmem:s21], [sflag:$0x1] =	stream.indirect.gather [hbm4b:s4+s20], $0x80, s28, s20, $0xb8;
	[tilespmem:$0x1E800] =	vst v63  }
0x42: {  	_ =	swait.ge [sflag:s24], $0x4000  }
0x43: {  	[sflag:s24] =	ssyncset.done $0x0  }
0x44: {  	s28 =	simm.s32 $0x1480;
	[sflag:s24] =	ssyncadd.s32 $0xFFFFC000  }
0x45: {  	[spmem:s2] =	stream.indirect.scatter.add.f32 [tilespmem:s22], [sflag:$0x3], $0x80, s28, s20, $0xb8;
	[tilespmem:$0x1E800] =	vst v63  }
0x46: {  	_ =	swait.ge [sflag:s18], $0x4000  }
0x47: {  	[sflag:s18] =	ssyncset.done $0x0  }
0x48: {  	s29 =	simm.s32 $0x180;
	s28 =	simm.s32 $0x400;
	[sflag:s18] =	ssyncadd.s32 $0xFFFFC000  }
.LBB2_8:
0x49: {  	[tilespmem:s22], [sflag:$0x2] =	stream.indirect.gather [hbm4b:s4+s20], $0x80, s29, s20, $0xb8;
	[tilespmem:$0x1E800] =	vst v63  }
0x4a: {  	s29 =	smov.u32 s28  }
0x4b: {  	p1 =	sne.s32 s28, $0x4800;
	s28 =	sadd.s32 $0x400, s28;
	_ =	swait.ge [sflag:s23], $0x4000  }
0x4c: {  	s29 =	sshra.s32 s29, $0x2;
	[sflag:s23] =	ssyncset.done $0x0  }
0x4d: {  	s30 =	sadd.s32 $0x1400, s29;
	[sflag:s23] =	ssyncadd.s32 $0xFFFFC000  }
0x4e: {  	[spmem:s2] =	stream.indirect.scatter.add.f32 [tilespmem:s21], [sflag:$0x3], $0x80, s30, s20, $0xb8;
	[tilespmem:$0x1E800] =	vst v63  }
0x4f: {  	_ =	swait.ge [sflag:s18], $0x4000  }
0x50: {  	[sflag:s18] =	ssyncset.done $0x0  }
0x51: {  	s30 =	sadd.s32 $0x100, s29;
	[sflag:s18] =	ssyncadd.s32 $0xFFFFC000  }
0x52: {  	[tilespmem:s21], [sflag:$0x1] =	stream.indirect.gather [hbm4b:s4+s20], $0x80, s30, s20, $0xb8;
	[tilespmem:$0x1E800] =	vst v63  }
0x53: {  	_ =	swait.ge [sflag:s24], $0x4000  }
0x54: {  	[sflag:s24] =	ssyncset.done $0x0  }
.Ltmp3:
0x55: {  	s30 =	sadd.s32 $0x1480, s29;
	[sflag:s24] =	ssyncadd.s32 $0xFFFFC000;
	(pc) =	sbr.rel @p1 .LBB2_8-.Ltmp3, $4  }
0x56: {  	[spmem:s2] =	stream.indirect.scatter.add.f32 [tilespmem:s22], [sflag:$0x3], $0x80, s30, s20, $0xb8;
	[tilespmem:$0x1E800] =	vst v63  }
0x57: {  	_ =	swait.ge [sflag:s18], $0x4000  }
0x58: {  	[sflag:s18] =	ssyncset.done $0x0  }
0x59: {  	s29 =	sadd.s32 $0x180, s29;
	[sflag:s18] =	ssyncadd.s32 $0xFFFFC000  }
0x5a: {  	[tilespmem:s22], [sflag:$0x2] =	stream.indirect.gather [hbm4b:s4+s20], $0x80, s29, s20, $0xb8;
	[tilespmem:$0x1E800] =	vst v63  }
0x5b: {  	_ =	swait.ge [sflag:s23], $0x4000  }
0x5c: {  	[sflag:s23] =	ssyncset.done $0x0  }
0x5d: {  	[sflag:s23] =	ssyncadd.s32 $0xFFFFC000  }
0x5e: {  	[spmem:s2] =	stream.indirect.scatter.add.f32 [tilespmem:s21], [sflag:$0x3], $0x80, s25, s20, $0xb8;
	[tilespmem:$0x1E800] =	vst v63  }
0x5f: {  	_ =	swait.ge [sflag:s18], $0x4000  }
0x60: {  	[sflag:s18] =	ssyncset.done $0x0  }
0x61: {  	[sflag:s18] =	ssyncadd.s32 $0xFFFFC000  }
0x62: {  	_ =	swait.ge [sflag:s24], $0x4000  }
0x63: {  	[sflag:s24] =	ssyncset.done $0x0  }
0x64: {  	[sflag:s24] =	ssyncadd.s32 $0xFFFFC000  }
0x65: {  	[spmem:s2] =	stream.indirect.scatter.add.f32 [tilespmem:s22], [sflag:$0x3], $0x80, s26, s20, $0xb8;
	[tilespmem:$0x1E800] =	vst v63  }
0x66: {  	_ =	swait.ge [sflag:s18], $0x4000  }
0x67: {  	[sflag:s18] =	ssyncset.done $0x0  }
0x68: {  	s28 =	simm.s32 $0x0;
	[sflag:s18] =	ssyncadd.s32 $0xFFFFC000  }
0x69: {  	[tilespmem:s28], [sflag:$0x3] =	stream.linear.gather [hbm4b:s13+s28], $0x1400, $0x38;
	[tilespmem:$0x1E800] =	vst v63  }
0x6a: {  	_ =	swait.ge [sflag:s18], $0x1400  }
0x6b: {  	[sflag:s18] =	ssyncset.done $0x0  }
0x6c: {  	[sflag:s18] =	ssyncadd.s32 $0xFFFFEC00  }
0x6d: {  	[tilespmem:s19], [sflag:$0x3] =	stream.linear.gather [hbm4b:s14+s28], $0x1400, $0x38;
	[tilespmem:$0x1E800] =	vst v63  }
0x6e: {  	_ =	swait.ge [sflag:s18], $0x1400  }
0x6f: {  	[sflag:s18] =	ssyncset.done $0x0  }
0x70: {  	[sflag:s18] =	ssyncadd.s32 $0xFFFFEC00  }
0x71: {  	[tilespmem:s21], [sflag:$0x1] =	stream.indirect.gather [hbm4b:s4+s20], $0x80, s28, s20, $0xb8;
	[tilespmem:$0x1E800] =	vst v63  }
0x72: {  	_ = 	snop  }
0x73: {  	[tilespmem:s22], [sflag:$0x2] =	stream.indirect.gather [hbm4b:s4+s20], $0x80, s20, s20, $0xb8;
	[tilespmem:$0x1E800] =	vst v63  }
0x74: {  	_ =	swait.ge [sflag:s23], $0x4000  }
0x75: {  	[sflag:s23] =	ssyncset.done $0x0  }
0x76: {  	s28 =	simm.s32 $0x1400;
	[sflag:s23] =	ssyncadd.s32 $0xFFFFC000  }
0x77: {  	[spmem:s2] =	stream.indirect.scatter.add.f32 [tilespmem:s21], [sflag:$0x3], $0x80, s28, s20, $0xb8;
	[tilespmem:$0x1E800] =	vst v63  }
0x78: {  	_ =	swait.ge [sflag:s18], $0x4000  }
0x79: {  	[sflag:s18] =	ssyncset.done $0x0  }
0x7a: {  	s28 =	simm.s32 $0x100;
	[sflag:s18] =	ssyncadd.s32 $0xFFFFC000  }
0x7b: {  	[tilespmem:s21], [sflag:$0x1] =	stream.indirect.gather [hbm4b:s4+s20], $0x80, s28, s20, $0xb8;
	[tilespmem:$0x1E800] =	vst v63  }
0x7c: {  	_ =	swait.ge [sflag:s24], $0x4000  }
0x7d: {  	[sflag:s24] =	ssyncset.done $0x0  }
0x7e: {  	s28 =	simm.s32 $0x1480;
	[sflag:s24] =	ssyncadd.s32 $0xFFFFC000  }
0x7f: {  	[spmem:s2] =	stream.indirect.scatter.add.f32 [tilespmem:s22], [sflag:$0x3], $0x80, s28, s20, $0xb8;
	[tilespmem:$0x1E800] =	vst v63  }
0x80: {  	_ =	swait.ge [sflag:s18], $0x4000  }
0x81: {  	[sflag:s18] =	ssyncset.done $0x0  }
0x82: {  	s29 =	simm.s32 $0x180;
	s28 =	simm.s32 $0x400;
	[sflag:s18] =	ssyncadd.s32 $0xFFFFC000  }
.LBB2_10:
0x83: {  	[tilespmem:s22], [sflag:$0x2] =	stream.indirect.gather [hbm4b:s4+s20], $0x80, s29, s20, $0xb8;
	[tilespmem:$0x1E800] =	vst v63  }
0x84: {  	s29 =	smov.u32 s28  }
0x85: {  	p1 =	sne.s32 s28, $0x4800;
	s28 =	sadd.s32 $0x400, s28;
	_ =	swait.ge [sflag:s23], $0x4000  }
0x86: {  	s29 =	sshra.s32 s29, $0x2;
	[sflag:s23] =	ssyncset.done $0x0  }
0x87: {  	s30 =	sadd.s32 $0x1400, s29;
	[sflag:s23] =	ssyncadd.s32 $0xFFFFC000  }
0x88: {  	[spmem:s2] =	stream.indirect.scatter.add.f32 [tilespmem:s21], [sflag:$0x3], $0x80, s30, s20, $0xb8;
	[tilespmem:$0x1E800] =	vst v63  }
0x89: {  	_ =	swait.ge [sflag:s18], $0x4000  }
0x8a: {  	[sflag:s18] =	ssyncset.done $0x0  }
0x8b: {  	s30 =	sadd.s32 $0x100, s29;
	[sflag:s18] =	ssyncadd.s32 $0xFFFFC000  }
0x8c: {  	[tilespmem:s21], [sflag:$0x1] =	stream.indirect.gather [hbm4b:s4+s20], $0x80, s30, s20, $0xb8;
	[tilespmem:$0x1E800] =	vst v63  }
0x8d: {  	_ =	swait.ge [sflag:s24], $0x4000  }
0x8e: {  	[sflag:s24] =	ssyncset.done $0x0  }
.Ltmp4:
0x8f: {  	s30 =	sadd.s32 $0x1480, s29;
	[sflag:s24] =	ssyncadd.s32 $0xFFFFC000;
	(pc) =	sbr.rel @p1 .LBB2_10-.Ltmp4, $4  }
0x90: {  	[spmem:s2] =	stream.indirect.scatter.add.f32 [tilespmem:s22], [sflag:$0x3], $0x80, s30, s20, $0xb8;
	[tilespmem:$0x1E800] =	vst v63  }
0x91: {  	_ =	swait.ge [sflag:s18], $0x4000  }
0x92: {  	[sflag:s18] =	ssyncset.done $0x0  }
0x93: {  	s29 =	sadd.s32 $0x180, s29;
	[sflag:s18] =	ssyncadd.s32 $0xFFFFC000  }
.Ltmp5:
0x94: {  	_ = 	snop;
	(pc) =	sbr.rel .LBB2_11-.Ltmp5, $1  }
0x95: {  	_ =	sdelay $0x3  }
.LBB2_2:
0x96: {  	[tilespmem:s28], [sflag:$0x3] =	stream.linear.gather [hbm4b:s7+s28], $0x1400, $0x38;
	[tilespmem:$0x1E800] =	vst v63  }
0x97: {  	_ =	swait.ge [sflag:s18], $0x1400  }
0x98: {  	[sflag:s18] =	ssyncset.done $0x0  }
0x99: {  	[sflag:s18] =	ssyncadd.s32 $0xFFFFEC00  }
0x9a: {  	[tilespmem:s19], [sflag:$0x3] =	stream.linear.gather [hbm4b:s8+s28], $0x1400, $0x38;
	[tilespmem:$0x1E800] =	vst v63  }
0x9b: {  	_ =	swait.ge [sflag:s18], $0x1400  }
0x9c: {  	[sflag:s18] =	ssyncset.done $0x0  }
0x9d: {  	[sflag:s18] =	ssyncadd.s32 $0xFFFFEC00  }
0x9e: {  	[tilespmem:s21], [sflag:$0x1] =	stream.indirect.gather [hbm4b:s4+s20], $0x80, s28, s20, $0xb8;
	[tilespmem:$0x1E800] =	vst v63  }
0x9f: {  	_ = 	snop  }
0xa0: {  	[tilespmem:s22], [sflag:$0x2] =	stream.indirect.gather [hbm4b:s4+s20], $0x80, s20, s20, $0xb8;
	[tilespmem:$0x1E800] =	vst v63  }
0xa1: {  	_ =	swait.ge [sflag:s23], $0x4000  }
0xa2: {  	[sflag:s23] =	ssyncset.done $0x0  }
0xa3: {  	s28 =	simm.s32 $0x1400;
	[sflag:s23] =	ssyncadd.s32 $0xFFFFC000  }
0xa4: {  	[spmem:s2] =	stream.indirect.scatter.add.f32 [tilespmem:s21], [sflag:$0x3], $0x80, s28, s20, $0xb8;
	[tilespmem:$0x1E800] =	vst v63  }
0xa5: {  	_ =	swait.ge [sflag:s18], $0x4000  }
0xa6: {  	[sflag:s18] =	ssyncset.done $0x0  }
0xa7: {  	s28 =	simm.s32 $0x100;
	[sflag:s18] =	ssyncadd.s32 $0xFFFFC000  }
0xa8: {  	[tilespmem:s21], [sflag:$0x1] =	stream.indirect.gather [hbm4b:s4+s20], $0x80, s28, s20, $0xb8;
	[tilespmem:$0x1E800] =	vst v63  }
0xa9: {  	_ =	swait.ge [sflag:s24], $0x4000  }
0xaa: {  	[sflag:s24] =	ssyncset.done $0x0  }
0xab: {  	s28 =	simm.s32 $0x1480;
	[sflag:s24] =	ssyncadd.s32 $0xFFFFC000  }
0xac: {  	[spmem:s2] =	stream.indirect.scatter.add.f32 [tilespmem:s22], [sflag:$0x3], $0x80, s28, s20, $0xb8;
	[tilespmem:$0x1E800] =	vst v63  }
0xad: {  	_ =	swait.ge [sflag:s18], $0x4000  }
0xae: {  	[sflag:s18] =	ssyncset.done $0x0  }
0xaf: {  	s29 =	simm.s32 $0x180;
	s28 =	simm.s32 $0x400;
	[sflag:s18] =	ssyncadd.s32 $0xFFFFC000  }
.LBB2_3:
0xb0: {  	[tilespmem:s22], [sflag:$0x2] =	stream.indirect.gather [hbm4b:s4+s20], $0x80, s29, s20, $0xb8;
	[tilespmem:$0x1E800] =	vst v63  }
0xb1: {  	s29 =	smov.u32 s28  }
0xb2: {  	p1 =	sne.s32 s28, $0x4800;
	s28 =	sadd.s32 $0x400, s28;
	_ =	swait.ge [sflag:s23], $0x4000  }
0xb3: {  	s29 =	sshra.s32 s29, $0x2;
	[sflag:s23] =	ssyncset.done $0x0  }
0xb4: {  	s30 =	sadd.s32 $0x1400, s29;
	[sflag:s23] =	ssyncadd.s32 $0xFFFFC000  }
0xb5: {  	[spmem:s2] =	stream.indirect.scatter.add.f32 [tilespmem:s21], [sflag:$0x3], $0x80, s30, s20, $0xb8;
	[tilespmem:$0x1E800] =	vst v63  }
0xb6: {  	_ =	swait.ge [sflag:s18], $0x4000  }
0xb7: {  	[sflag:s18] =	ssyncset.done $0x0  }
0xb8: {  	s30 =	sadd.s32 $0x100, s29;
	[sflag:s18] =	ssyncadd.s32 $0xFFFFC000  }
0xb9: {  	[tilespmem:s21], [sflag:$0x1] =	stream.indirect.gather [hbm4b:s4+s20], $0x80, s30, s20, $0xb8;
	[tilespmem:$0x1E800] =	vst v63  }
0xba: {  	_ =	swait.ge [sflag:s24], $0x4000  }
0xbb: {  	[sflag:s24] =	ssyncset.done $0x0  }
.Ltmp6:
0xbc: {  	s30 =	sadd.s32 $0x1480, s29;
	[sflag:s24] =	ssyncadd.s32 $0xFFFFC000;
	(pc) =	sbr.rel @p1 .LBB2_3-.Ltmp6, $4  }
0xbd: {  	[spmem:s2] =	stream.indirect.scatter.add.f32 [tilespmem:s22], [sflag:$0x3], $0x80, s30, s20, $0xb8;
	[tilespmem:$0x1E800] =	vst v63  }
0xbe: {  	_ =	swait.ge [sflag:s18], $0x4000  }
0xbf: {  	[sflag:s18] =	ssyncset.done $0x0  }
0xc0: {  	s29 =	sadd.s32 $0x180, s29;
	[sflag:s18] =	ssyncadd.s32 $0xFFFFC000  }
0xc1: {  	[tilespmem:s22], [sflag:$0x2] =	stream.indirect.gather [hbm4b:s4+s20], $0x80, s29, s20, $0xb8;
	[tilespmem:$0x1E800] =	vst v63  }
0xc2: {  	_ =	swait.ge [sflag:s23], $0x4000  }
0xc3: {  	[sflag:s23] =	ssyncset.done $0x0  }
0xc4: {  	[sflag:s23] =	ssyncadd.s32 $0xFFFFC000  }
0xc5: {  	[spmem:s2] =	stream.indirect.scatter.add.f32 [tilespmem:s21], [sflag:$0x3], $0x80, s25, s20, $0xb8;
	[tilespmem:$0x1E800] =	vst v63  }
0xc6: {  	_ =	swait.ge [sflag:s18], $0x4000  }
0xc7: {  	[sflag:s18] =	ssyncset.done $0x0  }
0xc8: {  	[sflag:s18] =	ssyncadd.s32 $0xFFFFC000  }
0xc9: {  	_ =	swait.ge [sflag:s24], $0x4000  }
0xca: {  	[sflag:s24] =	ssyncset.done $0x0  }
0xcb: {  	[sflag:s24] =	ssyncadd.s32 $0xFFFFC000  }
0xcc: {  	[spmem:s2] =	stream.indirect.scatter.add.f32 [tilespmem:s22], [sflag:$0x3], $0x80, s26, s20, $0xb8;
	[tilespmem:$0x1E800] =	vst v63  }
0xcd: {  	_ =	swait.ge [sflag:s18], $0x4000  }
0xce: {  	[sflag:s18] =	ssyncset.done $0x0  }
0xcf: {  	s28 =	simm.s32 $0x0;
	[sflag:s18] =	ssyncadd.s32 $0xFFFFC000  }
0xd0: {  	[tilespmem:s28], [sflag:$0x3] =	stream.linear.gather [hbm4b:s9+s28], $0x1400, $0x38;
	[tilespmem:$0x1E800] =	vst v63  }
0xd1: {  	_ =	swait.ge [sflag:s18], $0x1400  }
0xd2: {  	[sflag:s18] =	ssyncset.done $0x0  }
0xd3: {  	[sflag:s18] =	ssyncadd.s32 $0xFFFFEC00  }
0xd4: {  	[tilespmem:s19], [sflag:$0x3] =	stream.linear.gather [hbm4b:s10+s28], $0x1400, $0x38;
	[tilespmem:$0x1E800] =	vst v63  }
0xd5: {  	_ =	swait.ge [sflag:s18], $0x1400  }
0xd6: {  	[sflag:s18] =	ssyncset.done $0x0  }
0xd7: {  	[sflag:s18] =	ssyncadd.s32 $0xFFFFEC00  }
0xd8: {  	[tilespmem:s21], [sflag:$0x1] =	stream.indirect.gather [hbm4b:s4+s20], $0x80, s28, s20, $0xb8;
	[tilespmem:$0x1E800] =	vst v63  }
0xd9: {  	_ = 	snop  }
0xda: {  	[tilespmem:s22], [sflag:$0x2] =	stream.indirect.gather [hbm4b:s4+s20], $0x80, s20, s20, $0xb8;
	[tilespmem:$0x1E800] =	vst v63  }
0xdb: {  	_ =	swait.ge [sflag:s23], $0x4000  }
0xdc: {  	[sflag:s23] =	ssyncset.done $0x0  }
0xdd: {  	s28 =	simm.s32 $0x1400;
	[sflag:s23] =	ssyncadd.s32 $0xFFFFC000  }
0xde: {  	[spmem:s2] =	stream.indirect.scatter.add.f32 [tilespmem:s21], [sflag:$0x3], $0x80, s28, s20, $0xb8;
	[tilespmem:$0x1E800] =	vst v63  }
0xdf: {  	_ =	swait.ge [sflag:s18], $0x4000  }
0xe0: {  	[sflag:s18] =	ssyncset.done $0x0  }
0xe1: {  	s28 =	simm.s32 $0x100;
	[sflag:s18] =	ssyncadd.s32 $0xFFFFC000  }
0xe2: {  	[tilespmem:s21], [sflag:$0x1] =	stream.indirect.gather [hbm4b:s4+s20], $0x80, s28, s20, $0xb8;
	[tilespmem:$0x1E800] =	vst v63  }
0xe3: {  	_ =	swait.ge [sflag:s24], $0x4000  }
0xe4: {  	[sflag:s24] =	ssyncset.done $0x0  }
0xe5: {  	s28 =	simm.s32 $0x1480;
	[sflag:s24] =	ssyncadd.s32 $0xFFFFC000  }
0xe6: {  	[spmem:s2] =	stream.indirect.scatter.add.f32 [tilespmem:s22], [sflag:$0x3], $0x80, s28, s20, $0xb8;
	[tilespmem:$0x1E800] =	vst v63  }
0xe7: {  	_ =	swait.ge [sflag:s18], $0x4000  }
0xe8: {  	[sflag:s18] =	ssyncset.done $0x0  }
0xe9: {  	s29 =	simm.s32 $0x180;
	s28 =	simm.s32 $0x400;
	[sflag:s18] =	ssyncadd.s32 $0xFFFFC000  }
.LBB2_5:
0xea: {  	[tilespmem:s22], [sflag:$0x2] =	stream.indirect.gather [hbm4b:s4+s20], $0x80, s29, s20, $0xb8;
	[tilespmem:$0x1E800] =	vst v63  }
0xeb: {  	s29 =	smov.u32 s28  }
0xec: {  	p1 =	seq.s32 s28, $0x4800;
	s28 =	sadd.s32 $0x400, s28;
	_ =	swait.ge [sflag:s23], $0x4000  }
0xed: {  	s29 =	sshra.s32 s29, $0x2;
	[sflag:s23] =	ssyncset.done $0x0  }
0xee: {  	s30 =	sadd.s32 $0x1400, s29;
	[sflag:s23] =	ssyncadd.s32 $0xFFFFC000  }
0xef: {  	[spmem:s2] =	stream.indirect.scatter.add.f32 [tilespmem:s21], [sflag:$0x3], $0x80, s30, s20, $0xb8;
	[tilespmem:$0x1E800] =	vst v63  }
0xf0: {  	_ =	swait.ge [sflag:s18], $0x4000  }
0xf1: {  	[sflag:s18] =	ssyncset.done $0x0  }
0xf2: {  	s30 =	sadd.s32 $0x100, s29;
	[sflag:s18] =	ssyncadd.s32 $0xFFFFC000  }
0xf3: {  	[tilespmem:s21], [sflag:$0x1] =	stream.indirect.gather [hbm4b:s4+s20], $0x80, s30, s20, $0xb8;
	[tilespmem:$0x1E800] =	vst v63  }
0xf4: {  	_ =	swait.ge [sflag:s24], $0x4000  }
0xf5: {  	[sflag:s24] =	ssyncset.done $0x0  }
.Ltmp7:
0xf6: {  	s30 =	sadd.s32 $0x1480, s29;
	[sflag:s24] =	ssyncadd.s32 $0xFFFFC000;
	(pc) =	sbr.rel @!p1 .LBB2_5-.Ltmp7, $4  }
0xf7: {  	[spmem:s2] =	stream.indirect.scatter.add.f32 [tilespmem:s22], [sflag:$0x3], $0x80, s30, s20, $0xb8;
	[tilespmem:$0x1E800] =	vst v63  }
0xf8: {  	_ =	swait.ge [sflag:s18], $0x4000  }
0xf9: {  	[sflag:s18] =	ssyncset.done $0x0  }
0xfa: {  	s29 =	sadd.s32 $0x180, s29;
	[sflag:s18] =	ssyncadd.s32 $0xFFFFC000  }
.Ltmp8:
0xfb: {  	(pc) =	sbr.rel .LBB2_12-.Ltmp8, $2  }
0xfc: {  	_ =	sdelay $0x2  }
0xfd: {  	[tilespmem:s22], [sflag:$0x2] =	stream.indirect.gather [hbm4b:s4+s20], $0x80, s29, s20, $0xb8;
	[tilespmem:$0x1E800] =	vst v63  }
.LBB2_13:
0xfe: {  	_ =	sfence.sel $0x180000  }
0xff: {  	[bflag:$0x0] =	sbarrier.arrive $0xFFFF  }
0x100: {  	p0 =	sne.s32 s1, $0x0;
	_ =	strace $0x9000004D  }
0x101: {  	s0 =	sadd.s32 @!p0 $0x100000, s0;
	[bflag:$0x2] =	sbarrier.arrive $0xFFFF  }
0x102: {  	[sflag:s0] =	ssyncadd.tile.s32 @!p0 $0x1;
	_ =	shalt  }
.Lfunc_end2:
_tile_overlayer_lowered:
.L_overlay_start_2:
0x103: {  	(tag) =	ssettag $0x2  }
0x104: {  	s0 =	rddreg [dreg:$0x0];
	s2 =	stileid.u32  }
0x105: {  	s1 =	rddreg [dreg:$0x1];
	p0 =	sne.s32 s2, $0x0  }
0x106: {  	s3 =	rddreg [dreg:$0x2];
	[bflag:$0x3] =	sbarrier.arrive $0xFFFF;
	s2 =	simm.s32 @!p0 $0x1C03  }
0x107: {  	[timem:s3], [sflag:s2] =	dma.local @!p0 [hbm:s0], s1  }
0x108: {  	s0 =	simm.s32 @!p0 $0x3  }
0x109: {  	_ =	swait.ge @!p0 [sflag:s0], s1  }
0x10a: {  	s1 =	ssub.s32 @!p0 $0x0, s1;
	[sflag:s0] =	ssyncset.done @!p0 $0x0  }
0x10b: {  	[sflag:s0] =	ssyncadd.s32 @!p0 s1  }
0x10c: {  	[bflag:$0x3] =	sbarrier.arrive $0xFFFF  }
0x10d: {  	_ =	shalt  }

// kernel: kernel.8.cloned.1.call-start
scs
__scs_entry_jumppad:
0x0: {  	(pc) =	sbr.rel $0x88, $3  }
0x1: {  	(tag) =	ssettag $0x0;
	lr =	simm.s32 $0x1  }
0x2: {  	[smem:$0x3F9B] =	sst lr;
	_ =	strace $0xD0000000  }
0x3: {  	_ = 	snop  }
0x4: {  	_ = 	snop  }
0x5: {  	_ = 	snop  }
0x6: {  	_ = 	snop  }
0x7: {  	_ = 	snop  }
__scs_overlays_trampoline_lowered:
0x8: {  	[smem:$0x3FAA] =	sst s0  }
0x9: {  	[smem:$0x3FAB] =	sst s1  }
0xa: {  	[smem:$0x3FAC] =	sst s2  }
0xb: {  	[smem:$0x3FAD] =	sst s3  }
0xc: {  	[smem:$0x3FAE] =	sst s4  }
0xd: {  	[smem:$0x3FAF] =	sst s5  }
0xe: {  	[smem:$0x3FB0] =	sst s6  }
0xf: {  	[smem:$0x3FB1] =	sst s7  }
0x10: {  	[smem:$0x3FB2] =	sst s8  }
0x11: {  	[smem:$0x3FB3] =	sst s9;
	s0 =	simm.s32 @!p0 $0x0  }
0x12: {  	s1 =	sld [smem:$0x3F99];
	s0 =	simm.s32 @p0 $0x1  }
0x13: {  	[smem:$0x3FB4] =	sst s0;
	s0 =	simm.s32 @!p1 $0x0  }
0x14: {  	s2 =	sld [smem:$0x3F98];
	s0 =	simm.s32 @p1 $0x1  }
0x15: {  	[smem:$0x3FB5] =	sst s0;
	s0 =	simm.s32 @!p2 $0x0  }
0x16: {  	s3 =	sld [smem:$0x3FDB];
	s0 =	simm.s32 @p2 $0x1  }
0x17: {  	s4 =	simm.s32 $0x1BF5;
	[smem:$0x3FB7] =	sst s0  }
0x18: {  	s0 =	sld [smem:$0x3F9A];
	_ =	swait.ge [sflag:s4], $0x0  }
0x19: {  	s7 =	sld [smem:$0x3F9B]  }
0x1a: {  	s8 =	sadd.s32 $0xFFFFE003, lr  }
0x1b: {  	s9 =	sadd.s32 $0xFFFFFEF7, lr;
	s5 =	simm.s32 $0xFFFFFFFF;
	p2 =	slt.u32 s8, $0xFFFFF086  }
0x1c: {  	p1 =	slt.u32 s9, $0xF7A;
	s5 =	simm.s32 @!p2 $0x0  }
0x1d: {  	s5 =	simm.s32 @p1 $0x1;
	p0 =	seq.s32 s7, s2  }
0x1e: {  	s7 =	smul.u32 @!p0 $0xF7A, s2;
	p2 =	seq.s32 @!p0 s5, $0x0  }
0x1f: {  	s9 =	smul.u32 $0xF7A, s1;
	s8 =	simm.s32 @!p0 $0x1BF5;
	p2 =	por !p2, p0  }
0x20: {  	[sflag:s8] =	ssyncset.s32 @!p0 $0xFFFFF086;
	s6 =	sadd.s32 @!p0 s3, s7;
	s7 =	simm.s32 @!p0 $0x108  }
0x21: {  	s3 =	sadd.s32 s3, s9;
	s6 =	sadd.s32 @!p0 $0x88, s6;
	s7 =	simm.s32 @p2 $0x1082  }
0x22: {  	[simem:s7], [sflag:s8] =	dma.local @!p0 [hbm:s6], $0xF7A  }
0x23: {  	s9 =	sor.u32 $0xD0000000, s2;
	s6 =	simm.s32 $0x108;
	_ =	swait.ge @!p0 [sflag:s8], $0x0  }
0x24: {  	s3 =	sadd.s32 $0x88, s3;
	s6 =	simm.s32 @!p1 $0x1082;
	[sflag:s4] =	ssyncset.s32 $0xFFFFF086  }
0x25: {  	[simem:s6], [sflag:s4] =	dma.local [hbm:s3], $0xF7A  }
0x26: {  	[smem:$0x3F9B] =	sst s1;
	(tag) =	ssettag s2;
	_ =	strace s9  }
0x27: {  	s1 =	sld [smem:$0x3FAB]  }
0x28: {  	s2 =	sld [smem:$0x3FAC]  }
0x29: {  	s4 =	sld [smem:$0x3FAE]  }
0x2a: {  	p0 =	seq.s32 s5, $0x0;
	s5 =	sld [smem:$0x3FAF]  }
0x2b: {  	s6 =	sld [smem:$0x3FB0]  }
0x2c: {  	s7 =	sld [smem:$0x3FB1]  }
0x2d: {  	s3 =	simm.s32 $0x108;
	s8 =	sld [smem:$0x3FB2]  }
0x2e: {  	s3 =	simm.s32 @!p0 $0x1082;
	s9 =	sld [smem:$0x3FB3]  }
0x2f: {  	lr =	sadd.s32 s0, s3;
	s0 =	sld [smem:$0x3FAA]  }
0x30: {  	s3 =	sld [smem:$0x3FAD]  }
0x31: {  	[smem:$0x3FB6] =	sst s10  }
0x32: {  	s10 =	sld [smem:$0x3FB4];
	_ =	sdelay $0x3  }
0x33: {  	p0 =	seq.s32 s10, $0x1;
	s10 =	sld [smem:$0x3FB6];
	_ =	sdelay $0x3  }
0x34: {  	[smem:$0x3FB6] =	sst s10  }
0x35: {  	s10 =	sld [smem:$0x3FB5];
	_ =	sdelay $0x3  }
0x36: {  	p1 =	seq.s32 s10, $0x1;
	s10 =	sld [smem:$0x3FB6];
	_ =	sdelay $0x3  }
0x37: {  	[smem:$0x3FB6] =	sst s10  }
0x38: {  	s10 =	sld [smem:$0x3FB7]  }
0x39: {  	_ = 	snop;
	(pc) =	sbr.ind lr, $3  }
0x3a: {  	_ = 	snop  }
0x3b: {  	_ = 	snop  }
0x3c: {  	p2 =	seq.s32 s10, $0x1;
	s10 =	sld [smem:$0x3FB6]  }
0x3d: {  	_ =	shalt  }
0x3e: {  	_ =	shalt  }
0x3f: {  	_ =	shalt  }
0x40: {  	_ =	shalt  }
0x41: {  	_ =	shalt  }
0x42: {  	_ =	shalt  }
0x43: {  	_ =	shalt  }
0x44: {  	_ =	shalt  }
0x45: {  	_ =	shalt  }
0x46: {  	_ =	shalt  }
0x47: {  	_ =	shalt  }
0x48: {  	_ =	shalt  }
0x49: {  	_ =	shalt  }
0x4a: {  	_ =	shalt  }
0x4b: {  	_ =	shalt  }
0x4c: {  	_ =	shalt  }
0x4d: {  	_ =	shalt  }
0x4e: {  	_ =	shalt  }
0x4f: {  	_ =	shalt  }
0x50: {  	_ =	shalt  }
0x51: {  	_ =	shalt  }
0x52: {  	_ =	shalt  }
0x53: {  	_ =	shalt  }
0x54: {  	_ =	shalt  }
0x55: {  	_ =	shalt  }
0x56: {  	_ =	shalt  }
0x57: {  	_ =	shalt  }
0x58: {  	_ =	shalt  }
0x59: {  	_ =	shalt  }
0x5a: {  	_ =	shalt  }
0x5b: {  	_ =	shalt  }
0x5c: {  	_ =	shalt  }
0x5d: {  	_ =	shalt  }
0x5e: {  	_ =	shalt  }
0x5f: {  	_ =	shalt  }
0x60: {  	_ =	shalt  }
0x61: {  	_ =	shalt  }
0x62: {  	_ =	shalt  }
0x63: {  	_ =	shalt  }
0x64: {  	_ =	shalt  }
0x65: {  	_ =	shalt  }
0x66: {  	_ =	shalt  }
0x67: {  	_ =	shalt  }
0x68: {  	_ =	shalt  }
0x69: {  	_ =	shalt  }
0x6a: {  	_ =	shalt  }
0x6b: {  	_ =	shalt  }
0x6c: {  	_ =	shalt  }
0x6d: {  	_ =	shalt  }
0x6e: {  	_ =	shalt  }
0x6f: {  	_ =	shalt  }
0x70: {  	_ =	shalt  }
0x71: {  	_ =	shalt  }
0x72: {  	_ =	shalt  }
0x73: {  	_ =	shalt  }
0x74: {  	_ =	shalt  }
0x75: {  	_ =	shalt  }
0x76: {  	_ =	shalt  }
0x77: {  	_ =	shalt  }
0x78: {  	_ =	shalt  }
0x79: {  	_ =	shalt  }
0x7a: {  	_ =	shalt  }
0x7b: {  	_ =	shalt  }
0x7c: {  	_ =	shalt  }
0x7d: {  	_ =	shalt  }
0x7e: {  	_ =	shalt  }
0x7f: {  	_ =	shalt  }
0x80: {  	_ =	shalt  }
0x81: {  	_ =	shalt  }
0x82: {  	_ =	shalt  }
0x83: {  	_ =	shalt  }
0x84: {  	_ =	shalt  }
0x85: {  	_ =	shalt  }
0x86: {  	_ =	shalt  }
0x87: {  	_ =	shalt  }
.Lfunc_end0:
.L_simem_size_0:
called_computation_lowered:
.L_overlay_start_0:
0x88: {  	s2 =	sld [smem:$0x3FD9]  }
0x89: {  	s3 =	sld [smem:$0x3FFE];
	_ =	sdelay $0x1  }
0x8a: {  	s1 =	srdreg.scid  }
0x8b: {  	s0 =	sand.u32 $0x1, s1  }
0x8c: {  	s16 =	sshll.u32 s0, $0xA;
	s2 =	sadd.s32 s3, s2  }
0x8d: {  	s2 =	sadd.s32 s2, s16  }
0x8e: {  	[smem:$0x3FC2] =	sst s2  }
0x8f: {  	_ = 	snop  }
0x90: {  	(tm) =	ssettm $0x1  }
0x91: {  	s17 =	sld [smem:$0x3FFB];
	_ =	sdelay $0x3  }
0x92: {  	_ =	strace s17  }
0x93: {  	s2 =	sld [smem:$0x3FFC];
	_ =	sdelay $0x3  }
0x94: {  	_ =	strace s2  }
0x95: {  	s2 =	sld [smem:$0x3FFD];
	_ =	sdelay $0x3  }
0x96: {  	_ =	strace s2  }
0x97: {  	_ =	strace $0x8FFFFFFF  }
0x98: {  	s18 =	sld [smem:$0x3FDB];
	_ =	sdelay $0x1  }
0x99: {  	s19 =	simm.s32 $_scs_section_size  }
0x9a: {  	s4 =	simm.s32 $_size__tile_overlayer_lowered;
	s5 =	simm.s32 $_tile_overlayer_lowered  }
0x9b: {  	s22 =	simm.s32 $0x1BFF;
	s21 =	sshll.u32 s5, $0x1;
	s2 =	sadd.s32 s19, s18  }
0x9c: {  	s6 =	simm.s32 $0x0;
	s20 =	sshll.u32 s4, $0x1;
	s4 =	sadd.s32 s21, s2  }
0x9d: {  	[timem:s6], [sflag:s22] =	dma.local [hbm:s4], s20  }
0x9e: {  	_ =	swait.ge [sflag:s22], s20  }
0x9f: {  	s3 =	ssub.s32 $0x0, s20;
	[sflag:s22] =	ssyncset.done $0x0  }
0xa0: {  	[sflag:s22] =	ssyncadd.s32 s3;
	_ =	sdelay $0x1  }
0xa1: {  	s23 =	simm.s32 $0x1B8B  }
0xa2: {  	_ =	swait.ge [sflag:s23], $0x1  }
0xa3: {  	[sflag:s23] =	ssyncset.done $0x0  }
0xa4: {  	s25 =	simm.s32 $0x1B8E;
	s24 =	sld [smem:$0x3FFE];
	[sflag:s23] =	ssyncadd.s32 $0xFFFFFFFF  }
0xa5: {  	s26 =	simm.s32 $execute0_lowered;
	[smem:$0x3FD2] =	sst s25  }
0xa6: {  	s4 =	sshll.u32 s26, $0x1;
	_ =	strace $0x80000046;
	[dreg:$0x1] =	wrdreg $0xFFFFFFFF  }
0xa7: {  	s28 =	simm.s32 $_size_execute0_lowered;
	s2 =	sadd.s32 s2, s4;
	[dreg:$0x0] =	wrdreg $0x0  }
0xa8: {  	s4 =	sshll.u32 s28, $0x1;
	[dreg:$0x2] =	wrdreg s2  }
0xa9: {  	[dreg:$0x3] =	wrdreg s4  }
0xaa: {  	[dreg:$0x4] =	wrdreg $0xC0  }
0xab: {  	_ =	task [dreg:s6], $0x5FFFF  }
0xac: {  	[dreg:$0x1] =	wrdreg $0xFFFFFFFF  }
0xad: {  	[dreg:$0x0] =	wrdreg $0x60  }
0xae: {  	[dreg:$0x2] =	wrdreg s24  }
0xaf: {  	[dreg:$0x3] =	wrdreg $0x7A800  }
0xb0: {  	[dreg:$0x4] =	wrdreg $0x9  }
0xb1: {  	_ =	task.clear_ibuf [dreg:s6], $0x5FFFF;
	_ =	strace $0x90000046  }
0xb2: {  	s29 =	simm.s32 $0x9;
	_ =	strace $0x80000048  }
0xb3: {  	_ =	swait.ge [sflag:s29], $0x1  }
0xb4: {  	[sflag:s29] =	ssyncadd.s32 $0xFFFFFFFF  }
0xb5: {  	_ =	strace $0x90000048  }
0xb6: {  	_ =	sfence  }
0xb7: {  	s30 =	sld [smem:$0x0];
	_ =	sdelay $0x2  }
0xb8: {  	s31 =	sshll.u32 s1, $0xD;
	s1 =	sshrl.u32 s1, $0x2  }
0xb9: {  	s3 =	sand.u32 $0x4000, s31;
	s1 =	sadd.s32 s1, s30  }
0xba: {  	s0 =	sor.u32 s3, s0;
	s1 =	sshll.u32 s1, $0x11  }
0xbb: {  	s0 =	sor.u32 s1, s0  }
0xbc: {  	s0 =	sadd.s32 $0x8F2B, s0  }
0xbd: {  	[sflag:s0] =	ssyncadd.remote.s32 $0x1  }
0xbe: {  	_ =	sfence.sel $0xFFFF  }
0xbf: {  	[dreg:$0x0] =	wrdreg $0xFFFFFFFF;
	(pc) =	sbr.abs _section_cstart, $3  }
0xc0: {  	[dreg:$0x1] =	wrdreg $0xFFFFFFFF  }
0xc1: {  	_ =	task.clear_ibuf [dreg:s6], $0x2FFFF;
	_ =	strace $0x9FFFFFFF  }
0xc2: {  	(tm) =	ssettm $0x7FFFFFFF  }
0xc3: {  	_ =	shalt  }
tec
execute0_lowered:
.L_overlay_start_1:
0x0: {  	(tag) =	ssettag $0x1  }
0x1: {  	s3 =	rddreg [dreg:$0x0]  }
0x2: {  	s5 =	rddreg [dreg:$0x1]  }
0x3: {  	s0 =	rddreg [dreg:$0x2];
	s4 =	srdreg.scid  }
0x4: {  	s1 =	stileid.u32;
	s2 =	simm.s32 $0x0;
	s12 =	simm.s32 $0x1400  }
0x5: {  	s13 =	simm.s32 $0x14000;
	s14 =	simm.s32 $0x5000;
	s15 =	simm.s32 $0x7800  }
0x6: {  	s16 =	simm.s32 $0x0;
	s4 =	sand.u32 $0x1, s4;
	s6 =	smul.u32 $0x280, s1  }
0x7: {  	[smem:$0x7FF] =	sst s2;
	s28 =	sshrl.u32 s1, $0x3;
	s10 =	smul.u32 $0x5000, s1  }
0x8: {  	s9 =	sshll.u32 s1, $0x7;
	s7 =	sshll.u32 s4, $0x4;
	s8 =	smul.u32 $0x2800, s4  }
0x9: {  	_ =	strace $0x80000047;
	s4 =	ssub.s32 $0x2, s4;
	s7 =	sor.u32 s1, s7  }
0xa: {  	s30 =	sand.u32 $0x380, s9;
	s9 =	simm.s32 $0x2800;
	s7 =	smul.u32 $0x500, s7  }
0xb: {  	s29 =	sshrl.u32 s4, $0x1;
	s6 =	sadd.s32 s6, s8;
	s8 =	smul.u32 $0x50000, s28  }
0xc: {  	s31 =	sshrl.u32 s10, $0x2;
	s10 =	simm.s32 $0x80;
	s11 =	ssub.s32 s4, s29  }
0xd: {  	s6 =	sshrl.u32 s6, $0x3;
	s7 =	sadd.s32 s7, s3;
	s8 =	sshrl.u32 s8, $0x2  }
0xe: {  	s6 =	sadd.s32 s6, s3;
	s8 =	sadd.s32 s8, s5;
	s3 =	sadd.s32 $0x2800, s7  }
0xf: {  	s5 =	sadd.s32 s31, s5;
	s6 =	sadd.s32 $0xC800, s6;
	s7 =	smax.u32 s11, $0x1  }
0x10: {  	v0 =	vimm.f32 $0.0e+00;
	v1 =	vimm.f32 $1.000000000e+00;
	s11 =	simm.s32 $0x400;
	s4 =	sadd.s32 s30, s8;
	s8 =	simm.s32 $0x1  }
.LBB2_1:
0x11: {  	[tilespmem:s2], [sflag:$0x1] =	stream.linear.gather [hbm4b:s3+s2], $0x2800, $0x38;
	[tilespmem:$0xA280] =	vst v63  }
0x12: {  	_ =	swait.ge [sflag:s8], $0x2800  }
0x13: {  	[sflag:s8] =	ssyncset.done $0x0  }
0x14: {  	s17 =	simm.s32 $0x0;
	[sflag:s8] =	ssyncadd.s32 $0xFFFFD800  }
.LBB2_2:
0x15: {  	p0 =	sne.s32 s17, $0x9FC0  }
.Ltmp0:
0x16: {  	_ = 	snop;
	(pc) =	sbr.rel @p0 .LBB2_2-.Ltmp0, $3  }
0x17: {  	_ =	sdelay $0x1  }
0x18: {  	s18 =	sshra.s32 s17, $0x2  }
0x19: {  	s17 =	sadd.s32 $0x40, s17;
	[tilespmem:s18+$0x2800] =	vst v0  }
0x1a: {  	s17 =	simm.s32 $0x1C0  }
.LBB2_4:
0x1b: {  	s18 =	sshra.s32 s17, $0x2  }
0x1c: {  	v2 =	vld [tilespmem:s18+$0xFFFFFF90];
	_ =	sdelay $0x7  }
0x1d: {  	[tilespmem:v2+s9+$0x0] =	vst.idx.add.f32.msk $0xffff, v1  }
0x1e: {  	v2 =	vld [tilespmem:s18+$0xFFFFFFA0];
	_ =	sdelay $0x7  }
0x1f: {  	[tilespmem:v2+s9+$0x0] =	vst.idx.add.f32.msk $0xffff, v1  }
0x20: {  	v2 =	vld [tilespmem:s18+$0xFFFFFFB0];
	_ =	sdelay $0x7  }
0x21: {  	[tilespmem:v2+s9+$0x0] =	vst.idx.add.f32.msk $0xffff, v1  }
0x22: {  	v2 =	vld [tilespmem:s18+$0xFFFFFFC0];
	_ =	sdelay $0x7  }
0x23: {  	[tilespmem:v2+s9+$0x0] =	vst.idx.add.f32.msk $0xffff, v1  }
0x24: {  	v2 =	vld [tilespmem:s18+$0xFFFFFFD0];
	_ =	sdelay $0x7  }
0x25: {  	[tilespmem:v2+s9+$0x0] =	vst.idx.add.f32.msk $0xffff, v1  }
0x26: {  	v2 =	vld [tilespmem:s18+$0xFFFFFFE0];
	_ =	sdelay $0x7  }
0x27: {  	[tilespmem:v2+s9+$0x0] =	vst.idx.add.f32.msk $0xffff, v1  }
0x28: {  	v2 =	vld [tilespmem:s18+$0xFFFFFFF0];
	_ =	sdelay $0x7  }
0x29: {  	[tilespmem:v2+s9+$0x0] =	vst.idx.add.f32.msk $0xffff, v1  }
0x2a: {  	v2 =	vld [tilespmem:s18+$0x0];
	_ =	sdelay $0x2  }
0x2b: {  	p0 =	sne.s32 s17, $0x9FC0  }
.Ltmp1:
0x2c: {  	_ = 	snop;
	(pc) =	sbr.rel @p0 .LBB2_4-.Ltmp1, $2  }
0x2d: {  	_ =	sdelay $0x2  }
0x2e: {  	s17 =	sadd.s32 $0x200, s17;
	[tilespmem:v2+s9+$0x0] =	vst.idx.add.f32.msk $0xffff, v1  }
0x2f: {  	[spmem:s4] =	stream.strided.scatter [tilespmem:s9], [sflag:$0x1], $0x2800, s11, s10, $0x38;
	[tilespmem:$0xA280] =	vst v63  }
0x30: {  	_ =	swait.ge [sflag:s8], $0x2800  }
0x31: {  	[sflag:s8] =	ssyncset.done $0x0  }
0x32: {  	[sflag:s8] =	ssyncadd.s32 $0xFFFFD800  }
0x33: {  	[bflag:$0x0] =	sbarrier.arrive $0xFFFF  }
0x34: {  	[tilespmem:s14], [sflag:$0x1] =	stream.strided.gather [spmem:s5], $0x2800, s13, s12, $0x38;
	[tilespmem:$0xA280] =	vst v63  }
0x35: {  	s17 =	simm.s32 $0x0;
	_ =	swait.ge [sflag:s8], $0x2800  }
0x36: {  	s18 =	sand.u32 $0x70, s17;
	s17 =	sand.u32 $0x1C00, s17;
	[sflag:s8] =	ssyncset.done $0x0  }
0x37: {  	s17 =	sor.u32 s18, s17;
	[sflag:s8] =	ssyncadd.s32 $0xFFFFD800  }
0x38: {  	v2 =	vld [tilespmem:s17+$0x5080]  }
0x39: {  	v3 =	vld [tilespmem:s17+$0x5000];
	_ =	sdelay $0x1  }
0x3a: {  	v4 =	vld [tilespmem:s17+$0x5100];
	_ =	sdelay $0x1  }
0x3b: {  	v5 =	vld [tilespmem:s17+$0x5180]  }
0x3c: {  	v2 =	vadd.f32 v2, v3  }
0x3d: {  	v3 =	vld [tilespmem:s17+$0x5200]  }
0x3e: {  	v2 =	vadd.f32 v4, v2  }
0x3f: {  	v56 =	vld [tilespmem:s17+$0x5280]  }
0x40: {  	v2 =	vadd.f32 v5, v2  }
0x41: {  	v57 =	vld [tilespmem:s17+$0x5300]  }
0x42: {  	v2 =	vadd.f32 v3, v2  }
0x43: {  	v3 =	vld [tilespmem:s17+$0x5380]  }
0x44: {  	v2 =	vadd.f32 v56, v2  }
0x45: {  	v58 =	vld [tilespmem:s17+$0x6400]  }
0x46: {  	v2 =	vadd.f32 v57, v2  }
0x47: {  	v59 =	vld [tilespmem:s17+$0x6480]  }
0x48: {  	v2 =	vadd.f32 v3, v2  }
0x49: {  	v3 =	vld [tilespmem:s17+$0x6500]  }
0x4a: {  	v2 =	vadd.f32 v58, v2  }
0x4b: {  	v60 =	vld [tilespmem:s17+$0x6580]  }
0x4c: {  	v2 =	vadd.f32 v59, v2  }
0x4d: {  	v61 =	vld [tilespmem:s17+$0x6600]  }
0x4e: {  	v2 =	vadd.f32 v3, v2  }
0x4f: {  	v3 =	vld [tilespmem:s17+$0x6680]  }
0x50: {  	v2 =	vadd.f32 v60, v2  }
0x51: {  	v62 =	vld [tilespmem:s17+$0x6700]  }
0x52: {  	v2 =	vadd.f32 v61, v2  }
0x53: {  	v63 =	vld [tilespmem:s17+$0x6780]  }
0x54: {  	v2 =	vadd.f32 v3, v2;
	_ =	sdelay $0x1  }
0x55: {  	v2 =	vadd.f32 v62, v2;
	_ =	sdelay $0x1  }
0x56: {  	s31 =	simm.s32 $0x10;
	s19 =	simm.s32 $0x80;
	v2 =	vadd.f32 v63, v2  }
0x57: {  	s20 =	sand.u32 $0x1C00, s19;
	s18 =	sand.u32 $0x70, s31;
	s17 =	simm.s32 $0x7800  }
0x58: {  	s18 =	sor.u32 s18, s20;
	s20 =	simm.s32 $0x20;
	[tilespmem:s17+$0x0] =	vst v2  }
.LBB2_6:
0x59: {  	p0 =	sne.s32 s20, $0x270;
	v2 =	vld [tilespmem:s18+$0x5080]  }
0x5a: {  	v3 =	vld [tilespmem:s18+$0x5000];
	_ =	sdelay $0x1  }
0x5b: {  	v4 =	vld [tilespmem:s18+$0x5100];
	_ =	sdelay $0x1  }
0x5c: {  	v5 =	vld [tilespmem:s18+$0x5180]  }
0x5d: {  	v2 =	vadd.f32 v2, v3  }
0x5e: {  	v3 =	vld [tilespmem:s18+$0x5200]  }
0x5f: {  	v2 =	vadd.f32 v4, v2  }
0x60: {  	v4 =	vld [tilespmem:s18+$0x5280]  }
0x61: {  	v2 =	vadd.f32 v5, v2  }
0x62: {  	v5 =	vld [tilespmem:s18+$0x5300]  }
0x63: {  	v2 =	vadd.f32 v3, v2  }
0x64: {  	v3 =	vld [tilespmem:s18+$0x5380]  }
0x65: {  	v2 =	vadd.f32 v4, v2  }
0x66: {  	v4 =	vld [tilespmem:s18+$0x6400]  }
0x67: {  	v2 =	vadd.f32 v5, v2  }
0x68: {  	v5 =	vld [tilespmem:s18+$0x6480]  }
0x69: {  	v2 =	vadd.f32 v3, v2  }
0x6a: {  	v3 =	vld [tilespmem:s18+$0x6500]  }
0x6b: {  	v2 =	vadd.f32 v4, v2  }
0x6c: {  	v4 =	vld [tilespmem:s18+$0x6580]  }
0x6d: {  	v2 =	vadd.f32 v5, v2  }
0x6e: {  	v5 =	vld [tilespmem:s18+$0x6600]  }
0x6f: {  	v2 =	vadd.f32 v3, v2  }
0x70: {  	v3 =	vld [tilespmem:s18+$0x6680]  }
0x71: {  	v2 =	vadd.f32 v4, v2  }
0x72: {  	v4 =	vld [tilespmem:s18+$0x6700]  }
0x73: {  	v2 =	vadd.f32 v5, v2  }
0x74: {  	v5 =	vld [tilespmem:s18+$0x6780]  }
0x75: {  	v2 =	vadd.f32 v3, v2;
	_ =	sdelay $0x1  }
.Ltmp2:
0x76: {  	v2 =	vadd.f32 v4, v2;
	(pc) =	sbr.rel @p0 .LBB2_6-.Ltmp2, $4  }
0x77: {  	_ = 	snop  }
0x78: {  	s19 =	sadd.s32 $0x80, s19;
	v2 =	vadd.f32 v5, v2  }
0x79: {  	s17 =	sadd.s32 $0x10, s17;
	s21 =	sand.u32 $0x1C00, s19;
	s18 =	sand.u32 $0x70, s20  }
0x7a: {  	s20 =	sadd.s32 $0x10, s20;
	s18 =	sor.u32 s18, s21;
	[tilespmem:s17+$0x0] =	vst v2  }
0x7b: {  	v2 =	vld [tilespmem:s18+$0x5080]  }
0x7c: {  	v3 =	vld [tilespmem:s18+$0x5000];
	_ =	sdelay $0x1  }
0x7d: {  	v4 =	vld [tilespmem:s18+$0x5100];
	_ =	sdelay $0x1  }
0x7e: {  	v5 =	vld [tilespmem:s18+$0x5180]  }
0x7f: {  	v2 =	vadd.f32 v2, v3  }
0x80: {  	v3 =	vld [tilespmem:s18+$0x5200]  }
0x81: {  	v2 =	vadd.f32 v4, v2  }
0x82: {  	v56 =	vld [tilespmem:s18+$0x5280]  }
0x83: {  	v2 =	vadd.f32 v5, v2  }
0x84: {  	v57 =	vld [tilespmem:s18+$0x5300]  }
0x85: {  	v2 =	vadd.f32 v3, v2  }
0x86: {  	v3 =	vld [tilespmem:s18+$0x5380]  }
0x87: {  	v2 =	vadd.f32 v56, v2  }
0x88: {  	v58 =	vld [tilespmem:s18+$0x6400]  }
0x89: {  	v2 =	vadd.f32 v57, v2  }
0x8a: {  	v59 =	vld [tilespmem:s18+$0x6480]  }
0x8b: {  	v2 =	vadd.f32 v3, v2  }
0x8c: {  	v3 =	vld [tilespmem:s18+$0x6500]  }
0x8d: {  	v2 =	vadd.f32 v58, v2  }
0x8e: {  	v60 =	vld [tilespmem:s18+$0x6580]  }
0x8f: {  	v2 =	vadd.f32 v59, v2  }
0x90: {  	v61 =	vld [tilespmem:s18+$0x6600]  }
0x91: {  	v2 =	vadd.f32 v3, v2  }
0x92: {  	v3 =	vld [tilespmem:s18+$0x6680]  }
0x93: {  	v2 =	vadd.f32 v60, v2  }
0x94: {  	v62 =	vld [tilespmem:s18+$0x6700]  }
0x95: {  	v2 =	vadd.f32 v61, v2  }
0x96: {  	v63 =	vld [tilespmem:s18+$0x6780]  }
0x97: {  	v2 =	vadd.f32 v3, v2;
	_ =	sdelay $0x1  }
0x98: {  	v2 =	vadd.f32 v62, v2;
	_ =	sdelay $0x1  }
0x99: {  	s16 =	sadd.s32 $0x1, s16;
	v2 =	vadd.f32 v63, v2  }
0x9a: {  	s17 =	sadd.s32 $0x10, s17;
	p0 =	sne.s32 s16, s7  }
.Ltmp3:
0x9b: {  	[tilespmem:s17+$0x0] =	vst v2;
	(pc) =	sbr.rel @p0 .LBB2_1-.Ltmp3, $4  }
0x9c: {  	[hbm4b:s6+s2] =	stream.linear.scatter [tilespmem:s15], [sflag:$0x1], $0x280, $0x38;
	[tilespmem:$0xA280] =	vst v63  }
0x9d: {  	_ =	swait.ge [sflag:s8], $0x280  }
0x9e: {  	[sflag:s8] =	ssyncset.done $0x0  }
0x9f: {  	[sflag:s8] =	ssyncadd.s32 $0xFFFFFD80  }
0xa0: {  	_ =	sfence.sel $0x180000  }
0xa1: {  	[bflag:$0x0] =	sbarrier.arrive $0xFFFF  }
0xa2: {  	p0 =	sne.s32 s1, $0x0;
	_ =	strace $0x90000047  }
0xa3: {  	s0 =	sadd.s32 @!p0 $0x100000, s0;
	[bflag:$0x2] =	sbarrier.arrive $0xFFFF  }
0xa4: {  	[sflag:s0] =	ssyncadd.tile.s32 @!p0 $0x1;
	_ =	shalt  }
.Lfunc_end2:
_tile_overlayer_lowered:
.L_overlay_start_2:
0xa5: {  	(tag) =	ssettag $0x2  }
0xa6: {  	s0 =	rddreg [dreg:$0x0];
	s2 =	stileid.u32  }
0xa7: {  	s1 =	rddreg [dreg:$0x1];
	p0 =	sne.s32 s2, $0x0  }
0xa8: {  	s3 =	rddreg [dreg:$0x2];
	[bflag:$0x3] =	sbarrier.arrive $0xFFFF;
	s2 =	simm.s32 @!p0 $0x1C01  }
0xa9: {  	[timem:s3], [sflag:s2] =	dma.local @!p0 [hbm:s0], s1  }
0xaa: {  	s0 =	simm.s32 @!p0 $0x1  }
0xab: {  	_ =	swait.ge @!p0 [sflag:s0], s1  }
0xac: {  	s1 =	ssub.s32 @!p0 $0x0, s1;
	[sflag:s0] =	ssyncset.done @!p0 $0x0  }
0xad: {  	[sflag:s0] =	ssyncadd.s32 @!p0 s1  }
0xae: {  	[bflag:$0x3] =	sbarrier.arrive $0xFFFF  }
0xaf: {  	_ =	shalt  }

</sc_bundles>
